<compile_context>
chip_gen: v7x
topology: tpu7x:2x2x1
jax: 0.10.2.dev20260603
libtpu: 0.0.44.dev20260713+nightly
codegen_flags: <defaults>
</compile_context>

<pallas_src>
import jax
import jax.numpy as jnp
import numpy as np
from jax import lax
from jax.experimental import pallas as pl
from jax.experimental.pallas import tpu as pltpu
from jax.experimental.pallas import tpu_sc as plsc

SEQ = 64
IMG = SEQ * SEQ
GRP = 4
NG = SEQ // GRP
GD = GRP * SEQ
BT = 256
IPC = 4

_info = plsc.get_sparse_core_info()
_NC, _NS, _L = _info.num_cores, _info.num_subcores, _info.num_lanes
_NW = _NC * _NS
_CHUNKS = IMG // _L


def _idx_tables():
    c, k = np.meshgrid(np.arange(SEQ), np.arange(SEQ), indexing="ij")
    gather = (k * SEQ + (c - k) % SEQ).reshape(-1).astype(np.int32)
    c, r = np.meshgrid(np.arange(SEQ), np.arange(SEQ), indexing="ij")
    scatter = (r * SEQ + (c - r) % SEQ).reshape(-1).astype(np.int32)
    return gather, scatter


def _gather_body(x_hbm, idx_hbm, z_hbm,
                 idx_v, in0, in1, out0, out1, si0, si1, so0, so1):
    wid = lax.axis_index("s") * _NC + lax.axis_index("c")
    niter = x_hbm.shape[0] // (_NW * IPC)
    base = wid * niter * IPC
    pltpu.sync_copy(idx_hbm, idx_v)
    ins, outs, sis, sos = (in0, in1), (out0, out1), (si0, si1), (so0, so1)

    def issue_in(it, u):
        row = base + it * IPC
        for img in range(IPC):
            pltpu.make_async_copy(
                x_hbm.at[row + img],
                ins[u].at[pl.ds(img * SEQ, SEQ)], sis[u]).start()

    def wait_in(u):
        for img in range(IPC):
            pltpu.make_async_copy(
                x_hbm.at[base],
                ins[u].at[pl.ds(img * SEQ, SEQ)], sis[u]).wait()

    def permute(in_v, out_v):
        @plsc.parallel_loop(0, _CHUNKS, unroll=4)
        def _chunk(q):
            off = q * _L
            f = idx_v[pl.ds(off, _L)]
            fr = lax.shift_right_logical(f, 6)
            fc = f & 63
            for img in range(IPC):
                vals = plsc.load_gather(in_v, [fr + img * SEQ, fc])
                out_v[img, pl.ds(off, _L)] = vals

    issue_in(0, 0)
    issue_in(1, 1)

    def g_body(g, carry):
        for u in (0, 1):
            it = 2 * g + u
            row = base + it * IPC
            wait_in(u)

            @pl.when(it >= 2)
            def _():
                pltpu.make_async_copy(
                    outs[u], z_hbm.at[pl.ds(base, IPC)], sos[u]).wait()

            permute(ins[u], outs[u])
            pltpu.make_async_copy(
                outs[u], z_hbm.at[pl.ds(row, IPC)], sos[u]).start()

            @pl.when(it + 2 < niter)
            def _():
                issue_in(it + 2, u)
        return carry

    lax.fori_loop(0, niter // 2, g_body, 0)
    for u in (0, 1):
        pltpu.make_async_copy(
            outs[u], z_hbm.at[pl.ds(base, IPC)], sos[u]).wait()


def _scatter_body(y_hbm, idx_hbm, o_hbm,
                  idx_v, in0, in1, out0, out1, si0, si1, so0, so1):
    wid = lax.axis_index("s") * _NC + lax.axis_index("c")
    niter = y_hbm.shape[0] // (_NW * IPC)
    base = wid * niter * IPC
    pltpu.sync_copy(idx_hbm, idx_v)
    ins, outs, sis, sos = (in0, in1), (out0, out1), (si0, si1), (so0, so1)

    def issue_out(it, u):
        row = base + it * IPC
        for img in range(IPC):
            pltpu.make_async_copy(
                outs[u].at[pl.ds(img * SEQ, SEQ)],
                o_hbm.at[row + img], sos[u]).start()

    def wait_out(u):
        for img in range(IPC):
            pltpu.make_async_copy(
                outs[u].at[pl.ds(img * SEQ, SEQ)],
                o_hbm.at[base], sos[u]).wait()

    def permute(in_v, out_v):
        @plsc.parallel_loop(0, _CHUNKS, unroll=4)
        def _chunk(q):
            off = q * _L
            f = idx_v[pl.ds(off, _L)]
            fr = lax.shift_right_logical(f, 6)
            fc = f & 63
            for img in range(IPC):
                vals = in_v[img, pl.ds(off, _L)]
                plsc.store_scatter(out_v, [fr + img * SEQ, fc], vals)

    pltpu.make_async_copy(y_hbm.at[pl.ds(base, IPC)], ins[0], sis[0]).start()
    pltpu.make_async_copy(
        y_hbm.at[pl.ds(base + IPC, IPC)], ins[1], sis[1]).start()

    def g_body(g, carry):
        for u in (0, 1):
            it = 2 * g + u
            row = base + it * IPC
            pltpu.make_async_copy(
                y_hbm.at[pl.ds(base, IPC)], ins[u], sis[u]).wait()

            @pl.when(it >= 2)
            def _():
                wait_out(u)

            permute(ins[u], outs[u])
            issue_out(it, u)

            @pl.when(it + 2 < niter)
            def _():
                nrow = base + (it + 2) * IPC
                pltpu.make_async_copy(
                    y_hbm.at[pl.ds(nrow, IPC)], ins[u], sis[u]).start()
        return carry

    lax.fori_loop(0, niter // 2, g_body, 0)
    for u in (0, 1):
        wait_out(u)


def _sc_call(body, arr, idx, out_shape, in_flat):
    mesh = plsc.VectorSubcoreMesh(core_axis_name="c", subcore_axis_name="s")
    in_shape = (IPC * SEQ, SEQ) if not in_flat else (IPC, IMG)
    out_v_shape = (IPC, IMG) if not in_flat else (IPC * SEQ, SEQ)
    fn = pl.kernel(
        body,
        out_type=jax.ShapeDtypeStruct(out_shape, jnp.float32),
        mesh=mesh,
        scratch_types=[
            pltpu.VMEM((IMG,), jnp.int32),
            pltpu.VMEM(in_shape, jnp.float32),
            pltpu.VMEM(in_shape, jnp.float32),
            pltpu.VMEM(out_v_shape, jnp.float32),
            pltpu.VMEM(out_v_shape, jnp.float32),
            pltpu.SemaphoreType.DMA,
            pltpu.SemaphoreType.DMA,
            pltpu.SemaphoreType.DMA,
            pltpu.SemaphoreType.DMA,
        ],
        compiler_params=pltpu.CompilerParams(needs_layout_passes=False),
    )
    return fn(arr, idx)


def _mm_body(z_ref, w_ref, b_ref, o_ref):
    for j in range(NG):
        s = slice(j * GD, (j + 1) * GD)
        o_ref[:, s] = (
            jnp.dot(z_ref[:, s], w_ref[j], preferred_element_type=jnp.float32)
            + b_ref[j][None, :]
        )


def _pack_weights(Ws, bs):
    wt_list, b_list = [], []
    for c in range(SEQ):
        pad = SEQ - 1 - c
        w = jnp.pad(Ws[c], ((0, pad), (0, pad)))
        tail = np.zeros((SEQ,), np.float32)
        tail[c + 1:] = 1.0
        wt_list.append((w + jnp.asarray(np.diag(tail))).T)
        b_list.append(jnp.pad(bs[c], (0, pad)))
    z64 = jnp.zeros((SEQ, SEQ), jnp.float32)
    w4 = jnp.stack([
        jnp.block([[wt_list[GRP * j + t] if t == t2 else z64
                    for t2 in range(GRP)] for t in range(GRP)])
        for j in range(NG)
    ])
    b4 = jnp.stack(b_list).reshape(NG, GD)
    return w4, b4


def kernel(x, Ws, bs):
    B = x.shape[0]
    w4, b4 = _pack_weights(Ws, bs)
    g_tab, s_tab = _idx_tables()

    zt = _sc_call(_gather_body, x, jnp.asarray(g_tab), (B, IMG), False)

    mm = pl.pallas_call(
        _mm_body,
        grid=(B // BT,),
        in_specs=[
            pl.BlockSpec((BT, IMG), lambda i: (i, 0)),
            pl.BlockSpec((NG, GD, GD), lambda i: (0, 0, 0)),
            pl.BlockSpec((NG, GD), lambda i: (0, 0)),
        ],
        out_specs=pl.BlockSpec((BT, IMG), lambda i: (i, 0)),
        out_shape=jax.ShapeDtypeStruct((B, IMG), jnp.float32),
    )
    y = mm(zt, w4, b4)

    return _sc_call(_scatter_body, y, jnp.asarray(s_tab), (B, SEQ, SEQ), True)

# --- scband reference (transcript-rebuilt; emitter-appended) ---
"""Pipeline reference for scband-diagonal-training-82085414961327 (READ-ONLY COPY).

The authoritative reference and input builder live on the scoring server;
editing this copy changes nothing except your own understanding.
"""

import jax, jax.numpy as jnp
import numpy as np

SEQ_LEN = 64
B = 4096


def setup_inputs(seed: int = 0) -> dict:
    key = jax.random.key(seed)
    kx, key = jax.random.split(key)
    x = jax.random.normal(kx, (B, SEQ_LEN, SEQ_LEN), dtype=jnp.float32)
    Ws, bs = [], []
    for i in range(SEQ_LEN):
        d = i + 1
        k1, k2, key = jax.random.split(key, 3)
        bound = 1.0 / np.sqrt(d)
        Ws.append(jax.random.uniform(k1, (d, d), jnp.float32, -bound, bound))
        bs.append(jax.random.uniform(k2, (d,), jnp.float32, -bound, bound))
    return {"x": x, "Ws": Ws, "bs": bs}


def reference(x, Ws, bs):
    # Faithful translation of DiagonalTraining.forward:
    # for each anti-diagonal i (elements x[:, r, l] with r + l == i, r = 0..i),
    # gather the diagonal, apply Linear(i+1 -> i+1) from w_array1, scatter back
    # (overwrite). w_array2 is unused in the original forward.
    for i in range(SEQ_LEN):
        rows = jnp.arange(i + 1)
        cols = i - rows
        g = x[:, rows, cols]            # [B, i+1] gather along anti-diagonal
        out = g @ Ws[i].T + bs[i]       # Linear(diagonal_length, diagonal_length)
        x = x.at[:, rows, cols].set(out)  # scatter-overwrite back in place
    return x

if __name__ == "__main__":
    import jax
    _d = setup_inputs()
    print(jax.jit(kernel)(*tuple(_d.values())))

</pallas_src>

<mosaic_0001>
#map = affine_map<(d0, d1) -> (0, 0, 0)>
#map1 = affine_map<(d0, d1) -> (0)>
#map2 = affine_map<(d0, d1) -> (0, 0)>
module attributes {stable_mosaic.version = 14 : i64} {
  func.func @_gather_body(%arg0: i32, %arg1: i32, %arg2: memref<4096x64x64xf32, #tpu.memory_space<hbm>>, %arg3: memref<4096xi32, #tpu.memory_space<hbm>>, %arg4: memref<4096x4096xf32, #tpu.memory_space<hbm>>, %arg5: memref<4096xi32, #tpu.memory_space<vmem>>, %arg6: memref<256x64xf32, #tpu.memory_space<vmem>>, %arg7: memref<256x64xf32, #tpu.memory_space<vmem>>, %arg8: memref<4x4096xf32, #tpu.memory_space<vmem>>, %arg9: memref<4x4096xf32, #tpu.memory_space<vmem>>, %arg10: memref<!tpu.dma_semaphore, #tpu.memory_space<semaphore_mem>>, %arg11: memref<!tpu.dma_semaphore, #tpu.memory_space<semaphore_mem>>, %arg12: memref<!tpu.dma_semaphore, #tpu.memory_space<semaphore_mem>>, %arg13: memref<!tpu.dma_semaphore, #tpu.memory_space<semaphore_mem>>) attributes {dimension_semantics = [#tpu.dimension_semantics<core_parallel>, #tpu.dimension_semantics<subcore_parallel>], iteration_bounds = array<i64: 2, 16>, scalar_prefetch = 0 : i64, scratch_operands = 9 : i64, tpu.core_type = #tpu.core_type<sc_vector_subcore>, window_params = [{transform_indices = #map}, {transform_indices = #map1}, {transform_indices = #map2}]} {
    %mul3A = arith.constant 2 : i32
    %mul3A_0 = arith.muli %arg1, %mul3A : i32
    %add3A = arith.addi %mul3A_0, %arg0 : i32
    %mul3A_1 = arith.constant 32 : i32
    %mul3A_2 = arith.muli %add3A, %mul3A_1 : i32
    %mul3A_3 = arith.constant 4 : i32
    %mul3A_4 = arith.muli %mul3A_2, %mul3A_3 : i32
    "tpu.region"() ({
      %run_scoped3A = tpu.sem_alloc : memref<!tpu.dma_semaphore, #tpu.memory_space<semaphore_mem>>
      tpu.enqueue_dma source(%arg3 : memref<4096xi32, #tpu.memory_space<hbm>>) target(%arg5 : memref<4096xi32, #tpu.memory_space<vmem>>) target_semaphore(%run_scoped3A : memref<!tpu.dma_semaphore, #tpu.memory_space<semaphore_mem>>)
      tpu.wait_dma2 semaphore(%run_scoped3A : memref<!tpu.dma_semaphore, #tpu.memory_space<semaphore_mem>>) src(%arg3 : memref<4096xi32, #tpu.memory_space<hbm>>) dst(%arg5 : memref<4096xi32, #tpu.memory_space<vmem>>)
      tpu.yield
    }) : () -> ()
    %add3A_5 = arith.constant 0 : i32
    %add3A_6 = arith.addi %mul3A_4, %add3A_5 : i32
    %add3A_7 = arith.constant 0 : i32
    %add3A_8 = arith.addi %add3A_6, %add3A_7 : i32
    %dma_start3A = arith.constant 0 : i32
    %dma_start3A_9 = arith.constant 0 : i32
    %dma_start3A_10 = tpu.memref_slice %arg6[%dma_start3A, %dma_start3A_9] : memref<256x64xf32, #tpu.memory_space<vmem>> -> memref<64x64xf32, #tpu.memory_space<vmem>>
    %dma_start3A_11 = arith.constant 0 : i32
    %dma_start3A_12 = arith.constant 0 : i32
    %dma_start3A_13 = tpu.memref_slice %arg2[%add3A_8, %dma_start3A_11, %dma_start3A_12] : memref<4096x64x64xf32, #tpu.memory_space<hbm>> -> memref<1x64x64xf32, #tpu.memory_space<hbm>>
    %dma_start3A_14 = tpu.memref_squeeze %dma_start3A_13 : memref<1x64x64xf32, #tpu.memory_space<hbm>> -> memref<64x64xf32, #tpu.memory_space<hbm>>
    %dma_start3A_15 = arith.constant 0 : i32
    %dma_start3A_16 = arith.constant 0 : i32
    %dma_start3A_17 = tpu.memref_slice %arg6[%dma_start3A_15, %dma_start3A_16] : memref<256x64xf32, #tpu.memory_space<vmem>> -> memref<64x64xf32, #tpu.memory_space<vmem>>
    %dma_start3A_18 = arith.constant 0 : i32
    %dma_start3A_19 = arith.constant 0 : i32
    %dma_start3A_20 = tpu.memref_slice %arg2[%add3A_8, %dma_start3A_18, %dma_start3A_19] : memref<4096x64x64xf32, #tpu.memory_space<hbm>> -> memref<1x64x64xf32, #tpu.memory_space<hbm>>
    %dma_start3A_21 = tpu.memref_squeeze %dma_start3A_20 : memref<1x64x64xf32, #tpu.memory_space<hbm>> -> memref<64x64xf32, #tpu.memory_space<hbm>>
    tpu.enqueue_dma source(%dma_start3A_21 : memref<64x64xf32, #tpu.memory_space<hbm>>) target(%dma_start3A_17 : memref<64x64xf32, #tpu.memory_space<vmem>>) target_semaphore(%arg10 : memref<!tpu.dma_semaphore, #tpu.memory_space<semaphore_mem>>)
    %add3A_22 = arith.constant 1 : i32
    %add3A_23 = arith.addi %add3A_6, %add3A_22 : i32
    %dma_start3A_24 = arith.constant 64 : i32
    %dma_start3A_25 = arith.constant 0 : i32
    %dma_start3A_26 = tpu.memref_slice %arg6[%dma_start3A_24, %dma_start3A_25] : memref<256x64xf32, #tpu.memory_space<vmem>> -> memref<64x64xf32, #tpu.memory_space<vmem>>
    %dma_start3A_27 = arith.constant 0 : i32
    %dma_start3A_28 = arith.constant 0 : i32
    %dma_start3A_29 = tpu.memref_slice %arg2[%add3A_23, %dma_start3A_27, %dma_start3A_28] : memref<4096x64x64xf32, #tpu.memory_space<hbm>> -> memref<1x64x64xf32, #tpu.memory_space<hbm>>
    %dma_start3A_30 = tpu.memref_squeeze %dma_start3A_29 : memref<1x64x64xf32, #tpu.memory_space<hbm>> -> memref<64x64xf32, #tpu.memory_space<hbm>>
    %dma_start3A_31 = arith.constant 64 : i32
    %dma_start3A_32 = arith.constant 0 : i32
    %dma_start3A_33 = tpu.memref_slice %arg6[%dma_start3A_31, %dma_start3A_32] : memref<256x64xf32, #tpu.memory_space<vmem>> -> memref<64x64xf32, #tpu.memory_space<vmem>>
    %dma_start3A_34 = arith.constant 0 : i32
    %dma_start3A_35 = arith.constant 0 : i32
    %dma_start3A_36 = tpu.memref_slice %arg2[%add3A_23, %dma_start3A_34, %dma_start3A_35] : memref<4096x64x64xf32, #tpu.memory_space<hbm>> -> memref<1x64x64xf32, #tpu.memory_space<hbm>>
    %dma_start3A_37 = tpu.memref_squeeze %dma_start3A_36 : memref<1x64x64xf32, #tpu.memory_space<hbm>> -> memref<64x64xf32, #tpu.memory_space<hbm>>
    tpu.enqueue_dma source(%dma_start3A_37 : memref<64x64xf32, #tpu.memory_space<hbm>>) target(%dma_start3A_33 : memref<64x64xf32, #tpu.memory_space<vmem>>) target_semaphore(%arg10 : memref<!tpu.dma_semaphore, #tpu.memory_space<semaphore_mem>>)
    %add3A_38 = arith.constant 2 : i32
    %add3A_39 = arith.addi %add3A_6, %add3A_38 : i32
    %dma_start3A_40 = arith.constant 128 : i32
    %dma_start3A_41 = arith.constant 0 : i32
    %dma_start3A_42 = tpu.memref_slice %arg6[%dma_start3A_40, %dma_start3A_41] : memref<256x64xf32, #tpu.memory_space<vmem>> -> memref<64x64xf32, #tpu.memory_space<vmem>>
    %dma_start3A_43 = arith.constant 0 : i32
    %dma_start3A_44 = arith.constant 0 : i32
    %dma_start3A_45 = tpu.memref_slice %arg2[%add3A_39, %dma_start3A_43, %dma_start3A_44] : memref<4096x64x64xf32, #tpu.memory_space<hbm>> -> memref<1x64x64xf32, #tpu.memory_space<hbm>>
    %dma_start3A_46 = tpu.memref_squeeze %dma_start3A_45 : memref<1x64x64xf32, #tpu.memory_space<hbm>> -> memref<64x64xf32, #tpu.memory_space<hbm>>
    %dma_start3A_47 = arith.constant 128 : i32
    %dma_start3A_48 = arith.constant 0 : i32
    %dma_start3A_49 = tpu.memref_slice %arg6[%dma_start3A_47, %dma_start3A_48] : memref<256x64xf32, #tpu.memory_space<vmem>> -> memref<64x64xf32, #tpu.memory_space<vmem>>
    %dma_start3A_50 = arith.constant 0 : i32
    %dma_start3A_51 = arith.constant 0 : i32
    %dma_start3A_52 = tpu.memref_slice %arg2[%add3A_39, %dma_start3A_50, %dma_start3A_51] : memref<4096x64x64xf32, #tpu.memory_space<hbm>> -> memref<1x64x64xf32, #tpu.memory_space<hbm>>
    %dma_start3A_53 = tpu.memref_squeeze %dma_start3A_52 : memref<1x64x64xf32, #tpu.memory_space<hbm>> -> memref<64x64xf32, #tpu.memory_space<hbm>>
    tpu.enqueue_dma source(%dma_start3A_53 : memref<64x64xf32, #tpu.memory_space<hbm>>) target(%dma_start3A_49 : memref<64x64xf32, #tpu.memory_space<vmem>>) target_semaphore(%arg10 : memref<!tpu.dma_semaphore, #tpu.memory_space<semaphore_mem>>)
    %add3A_54 = arith.constant 3 : i32
    %add3A_55 = arith.addi %add3A_6, %add3A_54 : i32
    %dma_start3A_56 = arith.constant 192 : i32
    %dma_start3A_57 = arith.constant 0 : i32
    %dma_start3A_58 = tpu.memref_slice %arg6[%dma_start3A_56, %dma_start3A_57] : memref<256x64xf32, #tpu.memory_space<vmem>> -> memref<64x64xf32, #tpu.memory_space<vmem>>
    %dma_start3A_59 = arith.constant 0 : i32
    %dma_start3A_60 = arith.constant 0 : i32
    %dma_start3A_61 = tpu.memref_slice %arg2[%add3A_55, %dma_start3A_59, %dma_start3A_60] : memref<4096x64x64xf32, #tpu.memory_space<hbm>> -> memref<1x64x64xf32, #tpu.memory_space<hbm>>
    %dma_start3A_62 = tpu.memref_squeeze %dma_start3A_61 : memref<1x64x64xf32, #tpu.memory_space<hbm>> -> memref<64x64xf32, #tpu.memory_space<hbm>>
    %dma_start3A_63 = arith.constant 192 : i32
    %dma_start3A_64 = arith.constant 0 : i32
    %dma_start3A_65 = tpu.memref_slice %arg6[%dma_start3A_63, %dma_start3A_64] : memref<256x64xf32, #tpu.memory_space<vmem>> -> memref<64x64xf32, #tpu.memory_space<vmem>>
    %dma_start3A_66 = arith.constant 0 : i32
    %dma_start3A_67 = arith.constant 0 : i32
    %dma_start3A_68 = tpu.memref_slice %arg2[%add3A_55, %dma_start3A_66, %dma_start3A_67] : memref<4096x64x64xf32, #tpu.memory_space<hbm>> -> memref<1x64x64xf32, #tpu.memory_space<hbm>>
    %dma_start3A_69 = tpu.memref_squeeze %dma_start3A_68 : memref<1x64x64xf32, #tpu.memory_space<hbm>> -> memref<64x64xf32, #tpu.memory_space<hbm>>
    tpu.enqueue_dma source(%dma_start3A_69 : memref<64x64xf32, #tpu.memory_space<hbm>>) target(%dma_start3A_65 : memref<64x64xf32, #tpu.memory_space<vmem>>) target_semaphore(%arg10 : memref<!tpu.dma_semaphore, #tpu.memory_space<semaphore_mem>>)
    %add3A_70 = arith.constant 4 : i32
    %add3A_71 = arith.addi %mul3A_4, %add3A_70 : i32
    %add3A_72 = arith.constant 0 : i32
    %add3A_73 = arith.addi %add3A_71, %add3A_72 : i32
    %dma_start3A_74 = arith.constant 0 : i32
    %dma_start3A_75 = arith.constant 0 : i32
    %dma_start3A_76 = tpu.memref_slice %arg7[%dma_start3A_74, %dma_start3A_75] : memref<256x64xf32, #tpu.memory_space<vmem>> -> memref<64x64xf32, #tpu.memory_space<vmem>>
    %dma_start3A_77 = arith.constant 0 : i32
    %dma_start3A_78 = arith.constant 0 : i32
    %dma_start3A_79 = tpu.memref_slice %arg2[%add3A_73, %dma_start3A_77, %dma_start3A_78] : memref<4096x64x64xf32, #tpu.memory_space<hbm>> -> memref<1x64x64xf32, #tpu.memory_space<hbm>>
    %dma_start3A_80 = tpu.memref_squeeze %dma_start3A_79 : memref<1x64x64xf32, #tpu.memory_space<hbm>> -> memref<64x64xf32, #tpu.memory_space<hbm>>
    %dma_start3A_81 = arith.constant 0 : i32
    %dma_start3A_82 = arith.constant 0 : i32
    %dma_start3A_83 = tpu.memref_slice %arg7[%dma_start3A_81, %dma_start3A_82] : memref<256x64xf32, #tpu.memory_space<vmem>> -> memref<64x64xf32, #tpu.memory_space<vmem>>
    %dma_start3A_84 = arith.constant 0 : i32
    %dma_start3A_85 = arith.constant 0 : i32
    %dma_start3A_86 = tpu.memref_slice %arg2[%add3A_73, %dma_start3A_84, %dma_start3A_85] : memref<4096x64x64xf32, #tpu.memory_space<hbm>> -> memref<1x64x64xf32, #tpu.memory_space<hbm>>
    %dma_start3A_87 = tpu.memref_squeeze %dma_start3A_86 : memref<1x64x64xf32, #tpu.memory_space<hbm>> -> memref<64x64xf32, #tpu.memory_space<hbm>>
    tpu.enqueue_dma source(%dma_start3A_87 : memref<64x64xf32, #tpu.memory_space<hbm>>) target(%dma_start3A_83 : memref<64x64xf32, #tpu.memory_space<vmem>>) target_semaphore(%arg11 : memref<!tpu.dma_semaphore, #tpu.memory_space<semaphore_mem>>)
    %add3A_88 = arith.constant 1 : i32
    %add3A_89 = arith.addi %add3A_71, %add3A_88 : i32
    %dma_start3A_90 = arith.constant 64 : i32
    %dma_start3A_91 = arith.constant 0 : i32
    %dma_start3A_92 = tpu.memref_slice %arg7[%dma_start3A_90, %dma_start3A_91] : memref<256x64xf32, #tpu.memory_space<vmem>> -> memref<64x64xf32, #tpu.memory_space<vmem>>
    %dma_start3A_93 = arith.constant 0 : i32
    %dma_start3A_94 = arith.constant 0 : i32
    %dma_start3A_95 = tpu.memref_slice %arg2[%add3A_89, %dma_start3A_93, %dma_start3A_94] : memref<4096x64x64xf32, #tpu.memory_space<hbm>> -> memref<1x64x64xf32, #tpu.memory_space<hbm>>
    %dma_start3A_96 = tpu.memref_squeeze %dma_start3A_95 : memref<1x64x64xf32, #tpu.memory_space<hbm>> -> memref<64x64xf32, #tpu.memory_space<hbm>>
    %dma_start3A_97 = arith.constant 64 : i32
    %dma_start3A_98 = arith.constant 0 : i32
    %dma_start3A_99 = tpu.memref_slice %arg7[%dma_start3A_97, %dma_start3A_98] : memref<256x64xf32, #tpu.memory_space<vmem>> -> memref<64x64xf32, #tpu.memory_space<vmem>>
    %dma_start3A_100 = arith.constant 0 : i32
    %dma_start3A_101 = arith.constant 0 : i32
    %dma_start3A_102 = tpu.memref_slice %arg2[%add3A_89, %dma_start3A_100, %dma_start3A_101] : memref<4096x64x64xf32, #tpu.memory_space<hbm>> -> memref<1x64x64xf32, #tpu.memory_space<hbm>>
    %dma_start3A_103 = tpu.memref_squeeze %dma_start3A_102 : memref<1x64x64xf32, #tpu.memory_space<hbm>> -> memref<64x64xf32, #tpu.memory_space<hbm>>
    tpu.enqueue_dma source(%dma_start3A_103 : memref<64x64xf32, #tpu.memory_space<hbm>>) target(%dma_start3A_99 : memref<64x64xf32, #tpu.memory_space<vmem>>) target_semaphore(%arg11 : memref<!tpu.dma_semaphore, #tpu.memory_space<semaphore_mem>>)
    %add3A_104 = arith.constant 2 : i32
    %add3A_105 = arith.addi %add3A_71, %add3A_104 : i32
    %dma_start3A_106 = arith.constant 128 : i32
    %dma_start3A_107 = arith.constant 0 : i32
    %dma_start3A_108 = tpu.memref_slice %arg7[%dma_start3A_106, %dma_start3A_107] : memref<256x64xf32, #tpu.memory_space<vmem>> -> memref<64x64xf32, #tpu.memory_space<vmem>>
    %dma_start3A_109 = arith.constant 0 : i32
    %dma_start3A_110 = arith.constant 0 : i32
    %dma_start3A_111 = tpu.memref_slice %arg2[%add3A_105, %dma_start3A_109, %dma_start3A_110] : memref<4096x64x64xf32, #tpu.memory_space<hbm>> -> memref<1x64x64xf32, #tpu.memory_space<hbm>>
    %dma_start3A_112 = tpu.memref_squeeze %dma_start3A_111 : memref<1x64x64xf32, #tpu.memory_space<hbm>> -> memref<64x64xf32, #tpu.memory_space<hbm>>
    %dma_start3A_113 = arith.constant 128 : i32
    %dma_start3A_114 = arith.constant 0 : i32
    %dma_start3A_115 = tpu.memref_slice %arg7[%dma_start3A_113, %dma_start3A_114] : memref<256x64xf32, #tpu.memory_space<vmem>> -> memref<64x64xf32, #tpu.memory_space<vmem>>
    %dma_start3A_116 = arith.constant 0 : i32
    %dma_start3A_117 = arith.constant 0 : i32
    %dma_start3A_118 = tpu.memref_slice %arg2[%add3A_105, %dma_start3A_116, %dma_start3A_117] : memref<4096x64x64xf32, #tpu.memory_space<hbm>> -> memref<1x64x64xf32, #tpu.memory_space<hbm>>
    %dma_start3A_119 = tpu.memref_squeeze %dma_start3A_118 : memref<1x64x64xf32, #tpu.memory_space<hbm>> -> memref<64x64xf32, #tpu.memory_space<hbm>>
    tpu.enqueue_dma source(%dma_start3A_119 : memref<64x64xf32, #tpu.memory_space<hbm>>) target(%dma_start3A_115 : memref<64x64xf32, #tpu.memory_space<vmem>>) target_semaphore(%arg11 : memref<!tpu.dma_semaphore, #tpu.memory_space<semaphore_mem>>)
    %add3A_120 = arith.constant 3 : i32
    %add3A_121 = arith.addi %add3A_71, %add3A_120 : i32
    %dma_start3A_122 = arith.constant 192 : i32
    %dma_start3A_123 = arith.constant 0 : i32
    %dma_start3A_124 = tpu.memref_slice %arg7[%dma_start3A_122, %dma_start3A_123] : memref<256x64xf32, #tpu.memory_space<vmem>> -> memref<64x64xf32, #tpu.memory_space<vmem>>
    %dma_start3A_125 = arith.constant 0 : i32
    %dma_start3A_126 = arith.constant 0 : i32
    %dma_start3A_127 = tpu.memref_slice %arg2[%add3A_121, %dma_start3A_125, %dma_start3A_126] : memref<4096x64x64xf32, #tpu.memory_space<hbm>> -> memref<1x64x64xf32, #tpu.memory_space<hbm>>
    %dma_start3A_128 = tpu.memref_squeeze %dma_start3A_127 : memref<1x64x64xf32, #tpu.memory_space<hbm>> -> memref<64x64xf32, #tpu.memory_space<hbm>>
    %dma_start3A_129 = arith.constant 192 : i32
    %dma_start3A_130 = arith.constant 0 : i32
    %dma_start3A_131 = tpu.memref_slice %arg7[%dma_start3A_129, %dma_start3A_130] : memref<256x64xf32, #tpu.memory_space<vmem>> -> memref<64x64xf32, #tpu.memory_space<vmem>>
    %dma_start3A_132 = arith.constant 0 : i32
    %dma_start3A_133 = arith.constant 0 : i32
    %dma_start3A_134 = tpu.memref_slice %arg2[%add3A_121, %dma_start3A_132, %dma_start3A_133] : memref<4096x64x64xf32, #tpu.memory_space<hbm>> -> memref<1x64x64xf32, #tpu.memory_space<hbm>>
    %dma_start3A_135 = tpu.memref_squeeze %dma_start3A_134 : memref<1x64x64xf32, #tpu.memory_space<hbm>> -> memref<64x64xf32, #tpu.memory_space<hbm>>
    tpu.enqueue_dma source(%dma_start3A_135 : memref<64x64xf32, #tpu.memory_space<hbm>>) target(%dma_start3A_131 : memref<64x64xf32, #tpu.memory_space<vmem>>) target_semaphore(%arg11 : memref<!tpu.dma_semaphore, #tpu.memory_space<semaphore_mem>>)
    %scan3A = arith.constant 0 : i32
    %scan3A_136 = arith.constant 0 : i32
    %scan3A_137 = arith.constant 16 : i32
    %scan3A_138 = arith.addi %scan3A_136, %scan3A_137 : i32
    %scan3A_139 = arith.constant 1 : i32
    scf.for %scan3A_148 = %scan3A_136 to %scan3A_138 step %scan3A_139  : i32 {
      %mul3A_149 = arith.constant 2 : i32
      %mul3A_150 = arith.muli %mul3A_149, %scan3A_148 : i32
      %add3A_151 = arith.constant 0 : i32
      %add3A_152 = arith.addi %mul3A_150, %add3A_151 : i32
      %mul3A_153 = arith.constant 4 : i32
      %mul3A_154 = arith.muli %add3A_152, %mul3A_153 : i32
      %add3A_155 = arith.addi %mul3A_4, %mul3A_154 : i32
      %dma_wait3A_156 = arith.constant 0 : i32
      %dma_wait3A_157 = arith.constant 0 : i32
      %dma_wait3A_158 = tpu.memref_slice %arg6[%dma_wait3A_156, %dma_wait3A_157] : memref<256x64xf32, #tpu.memory_space<vmem>> -> memref<64x64xf32, #tpu.memory_space<vmem>>
      %dma_wait3A_159 = arith.constant 0 : i32
      %dma_wait3A_160 = arith.constant 0 : i32
      %dma_wait3A_161 = tpu.memref_slice %arg2[%mul3A_4, %dma_wait3A_159, %dma_wait3A_160] : memref<4096x64x64xf32, #tpu.memory_space<hbm>> -> memref<1x64x64xf32, #tpu.memory_space<hbm>>
      %dma_wait3A_162 = tpu.memref_squeeze %dma_wait3A_161 : memref<1x64x64xf32, #tpu.memory_space<hbm>> -> memref<64x64xf32, #tpu.memory_space<hbm>>
      %dma_wait3A_163 = arith.constant 0 : i32
      %dma_wait3A_164 = arith.constant 0 : i32
      %dma_wait3A_165 = tpu.memref_slice %arg6[%dma_wait3A_163, %dma_wait3A_164] : memref<256x64xf32, #tpu.memory_space<vmem>> -> memref<64x64xf32, #tpu.memory_space<vmem>>
      %dma_wait3A_166 = arith.constant 0 : i32
      %dma_wait3A_167 = arith.constant 0 : i32
      %dma_wait3A_168 = tpu.memref_slice %arg2[%mul3A_4, %dma_wait3A_166, %dma_wait3A_167] : memref<4096x64x64xf32, #tpu.memory_space<hbm>> -> memref<1x64x64xf32, #tpu.memory_space<hbm>>
      %dma_wait3A_169 = tpu.memref_squeeze %dma_wait3A_168 : memref<1x64x64xf32, #tpu.memory_space<hbm>> -> memref<64x64xf32, #tpu.memory_space<hbm>>
      tpu.wait_dma2 semaphore(%arg10 : memref<!tpu.dma_semaphore, #tpu.memory_space<semaphore_mem>>) src(%dma_wait3A_169 : memref<64x64xf32, #tpu.memory_space<hbm>>) dst(%dma_wait3A_165 : memref<64x64xf32, #tpu.memory_space<vmem>>)
      %dma_wait3A_170 = arith.constant 64 : i32
      %dma_wait3A_171 = arith.constant 0 : i32
      %dma_wait3A_172 = tpu.memref_slice %arg6[%dma_wait3A_170, %dma_wait3A_171] : memref<256x64xf32, #tpu.memory_space<vmem>> -> memref<64x64xf32, #tpu.memory_space<vmem>>
      %dma_wait3A_173 = arith.constant 0 : i32
      %dma_wait3A_174 = arith.constant 0 : i32
      %dma_wait3A_175 = tpu.memref_slice %arg2[%mul3A_4, %dma_wait3A_173, %dma_wait3A_174] : memref<4096x64x64xf32, #tpu.memory_space<hbm>> -> memref<1x64x64xf32, #tpu.memory_space<hbm>>
      %dma_wait3A_176 = tpu.memref_squeeze %dma_wait3A_175 : memref<1x64x64xf32, #tpu.memory_space<hbm>> -> memref<64x64xf32, #tpu.memory_space<hbm>>
      %dma_wait3A_177 = arith.constant 64 : i32
      %dma_wait3A_178 = arith.constant 0 : i32
      %dma_wait3A_179 = tpu.memref_slice %arg6[%dma_wait3A_177, %dma_wait3A_178] : memref<256x64xf32, #tpu.memory_space<vmem>> -> memref<64x64xf32, #tpu.memory_space<vmem>>
      %dma_wait3A_180 = arith.constant 0 : i32
      %dma_wait3A_181 = arith.constant 0 : i32
      %dma_wait3A_182 = tpu.memref_slice %arg2[%mul3A_4, %dma_wait3A_180, %dma_wait3A_181] : memref<4096x64x64xf32, #tpu.memory_space<hbm>> -> memref<1x64x64xf32, #tpu.memory_space<hbm>>
      %dma_wait3A_183 = tpu.memref_squeeze %dma_wait3A_182 : memref<1x64x64xf32, #tpu.memory_space<hbm>> -> memref<64x64xf32, #tpu.memory_space<hbm>>
      tpu.wait_dma2 semaphore(%arg10 : memref<!tpu.dma_semaphore, #tpu.memory_space<semaphore_mem>>) src(%dma_wait3A_183 : memref<64x64xf32, #tpu.memory_space<hbm>>) dst(%dma_wait3A_179 : memref<64x64xf32, #tpu.memory_space<vmem>>)
      %dma_wait3A_184 = arith.constant 128 : i32
      %dma_wait3A_185 = arith.constant 0 : i32
      %dma_wait3A_186 = tpu.memref_slice %arg6[%dma_wait3A_184, %dma_wait3A_185] : memref<256x64xf32, #tpu.memory_space<vmem>> -> memref<64x64xf32, #tpu.memory_space<vmem>>
      %dma_wait3A_187 = arith.constant 0 : i32
      %dma_wait3A_188 = arith.constant 0 : i32
      %dma_wait3A_189 = tpu.memref_slice %arg2[%mul3A_4, %dma_wait3A_187, %dma_wait3A_188] : memref<4096x64x64xf32, #tpu.memory_space<hbm>> -> memref<1x64x64xf32, #tpu.memory_space<hbm>>
      %dma_wait3A_190 = tpu.memref_squeeze %dma_wait3A_189 : memref<1x64x64xf32, #tpu.memory_space<hbm>> -> memref<64x64xf32, #tpu.memory_space<hbm>>
      %dma_wait3A_191 = arith.constant 128 : i32
      %dma_wait3A_192 = arith.constant 0 : i32
      %dma_wait3A_193 = tpu.memref_slice %arg6[%dma_wait3A_191, %dma_wait3A_192] : memref<256x64xf32, #tpu.memory_space<vmem>> -> memref<64x64xf32, #tpu.memory_space<vmem>>
      %dma_wait3A_194 = arith.constant 0 : i32
      %dma_wait3A_195 = arith.constant 0 : i32
      %dma_wait3A_196 = tpu.memref_slice %arg2[%mul3A_4, %dma_wait3A_194, %dma_wait3A_195] : memref<4096x64x64xf32, #tpu.memory_space<hbm>> -> memref<1x64x64xf32, #tpu.memory_space<hbm>>
      %dma_wait3A_197 = tpu.memref_squeeze %dma_wait3A_196 : memref<1x64x64xf32, #tpu.memory_space<hbm>> -> memref<64x64xf32, #tpu.memory_space<hbm>>
      tpu.wait_dma2 semaphore(%arg10 : memref<!tpu.dma_semaphore, #tpu.memory_space<semaphore_mem>>) src(%dma_wait3A_197 : memref<64x64xf32, #tpu.memory_space<hbm>>) dst(%dma_wait3A_193 : memref<64x64xf32, #tpu.memory_space<vmem>>)
      %dma_wait3A_198 = arith.constant 192 : i32
      %dma_wait3A_199 = arith.constant 0 : i32
      %dma_wait3A_200 = tpu.memref_slice %arg6[%dma_wait3A_198, %dma_wait3A_199] : memref<256x64xf32, #tpu.memory_space<vmem>> -> memref<64x64xf32, #tpu.memory_space<vmem>>
      %dma_wait3A_201 = arith.constant 0 : i32
      %dma_wait3A_202 = arith.constant 0 : i32
      %dma_wait3A_203 = tpu.memref_slice %arg2[%mul3A_4, %dma_wait3A_201, %dma_wait3A_202] : memref<4096x64x64xf32, #tpu.memory_space<hbm>> -> memref<1x64x64xf32, #tpu.memory_space<hbm>>
      %dma_wait3A_204 = tpu.memref_squeeze %dma_wait3A_203 : memref<1x64x64xf32, #tpu.memory_space<hbm>> -> memref<64x64xf32, #tpu.memory_space<hbm>>
      %dma_wait3A_205 = arith.constant 192 : i32
      %dma_wait3A_206 = arith.constant 0 : i32
      %dma_wait3A_207 = tpu.memref_slice %arg6[%dma_wait3A_205, %dma_wait3A_206] : memref<256x64xf32, #tpu.memory_space<vmem>> -> memref<64x64xf32, #tpu.memory_space<vmem>>
      %dma_wait3A_208 = arith.constant 0 : i32
      %dma_wait3A_209 = arith.constant 0 : i32
      %dma_wait3A_210 = tpu.memref_slice %arg2[%mul3A_4, %dma_wait3A_208, %dma_wait3A_209] : memref<4096x64x64xf32, #tpu.memory_space<hbm>> -> memref<1x64x64xf32, #tpu.memory_space<hbm>>
      %dma_wait3A_211 = tpu.memref_squeeze %dma_wait3A_210 : memref<1x64x64xf32, #tpu.memory_space<hbm>> -> memref<64x64xf32, #tpu.memory_space<hbm>>
      tpu.wait_dma2 semaphore(%arg10 : memref<!tpu.dma_semaphore, #tpu.memory_space<semaphore_mem>>) src(%dma_wait3A_211 : memref<64x64xf32, #tpu.memory_space<hbm>>) dst(%dma_wait3A_207 : memref<64x64xf32, #tpu.memory_space<vmem>>)
      %ge3A = arith.constant 2 : i32
      %ge3A_212 = arith.cmpi sge, %add3A_152, %ge3A : i32
      %convert_element_type3A = arith.extui %ge3A_212 : i1 to i32
      %cond3A = arith.constant 0 : i32
      %cond3A_213 = arith.cmpi ne, %convert_element_type3A, %cond3A : i32
      scf.if %cond3A_213 {
        %dma_wait3A_308 = arith.constant 0 : i32
        %dma_wait3A_309 = tpu.memref_slice %arg4[%mul3A_4, %dma_wait3A_308] : memref<4096x4096xf32, #tpu.memory_space<hbm>> -> memref<4x4096xf32, #tpu.memory_space<hbm>>
        %dma_wait3A_310 = arith.constant 0 : i32
        %dma_wait3A_311 = tpu.memref_slice %arg4[%mul3A_4, %dma_wait3A_310] : memref<4096x4096xf32, #tpu.memory_space<hbm>> -> memref<4x4096xf32, #tpu.memory_space<hbm>>
        tpu.wait_dma2 semaphore(%arg12 : memref<!tpu.dma_semaphore, #tpu.memory_space<semaphore_mem>>) src(%arg8 : memref<4x4096xf32, #tpu.memory_space<vmem>>) dst(%dma_wait3A_311 : memref<4x4096xf32, #tpu.memory_space<hbm>>)
      } else {
      }
      %parallel_loop3A = arith.constant 0 : i32
      %parallel_loop3A_214 = arith.constant 256 : i32
      %parallel_loop3A_215 = arith.constant 1 : i32
      scf.for %parallel_loop3A_308 = %parallel_loop3A to %parallel_loop3A_214 step %parallel_loop3A_215  : i32 {
        %parallel_loop3A_309 = arith.constant 16 : i32
        %parallel_loop3A_310 = arith.muli %parallel_loop3A_308, %parallel_loop3A_309 : i32
        %parallel_loop3A_311 = arith.index_cast %parallel_loop3A_310 : i32 to index
        %parallel_loop3A_312 = tpu.vector_load %arg5[%parallel_loop3A_311] {strides = array<i32>} : memref<4096xi32, #tpu.memory_space<vmem>>, vector<16xi32>,
        %parallel_loop3A_313 = arith.constant 6 : i32
        %parallel_loop3A_314 = vector.broadcast %parallel_loop3A_313 : i32 to vector<16xi32>
        %parallel_loop3A_315 = arith.shrui %parallel_loop3A_312, %parallel_loop3A_314 : vector<16xi32>
        %parallel_loop3A_316 = arith.constant 63 : i32
        %parallel_loop3A_317 = vector.broadcast %parallel_loop3A_316 : i32 to vector<16xi32>
        %parallel_loop3A_318 = arith.andi %parallel_loop3A_312, %parallel_loop3A_317 : vector<16xi32>
        %parallel_loop3A_319 = arith.constant 0 : i32
        %parallel_loop3A_320 = vector.broadcast %parallel_loop3A_319 : i32 to vector<16xi32>
        %parallel_loop3A_321 = arith.addi %parallel_loop3A_315, %parallel_loop3A_320 : vector<16xi32>
        %parallel_loop3A_322 = tpu.vector_load_idx %arg6[%parallel_loop3A_321, %parallel_loop3A_318] : memref<256x64xf32, #tpu.memory_space<vmem>>[vector<16xi32>, vector<16xi32>], vector<16xf32>,
        %parallel_loop3A_323 = arith.constant 0 : i32
        %parallel_loop3A_324 = arith.index_cast %parallel_loop3A_323 : i32 to index
        %parallel_loop3A_325 = arith.index_cast %parallel_loop3A_310 : i32 to index
        %parallel_loop3A_326 = tpu.vector_load %arg8[%parallel_loop3A_324, %parallel_loop3A_325] {strides = array<i32>} : memref<4x4096xf32, #tpu.memory_space<vmem>>, vector<16xf32>,
        tpu.vector_store %arg8[%parallel_loop3A_324, %parallel_loop3A_325], %parallel_loop3A_322 {strides = array<i32>} : memref<4x4096xf32, #tpu.memory_space<vmem>>, vector<16xf32>,
        %parallel_loop3A_327 = arith.constant 64 : i32
        %parallel_loop3A_328 = vector.broadcast %parallel_loop3A_327 : i32 to vector<16xi32>
        %parallel_loop3A_329 = arith.addi %parallel_loop3A_315, %parallel_loop3A_328 : vector<16xi32>
        %parallel_loop3A_330 = tpu.vector_load_idx %arg6[%parallel_loop3A_329, %parallel_loop3A_318] : memref<256x64xf32, #tpu.memory_space<vmem>>[vector<16xi32>, vector<16xi32>], vector<16xf32>,
        %parallel_loop3A_331 = arith.constant 1 : i32
        %parallel_loop3A_332 = arith.index_cast %parallel_loop3A_331 : i32 to index
        %parallel_loop3A_333 = arith.index_cast %parallel_loop3A_310 : i32 to index
        %parallel_loop3A_334 = tpu.vector_load %arg8[%parallel_loop3A_332, %parallel_loop3A_333] {strides = array<i32>} : memref<4x4096xf32, #tpu.memory_space<vmem>>, vector<16xf32>,
        tpu.vector_store %arg8[%parallel_loop3A_332, %parallel_loop3A_333], %parallel_loop3A_330 {strides = array<i32>} : memref<4x4096xf32, #tpu.memory_space<vmem>>, vector<16xf32>,
        %parallel_loop3A_335 = arith.constant 128 : i32
        %parallel_loop3A_336 = vector.broadcast %parallel_loop3A_335 : i32 to vector<16xi32>
        %parallel_loop3A_337 = arith.addi %parallel_loop3A_315, %parallel_loop3A_336 : vector<16xi32>
        %parallel_loop3A_338 = tpu.vector_load_idx %arg6[%parallel_loop3A_337, %parallel_loop3A_318] : memref<256x64xf32, #tpu.memory_space<vmem>>[vector<16xi32>, vector<16xi32>], vector<16xf32>,
        %parallel_loop3A_339 = arith.constant 2 : i32
        %parallel_loop3A_340 = arith.index_cast %parallel_loop3A_339 : i32 to index
        %parallel_loop3A_341 = arith.index_cast %parallel_loop3A_310 : i32 to index
        %parallel_loop3A_342 = tpu.vector_load %arg8[%parallel_loop3A_340, %parallel_loop3A_341] {strides = array<i32>} : memref<4x4096xf32, #tpu.memory_space<vmem>>, vector<16xf32>,
        tpu.vector_store %arg8[%parallel_loop3A_340, %parallel_loop3A_341], %parallel_loop3A_338 {strides = array<i32>} : memref<4x4096xf32, #tpu.memory_space<vmem>>, vector<16xf32>,
        %parallel_loop3A_343 = arith.constant 192 : i32
        %parallel_loop3A_344 = vector.broadcast %parallel_loop3A_343 : i32 to vector<16xi32>
        %parallel_loop3A_345 = arith.addi %parallel_loop3A_315, %parallel_loop3A_344 : vector<16xi32>
        %parallel_loop3A_346 = tpu.vector_load_idx %arg6[%parallel_loop3A_345, %parallel_loop3A_318] : memref<256x64xf32, #tpu.memory_space<vmem>>[vector<16xi32>, vector<16xi32>], vector<16xf32>,
        %parallel_loop3A_347 = arith.constant 3 : i32
        %parallel_loop3A_348 = arith.index_cast %parallel_loop3A_347 : i32 to index
        %parallel_loop3A_349 = arith.index_cast %parallel_loop3A_310 : i32 to index
        %parallel_loop3A_350 = tpu.vector_load %arg8[%parallel_loop3A_348, %parallel_loop3A_349] {strides = array<i32>} : memref<4x4096xf32, #tpu.memory_space<vmem>>, vector<16xf32>,
        tpu.vector_store %arg8[%parallel_loop3A_348, %parallel_loop3A_349], %parallel_loop3A_346 {strides = array<i32>} : memref<4x4096xf32, #tpu.memory_space<vmem>>, vector<16xf32>,
      } {sc.loop_unroll_factor = 4 : i64, sc.parallel_access}
      %dma_start3A_216 = arith.constant 0 : i32
      %dma_start3A_217 = tpu.memref_slice %arg4[%add3A_155, %dma_start3A_216] : memref<4096x4096xf32, #tpu.memory_space<hbm>> -> memref<4x4096xf32, #tpu.memory_space<hbm>>
      %dma_start3A_218 = arith.constant 0 : i32
      %dma_start3A_219 = tpu.memref_slice %arg4[%add3A_155, %dma_start3A_218] : memref<4096x4096xf32, #tpu.memory_space<hbm>> -> memref<4x4096xf32, #tpu.memory_space<hbm>>
      tpu.enqueue_dma source(%arg8 : memref<4x4096xf32, #tpu.memory_space<vmem>>) target(%dma_start3A_219 : memref<4x4096xf32, #tpu.memory_space<hbm>>) target_semaphore(%arg12 : memref<!tpu.dma_semaphore, #tpu.memory_space<semaphore_mem>>)
      %add3A_220 = arith.constant 2 : i32
      %add3A_221 = arith.addi %add3A_152, %add3A_220 : i32
      %lt3A = arith.constant 32 : i32
      %lt3A_222 = arith.cmpi slt, %add3A_221, %lt3A : i32
      %convert_element_type3A_223 = arith.extui %lt3A_222 : i1 to i32
      %cond3A_224 = arith.constant 0 : i32
      %cond3A_225 = arith.cmpi ne, %convert_element_type3A_223, %cond3A_224 : i32
      scf.if %cond3A_225 {
        %add3A_308 = arith.constant 2 : i32
        %add3A_309 = arith.addi %add3A_152, %add3A_308 : i32
        %mul3A_310 = arith.constant 4 : i32
        %mul3A_311 = arith.muli %add3A_309, %mul3A_310 : i32
        %add3A_312 = arith.addi %mul3A_4, %mul3A_311 : i32
        %add3A_313 = arith.constant 0 : i32
        %add3A_314 = arith.addi %add3A_312, %add3A_313 : i32
        %dma_start3A_315 = arith.constant 0 : i32
        %dma_start3A_316 = arith.constant 0 : i32
        %dma_start3A_317 = tpu.memref_slice %arg6[%dma_start3A_315, %dma_start3A_316] : memref<256x64xf32, #tpu.memory_space<vmem>> -> memref<64x64xf32, #tpu.memory_space<vmem>>
        %dma_start3A_318 = arith.constant 0 : i32
        %dma_start3A_319 = arith.constant 0 : i32
        %dma_start3A_320 = tpu.memref_slice %arg2[%add3A_314, %dma_start3A_318, %dma_start3A_319] : memref<4096x64x64xf32, #tpu.memory_space<hbm>> -> memref<1x64x64xf32, #tpu.memory_space<hbm>>
        %dma_start3A_321 = tpu.memref_squeeze %dma_start3A_320 : memref<1x64x64xf32, #tpu.memory_space<hbm>> -> memref<64x64xf32, #tpu.memory_space<hbm>>
        %dma_start3A_322 = arith.constant 0 : i32
        %dma_start3A_323 = arith.constant 0 : i32
        %dma_start3A_324 = tpu.memref_slice %arg6[%dma_start3A_322, %dma_start3A_323] : memref<256x64xf32, #tpu.memory_space<vmem>> -> memref<64x64xf32, #tpu.memory_space<vmem>>
        %dma_start3A_325 = arith.constant 0 : i32
        %dma_start3A_326 = arith.constant 0 : i32
        %dma_start3A_327 = tpu.memref_slice %arg2[%add3A_314, %dma_start3A_325, %dma_start3A_326] : memref<4096x64x64xf32, #tpu.memory_space<hbm>> -> memref<1x64x64xf32, #tpu.memory_space<hbm>>
        %dma_start3A_328 = tpu.memref_squeeze %dma_start3A_327 : memref<1x64x64xf32, #tpu.memory_space<hbm>> -> memref<64x64xf32, #tpu.memory_space<hbm>>
        tpu.enqueue_dma source(%dma_start3A_328 : memref<64x64xf32, #tpu.memory_space<hbm>>) target(%dma_start3A_324 : memref<64x64xf32, #tpu.memory_space<vmem>>) target_semaphore(%arg10 : memref<!tpu.dma_semaphore, #tpu.memory_space<semaphore_mem>>)
        %add3A_329 = arith.constant 1 : i32
        %add3A_330 = arith.addi %add3A_312, %add3A_329 : i32
        %dma_start3A_331 = arith.constant 64 : i32
        %dma_start3A_332 = arith.constant 0 : i32
        %dma_start3A_333 = tpu.memref_slice %arg6[%dma_start3A_331, %dma_start3A_332] : memref<256x64xf32, #tpu.memory_space<vmem>> -> memref<64x64xf32, #tpu.memory_space<vmem>>
        %dma_start3A_334 = arith.constant 0 : i32
        %dma_start3A_335 = arith.constant 0 : i32
        %dma_start3A_336 = tpu.memref_slice %arg2[%add3A_330, %dma_start3A_334, %dma_start3A_335] : memref<4096x64x64xf32, #tpu.memory_space<hbm>> -> memref<1x64x64xf32, #tpu.memory_space<hbm>>
        %dma_start3A_337 = tpu.memref_squeeze %dma_start3A_336 : memref<1x64x64xf32, #tpu.memory_space<hbm>> -> memref<64x64xf32, #tpu.memory_space<hbm>>
        %dma_start3A_338 = arith.constant 64 : i32
        %dma_start3A_339 = arith.constant 0 : i32
        %dma_start3A_340 = tpu.memref_slice %arg6[%dma_start3A_338, %dma_start3A_339] : memref<256x64xf32, #tpu.memory_space<vmem>> -> memref<64x64xf32, #tpu.memory_space<vmem>>
        %dma_start3A_341 = arith.constant 0 : i32
        %dma_start3A_342 = arith.constant 0 : i32
        %dma_start3A_343 = tpu.memref_slice %arg2[%add3A_330, %dma_start3A_341, %dma_start3A_342] : memref<4096x64x64xf32, #tpu.memory_space<hbm>> -> memref<1x64x64xf32, #tpu.memory_space<hbm>>
        %dma_start3A_344 = tpu.memref_squeeze %dma_start3A_343 : memref<1x64x64xf32, #tpu.memory_space<hbm>> -> memref<64x64xf32, #tpu.memory_space<hbm>>
        tpu.enqueue_dma source(%dma_start3A_344 : memref<64x64xf32, #tpu.memory_space<hbm>>) target(%dma_start3A_340 : memref<64x64xf32, #tpu.memory_space<vmem>>) target_semaphore(%arg10 : memref<!tpu.dma_semaphore, #tpu.memory_space<semaphore_mem>>)
        %add3A_345 = arith.constant 2 : i32
        %add3A_346 = arith.addi %add3A_312, %add3A_345 : i32
        %dma_start3A_347 = arith.constant 128 : i32
        %dma_start3A_348 = arith.constant 0 : i32
        %dma_start3A_349 = tpu.memref_slice %arg6[%dma_start3A_347, %dma_start3A_348] : memref<256x64xf32, #tpu.memory_space<vmem>> -> memref<64x64xf32, #tpu.memory_space<vmem>>
        %dma_start3A_350 = arith.constant 0 : i32
        %dma_start3A_351 = arith.constant 0 : i32
        %dma_start3A_352 = tpu.memref_slice %arg2[%add3A_346, %dma_start3A_350, %dma_start3A_351] : memref<4096x64x64xf32, #tpu.memory_space<hbm>> -> memref<1x64x64xf32, #tpu.memory_space<hbm>>
        %dma_start3A_353 = tpu.memref_squeeze %dma_start3A_352 : memref<1x64x64xf32, #tpu.memory_space<hbm>> -> memref<64x64xf32, #tpu.memory_space<hbm>>
        %dma_start3A_354 = arith.constant 128 : i32
        %dma_start3A_355 = arith.constant 0 : i32
        %dma_start3A_356 = tpu.memref_slice %arg6[%dma_start3A_354, %dma_start3A_355] : memref<256x64xf32, #tpu.memory_space<vmem>> -> memref<64x64xf32, #tpu.memory_space<vmem>>
        %dma_start3A_357 = arith.constant 0 : i32
        %dma_start3A_358 = arith.constant 0 : i32
        %dma_start3A_359 = tpu.memref_slice %arg2[%add3A_346, %dma_start3A_357, %dma_start3A_358] : memref<4096x64x64xf32, #tpu.memory_space<hbm>> -> memref<1x64x64xf32, #tpu.memory_space<hbm>>
        %dma_start3A_360 = tpu.memref_squeeze %dma_start3A_359 : memref<1x64x64xf32, #tpu.memory_space<hbm>> -> memref<64x64xf32, #tpu.memory_space<hbm>>
        tpu.enqueue_dma source(%dma_start3A_360 : memref<64x64xf32, #tpu.memory_space<hbm>>) target(%dma_start3A_356 : memref<64x64xf32, #tpu.memory_space<vmem>>) target_semaphore(%arg10 : memref<!tpu.dma_semaphore, #tpu.memory_space<semaphore_mem>>)
        %add3A_361 = arith.constant 3 : i32
        %add3A_362 = arith.addi %add3A_312, %add3A_361 : i32
        %dma_start3A_363 = arith.constant 192 : i32
        %dma_start3A_364 = arith.constant 0 : i32
        %dma_start3A_365 = tpu.memref_slice %arg6[%dma_start3A_363, %dma_start3A_364] : memref<256x64xf32, #tpu.memory_space<vmem>> -> memref<64x64xf32, #tpu.memory_space<vmem>>
        %dma_start3A_366 = arith.constant 0 : i32
        %dma_start3A_367 = arith.constant 0 : i32
        %dma_start3A_368 = tpu.memref_slice %arg2[%add3A_362, %dma_start3A_366, %dma_start3A_367] : memref<4096x64x64xf32, #tpu.memory_space<hbm>> -> memref<1x64x64xf32, #tpu.memory_space<hbm>>
        %dma_start3A_369 = tpu.memref_squeeze %dma_start3A_368 : memref<1x64x64xf32, #tpu.memory_space<hbm>> -> memref<64x64xf32, #tpu.memory_space<hbm>>
        %dma_start3A_370 = arith.constant 192 : i32
        %dma_start3A_371 = arith.constant 0 : i32
        %dma_start3A_372 = tpu.memref_slice %arg6[%dma_start3A_370, %dma_start3A_371] : memref<256x64xf32, #tpu.memory_space<vmem>> -> memref<64x64xf32, #tpu.memory_space<vmem>>
        %dma_start3A_373 = arith.constant 0 : i32
        %dma_start3A_374 = arith.constant 0 : i32
        %dma_start3A_375 = tpu.memref_slice %arg2[%add3A_362, %dma_start3A_373, %dma_start3A_374] : memref<4096x64x64xf32, #tpu.memory_space<hbm>> -> memref<1x64x64xf32, #tpu.memory_space<hbm>>
        %dma_start3A_376 = tpu.memref_squeeze %dma_start3A_375 : memref<1x64x64xf32, #tpu.memory_space<hbm>> -> memref<64x64xf32, #tpu.memory_space<hbm>>
        tpu.enqueue_dma source(%dma_start3A_376 : memref<64x64xf32, #tpu.memory_space<hbm>>) target(%dma_start3A_372 : memref<64x64xf32, #tpu.memory_space<vmem>>) target_semaphore(%arg10 : memref<!tpu.dma_semaphore, #tpu.memory_space<semaphore_mem>>)
      } else {
      }
      %mul3A_226 = arith.constant 2 : i32
      %mul3A_227 = arith.muli %mul3A_226, %scan3A_148 : i32
      %add3A_228 = arith.constant 1 : i32
      %add3A_229 = arith.addi %mul3A_227, %add3A_228 : i32
      %mul3A_230 = arith.constant 4 : i32
      %mul3A_231 = arith.muli %add3A_229, %mul3A_230 : i32
      %add3A_232 = arith.addi %mul3A_4, %mul3A_231 : i32
      %dma_wait3A_233 = arith.constant 0 : i32
      %dma_wait3A_234 = arith.constant 0 : i32
      %dma_wait3A_235 = tpu.memref_slice %arg7[%dma_wait3A_233, %dma_wait3A_234] : memref<256x64xf32, #tpu.memory_space<vmem>> -> memref<64x64xf32, #tpu.memory_space<vmem>>
      %dma_wait3A_236 = arith.constant 0 : i32
      %dma_wait3A_237 = arith.constant 0 : i32
      %dma_wait3A_238 = tpu.memref_slice %arg2[%mul3A_4, %dma_wait3A_236, %dma_wait3A_237] : memref<4096x64x64xf32, #tpu.memory_space<hbm>> -> memref<1x64x64xf32, #tpu.memory_space<hbm>>
      %dma_wait3A_239 = tpu.memref_squeeze %dma_wait3A_238 : memref<1x64x64xf32, #tpu.memory_space<hbm>> -> memref<64x64xf32, #tpu.memory_space<hbm>>
      %dma_wait3A_240 = arith.constant 0 : i32
      %dma_wait3A_241 = arith.constant 0 : i32
      %dma_wait3A_242 = tpu.memref_slice %arg7[%dma_wait3A_240, %dma_wait3A_241] : memref<256x64xf32, #tpu.memory_space<vmem>> -> memref<64x64xf32, #tpu.memory_space<vmem>>
      %dma_wait3A_243 = arith.constant 0 : i32
      %dma_wait3A_244 = arith.constant 0 : i32
      %dma_wait3A_245 = tpu.memref_slice %arg2[%mul3A_4, %dma_wait3A_243, %dma_wait3A_244] : memref<4096x64x64xf32, #tpu.memory_space<hbm>> -> memref<1x64x64xf32, #tpu.memory_space<hbm>>
      %dma_wait3A_246 = tpu.memref_squeeze %dma_wait3A_245 : memref<1x64x64xf32, #tpu.memory_space<hbm>> -> memref<64x64xf32, #tpu.memory_space<hbm>>
      tpu.wait_dma2 semaphore(%arg11 : memref<!tpu.dma_semaphore, #tpu.memory_space<semaphore_mem>>) src(%dma_wait3A_246 : memref<64x64xf32, #tpu.memory_space<hbm>>) dst(%dma_wait3A_242 : memref<64x64xf32, #tpu.memory_space<vmem>>)
      %dma_wait3A_247 = arith.constant 64 : i32
      %dma_wait3A_248 = arith.constant 0 : i32
      %dma_wait3A_249 = tpu.memref_slice %arg7[%dma_wait3A_247, %dma_wait3A_248] : memref<256x64xf32, #tpu.memory_space<vmem>> -> memref<64x64xf32, #tpu.memory_space<vmem>>
      %dma_wait3A_250 = arith.constant 0 : i32
      %dma_wait3A_251 = arith.constant 0 : i32
      %dma_wait3A_252 = tpu.memref_slice %arg2[%mul3A_4, %dma_wait3A_250, %dma_wait3A_251] : memref<4096x64x64xf32, #tpu.memory_space<hbm>> -> memref<1x64x64xf32, #tpu.memory_space<hbm>>
      %dma_wait3A_253 = tpu.memref_squeeze %dma_wait3A_252 : memref<1x64x64xf32, #tpu.memory_space<hbm>> -> memref<64x64xf32, #tpu.memory_space<hbm>>
      %dma_wait3A_254 = arith.constant 64 : i32
      %dma_wait3A_255 = arith.constant 0 : i32
      %dma_wait3A_256 = tpu.memref_slice %arg7[%dma_wait3A_254, %dma_wait3A_255] : memref<256x64xf32, #tpu.memory_space<vmem>> -> memref<64x64xf32, #tpu.memory_space<vmem>>
      %dma_wait3A_257 = arith.constant 0 : i32
      %dma_wait3A_258 = arith.constant 0 : i32
      %dma_wait3A_259 = tpu.memref_slice %arg2[%mul3A_4, %dma_wait3A_257, %dma_wait3A_258] : memref<4096x64x64xf32, #tpu.memory_space<hbm>> -> memref<1x64x64xf32, #tpu.memory_space<hbm>>
      %dma_wait3A_260 = tpu.memref_squeeze %dma_wait3A_259 : memref<1x64x64xf32, #tpu.memory_space<hbm>> -> memref<64x64xf32, #tpu.memory_space<hbm>>
      tpu.wait_dma2 semaphore(%arg11 : memref<!tpu.dma_semaphore, #tpu.memory_space<semaphore_mem>>) src(%dma_wait3A_260 : memref<64x64xf32, #tpu.memory_space<hbm>>) dst(%dma_wait3A_256 : memref<64x64xf32, #tpu.memory_space<vmem>>)
      %dma_wait3A_261 = arith.constant 128 : i32
      %dma_wait3A_262 = arith.constant 0 : i32
      %dma_wait3A_263 = tpu.memref_slice %arg7[%dma_wait3A_261, %dma_wait3A_262] : memref<256x64xf32, #tpu.memory_space<vmem>> -> memref<64x64xf32, #tpu.memory_space<vmem>>
      %dma_wait3A_264 = arith.constant 0 : i32
      %dma_wait3A_265 = arith.constant 0 : i32
      %dma_wait3A_266 = tpu.memref_slice %arg2[%mul3A_4, %dma_wait3A_264, %dma_wait3A_265] : memref<4096x64x64xf32, #tpu.memory_space<hbm>> -> memref<1x64x64xf32, #tpu.memory_space<hbm>>
      %dma_wait3A_267 = tpu.memref_squeeze %dma_wait3A_266 : memref<1x64x64xf32, #tpu.memory_space<hbm>> -> memref<64x64xf32, #tpu.memory_space<hbm>>
      %dma_wait3A_268 = arith.constant 128 : i32
      %dma_wait3A_269 = arith.constant 0 : i32
      %dma_wait3A_270 = tpu.memref_slice %arg7[%dma_wait3A_268, %dma_wait3A_269] : memref<256x64xf32, #tpu.memory_space<vmem>> -> memref<64x64xf32, #tpu.memory_space<vmem>>
      %dma_wait3A_271 = arith.constant 0 : i32
      %dma_wait3A_272 = arith.constant 0 : i32
      %dma_wait3A_273 = tpu.memref_slice %arg2[%mul3A_4, %dma_wait3A_271, %dma_wait3A_272] : memref<4096x64x64xf32, #tpu.memory_space<hbm>> -> memref<1x64x64xf32, #tpu.memory_space<hbm>>
      %dma_wait3A_274 = tpu.memref_squeeze %dma_wait3A_273 : memref<1x64x64xf32, #tpu.memory_space<hbm>> -> memref<64x64xf32, #tpu.memory_space<hbm>>
      tpu.wait_dma2 semaphore(%arg11 : memref<!tpu.dma_semaphore, #tpu.memory_space<semaphore_mem>>) src(%dma_wait3A_274 : memref<64x64xf32, #tpu.memory_space<hbm>>) dst(%dma_wait3A_270 : memref<64x64xf32, #tpu.memory_space<vmem>>)
      %dma_wait3A_275 = arith.constant 192 : i32
      %dma_wait3A_276 = arith.constant 0 : i32
      %dma_wait3A_277 = tpu.memref_slice %arg7[%dma_wait3A_275, %dma_wait3A_276] : memref<256x64xf32, #tpu.memory_space<vmem>> -> memref<64x64xf32, #tpu.memory_space<vmem>>
      %dma_wait3A_278 = arith.constant 0 : i32
      %dma_wait3A_279 = arith.constant 0 : i32
      %dma_wait3A_280 = tpu.memref_slice %arg2[%mul3A_4, %dma_wait3A_278, %dma_wait3A_279] : memref<4096x64x64xf32, #tpu.memory_space<hbm>> -> memref<1x64x64xf32, #tpu.memory_space<hbm>>
      %dma_wait3A_281 = tpu.memref_squeeze %dma_wait3A_280 : memref<1x64x64xf32, #tpu.memory_space<hbm>> -> memref<64x64xf32, #tpu.memory_space<hbm>>
      %dma_wait3A_282 = arith.constant 192 : i32
      %dma_wait3A_283 = arith.constant 0 : i32
      %dma_wait3A_284 = tpu.memref_slice %arg7[%dma_wait3A_282, %dma_wait3A_283] : memref<256x64xf32, #tpu.memory_space<vmem>> -> memref<64x64xf32, #tpu.memory_space<vmem>>
      %dma_wait3A_285 = arith.constant 0 : i32
      %dma_wait3A_286 = arith.constant 0 : i32
      %dma_wait3A_287 = tpu.memref_slice %arg2[%mul3A_4, %dma_wait3A_285, %dma_wait3A_286] : memref<4096x64x64xf32, #tpu.memory_space<hbm>> -> memref<1x64x64xf32, #tpu.memory_space<hbm>>
      %dma_wait3A_288 = tpu.memref_squeeze %dma_wait3A_287 : memref<1x64x64xf32, #tpu.memory_space<hbm>> -> memref<64x64xf32, #tpu.memory_space<hbm>>
      tpu.wait_dma2 semaphore(%arg11 : memref<!tpu.dma_semaphore, #tpu.memory_space<semaphore_mem>>) src(%dma_wait3A_288 : memref<64x64xf32, #tpu.memory_space<hbm>>) dst(%dma_wait3A_284 : memref<64x64xf32, #tpu.memory_space<vmem>>)
      %ge3A_289 = arith.constant 2 : i32
      %ge3A_290 = arith.cmpi sge, %add3A_229, %ge3A_289 : i32
      %convert_element_type3A_291 = arith.extui %ge3A_290 : i1 to i32
      %cond3A_292 = arith.constant 0 : i32
      %cond3A_293 = arith.cmpi ne, %convert_element_type3A_291, %cond3A_292 : i32
      scf.if %cond3A_293 {
        %dma_wait3A_308 = arith.constant 0 : i32
        %dma_wait3A_309 = tpu.memref_slice %arg4[%mul3A_4, %dma_wait3A_308] : memref<4096x4096xf32, #tpu.memory_space<hbm>> -> memref<4x4096xf32, #tpu.memory_space<hbm>>
        %dma_wait3A_310 = arith.constant 0 : i32
        %dma_wait3A_311 = tpu.memref_slice %arg4[%mul3A_4, %dma_wait3A_310] : memref<4096x4096xf32, #tpu.memory_space<hbm>> -> memref<4x4096xf32, #tpu.memory_space<hbm>>
        tpu.wait_dma2 semaphore(%arg13 : memref<!tpu.dma_semaphore, #tpu.memory_space<semaphore_mem>>) src(%arg9 : memref<4x4096xf32, #tpu.memory_space<vmem>>) dst(%dma_wait3A_311 : memref<4x4096xf32, #tpu.memory_space<hbm>>)
      } else {
      }
      %parallel_loop3A_294 = arith.constant 0 : i32
      %parallel_loop3A_295 = arith.constant 256 : i32
      %parallel_loop3A_296 = arith.constant 1 : i32
      scf.for %parallel_loop3A_308 = %parallel_loop3A_294 to %parallel_loop3A_295 step %parallel_loop3A_296  : i32 {
        %parallel_loop3A_309 = arith.constant 16 : i32
        %parallel_loop3A_310 = arith.muli %parallel_loop3A_308, %parallel_loop3A_309 : i32
        %parallel_loop3A_311 = arith.index_cast %parallel_loop3A_310 : i32 to index
        %parallel_loop3A_312 = tpu.vector_load %arg5[%parallel_loop3A_311] {strides = array<i32>} : memref<4096xi32, #tpu.memory_space<vmem>>, vector<16xi32>,
        %parallel_loop3A_313 = arith.constant 6 : i32
        %parallel_loop3A_314 = vector.broadcast %parallel_loop3A_313 : i32 to vector<16xi32>
        %parallel_loop3A_315 = arith.shrui %parallel_loop3A_312, %parallel_loop3A_314 : vector<16xi32>
        %parallel_loop3A_316 = arith.constant 63 : i32
        %parallel_loop3A_317 = vector.broadcast %parallel_loop3A_316 : i32 to vector<16xi32>
        %parallel_loop3A_318 = arith.andi %parallel_loop3A_312, %parallel_loop3A_317 : vector<16xi32>
        %parallel_loop3A_319 = arith.constant 0 : i32
        %parallel_loop3A_320 = vector.broadcast %parallel_loop3A_319 : i32 to vector<16xi32>
        %parallel_loop3A_321 = arith.addi %parallel_loop3A_315, %parallel_loop3A_320 : vector<16xi32>
        %parallel_loop3A_322 = tpu.vector_load_idx %arg7[%parallel_loop3A_321, %parallel_loop3A_318] : memref<256x64xf32, #tpu.memory_space<vmem>>[vector<16xi32>, vector<16xi32>], vector<16xf32>,
        %parallel_loop3A_323 = arith.constant 0 : i32
        %parallel_loop3A_324 = arith.index_cast %parallel_loop3A_323 : i32 to index
        %parallel_loop3A_325 = arith.index_cast %parallel_loop3A_310 : i32 to index
        %parallel_loop3A_326 = tpu.vector_load %arg9[%parallel_loop3A_324, %parallel_loop3A_325] {strides = array<i32>} : memref<4x4096xf32, #tpu.memory_space<vmem>>, vector<16xf32>,
        tpu.vector_store %arg9[%parallel_loop3A_324, %parallel_loop3A_325], %parallel_loop3A_322 {strides = array<i32>} : memref<4x4096xf32, #tpu.memory_space<vmem>>, vector<16xf32>,
        %parallel_loop3A_327 = arith.constant 64 : i32
        %parallel_loop3A_328 = vector.broadcast %parallel_loop3A_327 : i32 to vector<16xi32>
        %parallel_loop3A_329 = arith.addi %parallel_loop3A_315, %parallel_loop3A_328 : vector<16xi32>
        %parallel_loop3A_330 = tpu.vector_load_idx %arg7[%parallel_loop3A_329, %parallel_loop3A_318] : memref<256x64xf32, #tpu.memory_space<vmem>>[vector<16xi32>, vector<16xi32>], vector<16xf32>,
        %parallel_loop3A_331 = arith.constant 1 : i32
        %parallel_loop3A_332 = arith.index_cast %parallel_loop3A_331 : i32 to index
        %parallel_loop3A_333 = arith.index_cast %parallel_loop3A_310 : i32 to index
        %parallel_loop3A_334 = tpu.vector_load %arg9[%parallel_loop3A_332, %parallel_loop3A_333] {strides = array<i32>} : memref<4x4096xf32, #tpu.memory_space<vmem>>, vector<16xf32>,
        tpu.vector_store %arg9[%parallel_loop3A_332, %parallel_loop3A_333], %parallel_loop3A_330 {strides = array<i32>} : memref<4x4096xf32, #tpu.memory_space<vmem>>, vector<16xf32>,
        %parallel_loop3A_335 = arith.constant 128 : i32
        %parallel_loop3A_336 = vector.broadcast %parallel_loop3A_335 : i32 to vector<16xi32>
        %parallel_loop3A_337 = arith.addi %parallel_loop3A_315, %parallel_loop3A_336 : vector<16xi32>
        %parallel_loop3A_338 = tpu.vector_load_idx %arg7[%parallel_loop3A_337, %parallel_loop3A_318] : memref<256x64xf32, #tpu.memory_space<vmem>>[vector<16xi32>, vector<16xi32>], vector<16xf32>,
        %parallel_loop3A_339 = arith.constant 2 : i32
        %parallel_loop3A_340 = arith.index_cast %parallel_loop3A_339 : i32 to index
        %parallel_loop3A_341 = arith.index_cast %parallel_loop3A_310 : i32 to index
        %parallel_loop3A_342 = tpu.vector_load %arg9[%parallel_loop3A_340, %parallel_loop3A_341] {strides = array<i32>} : memref<4x4096xf32, #tpu.memory_space<vmem>>, vector<16xf32>,
        tpu.vector_store %arg9[%parallel_loop3A_340, %parallel_loop3A_341], %parallel_loop3A_338 {strides = array<i32>} : memref<4x4096xf32, #tpu.memory_space<vmem>>, vector<16xf32>,
        %parallel_loop3A_343 = arith.constant 192 : i32
        %parallel_loop3A_344 = vector.broadcast %parallel_loop3A_343 : i32 to vector<16xi32>
        %parallel_loop3A_345 = arith.addi %parallel_loop3A_315, %parallel_loop3A_344 : vector<16xi32>
        %parallel_loop3A_346 = tpu.vector_load_idx %arg7[%parallel_loop3A_345, %parallel_loop3A_318] : memref<256x64xf32, #tpu.memory_space<vmem>>[vector<16xi32>, vector<16xi32>], vector<16xf32>,
        %parallel_loop3A_347 = arith.constant 3 : i32
        %parallel_loop3A_348 = arith.index_cast %parallel_loop3A_347 : i32 to index
        %parallel_loop3A_349 = arith.index_cast %parallel_loop3A_310 : i32 to index
        %parallel_loop3A_350 = tpu.vector_load %arg9[%parallel_loop3A_348, %parallel_loop3A_349] {strides = array<i32>} : memref<4x4096xf32, #tpu.memory_space<vmem>>, vector<16xf32>,
        tpu.vector_store %arg9[%parallel_loop3A_348, %parallel_loop3A_349], %parallel_loop3A_346 {strides = array<i32>} : memref<4x4096xf32, #tpu.memory_space<vmem>>, vector<16xf32>,
      } {sc.loop_unroll_factor = 4 : i64, sc.parallel_access}
      %dma_start3A_297 = arith.constant 0 : i32
      %dma_start3A_298 = tpu.memref_slice %arg4[%add3A_232, %dma_start3A_297] : memref<4096x4096xf32, #tpu.memory_space<hbm>> -> memref<4x4096xf32, #tpu.memory_space<hbm>>
      %dma_start3A_299 = arith.constant 0 : i32
      %dma_start3A_300 = tpu.memref_slice %arg4[%add3A_232, %dma_start3A_299] : memref<4096x4096xf32, #tpu.memory_space<hbm>> -> memref<4x4096xf32, #tpu.memory_space<hbm>>
      tpu.enqueue_dma source(%arg9 : memref<4x4096xf32, #tpu.memory_space<vmem>>) target(%dma_start3A_300 : memref<4x4096xf32, #tpu.memory_space<hbm>>) target_semaphore(%arg13 : memref<!tpu.dma_semaphore, #tpu.memory_space<semaphore_mem>>)
      %add3A_301 = arith.constant 2 : i32
      %add3A_302 = arith.addi %add3A_229, %add3A_301 : i32
      %lt3A_303 = arith.constant 32 : i32
      %lt3A_304 = arith.cmpi slt, %add3A_302, %lt3A_303 : i32
      %convert_element_type3A_305 = arith.extui %lt3A_304 : i1 to i32
      %cond3A_306 = arith.constant 0 : i32
      %cond3A_307 = arith.cmpi ne, %convert_element_type3A_305, %cond3A_306 : i32
      scf.if %cond3A_307 {
        %add3A_308 = arith.constant 2 : i32
        %add3A_309 = arith.addi %add3A_229, %add3A_308 : i32
        %mul3A_310 = arith.constant 4 : i32
        %mul3A_311 = arith.muli %add3A_309, %mul3A_310 : i32
        %add3A_312 = arith.addi %mul3A_4, %mul3A_311 : i32
        %add3A_313 = arith.constant 0 : i32
        %add3A_314 = arith.addi %add3A_312, %add3A_313 : i32
        %dma_start3A_315 = arith.constant 0 : i32
        %dma_start3A_316 = arith.constant 0 : i32
        %dma_start3A_317 = tpu.memref_slice %arg7[%dma_start3A_315, %dma_start3A_316] : memref<256x64xf32, #tpu.memory_space<vmem>> -> memref<64x64xf32, #tpu.memory_space<vmem>>
        %dma_start3A_318 = arith.constant 0 : i32
        %dma_start3A_319 = arith.constant 0 : i32
        %dma_start3A_320 = tpu.memref_slice %arg2[%add3A_314, %dma_start3A_318, %dma_start3A_319] : memref<4096x64x64xf32, #tpu.memory_space<hbm>> -> memref<1x64x64xf32, #tpu.memory_space<hbm>>
        %dma_start3A_321 = tpu.memref_squeeze %dma_start3A_320 : memref<1x64x64xf32, #tpu.memory_space<hbm>> -> memref<64x64xf32, #tpu.memory_space<hbm>>
        %dma_start3A_322 = arith.constant 0 : i32
        %dma_start3A_323 = arith.constant 0 : i32
        %dma_start3A_324 = tpu.memref_slice %arg7[%dma_start3A_322, %dma_start3A_323] : memref<256x64xf32, #tpu.memory_space<vmem>> -> memref<64x64xf32, #tpu.memory_space<vmem>>
        %dma_start3A_325 = arith.constant 0 : i32
        %dma_start3A_326 = arith.constant 0 : i32
        %dma_start3A_327 = tpu.memref_slice %arg2[%add3A_314, %dma_start3A_325, %dma_start3A_326] : memref<4096x64x64xf32, #tpu.memory_space<hbm>> -> memref<1x64x64xf32, #tpu.memory_space<hbm>>
        %dma_start3A_328 = tpu.memref_squeeze %dma_start3A_327 : memref<1x64x64xf32, #tpu.memory_space<hbm>> -> memref<64x64xf32, #tpu.memory_space<hbm>>
        tpu.enqueue_dma source(%dma_start3A_328 : memref<64x64xf32, #tpu.memory_space<hbm>>) target(%dma_start3A_324 : memref<64x64xf32, #tpu.memory_space<vmem>>) target_semaphore(%arg11 : memref<!tpu.dma_semaphore, #tpu.memory_space<semaphore_mem>>)
        %add3A_329 = arith.constant 1 : i32
        %add3A_330 = arith.addi %add3A_312, %add3A_329 : i32
        %dma_start3A_331 = arith.constant 64 : i32
        %dma_start3A_332 = arith.constant 0 : i32
        %dma_start3A_333 = tpu.memref_slice %arg7[%dma_start3A_331, %dma_start3A_332] : memref<256x64xf32, #tpu.memory_space<vmem>> -> memref<64x64xf32, #tpu.memory_space<vmem>>
        %dma_start3A_334 = arith.constant 0 : i32
        %dma_start3A_335 = arith.constant 0 : i32
        %dma_start3A_336 = tpu.memref_slice %arg2[%add3A_330, %dma_start3A_334, %dma_start3A_335] : memref<4096x64x64xf32, #tpu.memory_space<hbm>> -> memref<1x64x64xf32, #tpu.memory_space<hbm>>
        %dma_start3A_337 = tpu.memref_squeeze %dma_start3A_336 : memref<1x64x64xf32, #tpu.memory_space<hbm>> -> memref<64x64xf32, #tpu.memory_space<hbm>>
        %dma_start3A_338 = arith.constant 64 : i32
        %dma_start3A_339 = arith.constant 0 : i32
        %dma_start3A_340 = tpu.memref_slice %arg7[%dma_start3A_338, %dma_start3A_339] : memref<256x64xf32, #tpu.memory_space<vmem>> -> memref<64x64xf32, #tpu.memory_space<vmem>>
        %dma_start3A_341 = arith.constant 0 : i32
        %dma_start3A_342 = arith.constant 0 : i32
        %dma_start3A_343 = tpu.memref_slice %arg2[%add3A_330, %dma_start3A_341, %dma_start3A_342] : memref<4096x64x64xf32, #tpu.memory_space<hbm>> -> memref<1x64x64xf32, #tpu.memory_space<hbm>>
        %dma_start3A_344 = tpu.memref_squeeze %dma_start3A_343 : memref<1x64x64xf32, #tpu.memory_space<hbm>> -> memref<64x64xf32, #tpu.memory_space<hbm>>
        tpu.enqueue_dma source(%dma_start3A_344 : memref<64x64xf32, #tpu.memory_space<hbm>>) target(%dma_start3A_340 : memref<64x64xf32, #tpu.memory_space<vmem>>) target_semaphore(%arg11 : memref<!tpu.dma_semaphore, #tpu.memory_space<semaphore_mem>>)
        %add3A_345 = arith.constant 2 : i32
        %add3A_346 = arith.addi %add3A_312, %add3A_345 : i32
        %dma_start3A_347 = arith.constant 128 : i32
        %dma_start3A_348 = arith.constant 0 : i32
        %dma_start3A_349 = tpu.memref_slice %arg7[%dma_start3A_347, %dma_start3A_348] : memref<256x64xf32, #tpu.memory_space<vmem>> -> memref<64x64xf32, #tpu.memory_space<vmem>>
        %dma_start3A_350 = arith.constant 0 : i32
        %dma_start3A_351 = arith.constant 0 : i32
        %dma_start3A_352 = tpu.memref_slice %arg2[%add3A_346, %dma_start3A_350, %dma_start3A_351] : memref<4096x64x64xf32, #tpu.memory_space<hbm>> -> memref<1x64x64xf32, #tpu.memory_space<hbm>>
        %dma_start3A_353 = tpu.memref_squeeze %dma_start3A_352 : memref<1x64x64xf32, #tpu.memory_space<hbm>> -> memref<64x64xf32, #tpu.memory_space<hbm>>
        %dma_start3A_354 = arith.constant 128 : i32
        %dma_start3A_355 = arith.constant 0 : i32
        %dma_start3A_356 = tpu.memref_slice %arg7[%dma_start3A_354, %dma_start3A_355] : memref<256x64xf32, #tpu.memory_space<vmem>> -> memref<64x64xf32, #tpu.memory_space<vmem>>
        %dma_start3A_357 = arith.constant 0 : i32
        %dma_start3A_358 = arith.constant 0 : i32
        %dma_start3A_359 = tpu.memref_slice %arg2[%add3A_346, %dma_start3A_357, %dma_start3A_358] : memref<4096x64x64xf32, #tpu.memory_space<hbm>> -> memref<1x64x64xf32, #tpu.memory_space<hbm>>
        %dma_start3A_360 = tpu.memref_squeeze %dma_start3A_359 : memref<1x64x64xf32, #tpu.memory_space<hbm>> -> memref<64x64xf32, #tpu.memory_space<hbm>>
        tpu.enqueue_dma source(%dma_start3A_360 : memref<64x64xf32, #tpu.memory_space<hbm>>) target(%dma_start3A_356 : memref<64x64xf32, #tpu.memory_space<vmem>>) target_semaphore(%arg11 : memref<!tpu.dma_semaphore, #tpu.memory_space<semaphore_mem>>)
        %add3A_361 = arith.constant 3 : i32
        %add3A_362 = arith.addi %add3A_312, %add3A_361 : i32
        %dma_start3A_363 = arith.constant 192 : i32
        %dma_start3A_364 = arith.constant 0 : i32
        %dma_start3A_365 = tpu.memref_slice %arg7[%dma_start3A_363, %dma_start3A_364] : memref<256x64xf32, #tpu.memory_space<vmem>> -> memref<64x64xf32, #tpu.memory_space<vmem>>
        %dma_start3A_366 = arith.constant 0 : i32
        %dma_start3A_367 = arith.constant 0 : i32
        %dma_start3A_368 = tpu.memref_slice %arg2[%add3A_362, %dma_start3A_366, %dma_start3A_367] : memref<4096x64x64xf32, #tpu.memory_space<hbm>> -> memref<1x64x64xf32, #tpu.memory_space<hbm>>
        %dma_start3A_369 = tpu.memref_squeeze %dma_start3A_368 : memref<1x64x64xf32, #tpu.memory_space<hbm>> -> memref<64x64xf32, #tpu.memory_space<hbm>>
        %dma_start3A_370 = arith.constant 192 : i32
        %dma_start3A_371 = arith.constant 0 : i32
        %dma_start3A_372 = tpu.memref_slice %arg7[%dma_start3A_370, %dma_start3A_371] : memref<256x64xf32, #tpu.memory_space<vmem>> -> memref<64x64xf32, #tpu.memory_space<vmem>>
        %dma_start3A_373 = arith.constant 0 : i32
        %dma_start3A_374 = arith.constant 0 : i32
        %dma_start3A_375 = tpu.memref_slice %arg2[%add3A_362, %dma_start3A_373, %dma_start3A_374] : memref<4096x64x64xf32, #tpu.memory_space<hbm>> -> memref<1x64x64xf32, #tpu.memory_space<hbm>>
        %dma_start3A_376 = tpu.memref_squeeze %dma_start3A_375 : memref<1x64x64xf32, #tpu.memory_space<hbm>> -> memref<64x64xf32, #tpu.memory_space<hbm>>
        tpu.enqueue_dma source(%dma_start3A_376 : memref<64x64xf32, #tpu.memory_space<hbm>>) target(%dma_start3A_372 : memref<64x64xf32, #tpu.memory_space<vmem>>) target_semaphore(%arg11 : memref<!tpu.dma_semaphore, #tpu.memory_space<semaphore_mem>>)
      } else {
      }
    }
    %scan3A_140 = arith.constant 16 : i32
    %dma_wait3A = arith.constant 0 : i32
    %dma_wait3A_141 = tpu.memref_slice %arg4[%mul3A_4, %dma_wait3A] : memref<4096x4096xf32, #tpu.memory_space<hbm>> -> memref<4x4096xf32, #tpu.memory_space<hbm>>
    %dma_wait3A_142 = arith.constant 0 : i32
    %dma_wait3A_143 = tpu.memref_slice %arg4[%mul3A_4, %dma_wait3A_142] : memref<4096x4096xf32, #tpu.memory_space<hbm>> -> memref<4x4096xf32, #tpu.memory_space<hbm>>
    tpu.wait_dma2 semaphore(%arg12 : memref<!tpu.dma_semaphore, #tpu.memory_space<semaphore_mem>>) src(%arg8 : memref<4x4096xf32, #tpu.memory_space<vmem>>) dst(%dma_wait3A_143 : memref<4x4096xf32, #tpu.memory_space<hbm>>)
    %dma_wait3A_144 = arith.constant 0 : i32
    %dma_wait3A_145 = tpu.memref_slice %arg4[%mul3A_4, %dma_wait3A_144] : memref<4096x4096xf32, #tpu.memory_space<hbm>> -> memref<4x4096xf32, #tpu.memory_space<hbm>>
    %dma_wait3A_146 = arith.constant 0 : i32
    %dma_wait3A_147 = tpu.memref_slice %arg4[%mul3A_4, %dma_wait3A_146] : memref<4096x4096xf32, #tpu.memory_space<hbm>> -> memref<4x4096xf32, #tpu.memory_space<hbm>>
    tpu.wait_dma2 semaphore(%arg13 : memref<!tpu.dma_semaphore, #tpu.memory_space<semaphore_mem>>) src(%arg9 : memref<4x4096xf32, #tpu.memory_space<vmem>>) dst(%dma_wait3A_147 : memref<4x4096xf32, #tpu.memory_space<hbm>>)
    return
  }
}

#map = affine_map<(d0, d1) -> (0, 0)>
#map1 = affine_map<(d0, d1) -> (0)>
#map2 = affine_map<(d0, d1) -> (0, 0, 0)>
module attributes {stable_mosaic.version = 14 : i64} {
  func.func @_scatter_body(%arg0: i32, %arg1: i32, %arg2: memref<4096x4096xf32, #tpu.memory_space<hbm>>, %arg3: memref<4096xi32, #tpu.memory_space<hbm>>, %arg4: memref<4096x64x64xf32, #tpu.memory_space<hbm>>, %arg5: memref<4096xi32, #tpu.memory_space<vmem>>, %arg6: memref<4x4096xf32, #tpu.memory_space<vmem>>, %arg7: memref<4x4096xf32, #tpu.memory_space<vmem>>, %arg8: memref<256x64xf32, #tpu.memory_space<vmem>>, %arg9: memref<256x64xf32, #tpu.memory_space<vmem>>, %arg10: memref<!tpu.dma_semaphore, #tpu.memory_space<semaphore_mem>>, %arg11: memref<!tpu.dma_semaphore, #tpu.memory_space<semaphore_mem>>, %arg12: memref<!tpu.dma_semaphore, #tpu.memory_space<semaphore_mem>>, %arg13: memref<!tpu.dma_semaphore, #tpu.memory_space<semaphore_mem>>) attributes {dimension_semantics = [#tpu.dimension_semantics<core_parallel>, #tpu.dimension_semantics<subcore_parallel>], iteration_bounds = array<i64: 2, 16>, scalar_prefetch = 0 : i64, scratch_operands = 9 : i64, tpu.core_type = #tpu.core_type<sc_vector_subcore>, window_params = [{transform_indices = #map}, {transform_indices = #map1}, {transform_indices = #map2}]} {
    %mul3A = arith.constant 2 : i32
    %mul3A_0 = arith.muli %arg1, %mul3A : i32
    %add3A = arith.addi %mul3A_0, %arg0 : i32
    %mul3A_1 = arith.constant 32 : i32
    %mul3A_2 = arith.muli %add3A, %mul3A_1 : i32
    %mul3A_3 = arith.constant 4 : i32
    %mul3A_4 = arith.muli %mul3A_2, %mul3A_3 : i32
    "tpu.region"() ({
      %run_scoped3A = tpu.sem_alloc : memref<!tpu.dma_semaphore, #tpu.memory_space<semaphore_mem>>
      tpu.enqueue_dma source(%arg3 : memref<4096xi32, #tpu.memory_space<hbm>>) target(%arg5 : memref<4096xi32, #tpu.memory_space<vmem>>) target_semaphore(%run_scoped3A : memref<!tpu.dma_semaphore, #tpu.memory_space<semaphore_mem>>)
      tpu.wait_dma2 semaphore(%run_scoped3A : memref<!tpu.dma_semaphore, #tpu.memory_space<semaphore_mem>>) src(%arg3 : memref<4096xi32, #tpu.memory_space<hbm>>) dst(%arg5 : memref<4096xi32, #tpu.memory_space<vmem>>)
      tpu.yield
    }) : () -> ()
    %dma_start3A = arith.constant 0 : i32
    %dma_start3A_5 = tpu.memref_slice %arg2[%mul3A_4, %dma_start3A] : memref<4096x4096xf32, #tpu.memory_space<hbm>> -> memref<4x4096xf32, #tpu.memory_space<hbm>>
    %dma_start3A_6 = arith.constant 0 : i32
    %dma_start3A_7 = tpu.memref_slice %arg2[%mul3A_4, %dma_start3A_6] : memref<4096x4096xf32, #tpu.memory_space<hbm>> -> memref<4x4096xf32, #tpu.memory_space<hbm>>
    tpu.enqueue_dma source(%dma_start3A_7 : memref<4x4096xf32, #tpu.memory_space<hbm>>) target(%arg6 : memref<4x4096xf32, #tpu.memory_space<vmem>>) target_semaphore(%arg10 : memref<!tpu.dma_semaphore, #tpu.memory_space<semaphore_mem>>)
    %add3A_8 = arith.constant 4 : i32
    %add3A_9 = arith.addi %mul3A_4, %add3A_8 : i32
    %dma_start3A_10 = arith.constant 0 : i32
    %dma_start3A_11 = tpu.memref_slice %arg2[%add3A_9, %dma_start3A_10] : memref<4096x4096xf32, #tpu.memory_space<hbm>> -> memref<4x4096xf32, #tpu.memory_space<hbm>>
    %dma_start3A_12 = arith.constant 0 : i32
    %dma_start3A_13 = tpu.memref_slice %arg2[%add3A_9, %dma_start3A_12] : memref<4096x4096xf32, #tpu.memory_space<hbm>> -> memref<4x4096xf32, #tpu.memory_space<hbm>>
    tpu.enqueue_dma source(%dma_start3A_13 : memref<4x4096xf32, #tpu.memory_space<hbm>>) target(%arg7 : memref<4x4096xf32, #tpu.memory_space<vmem>>) target_semaphore(%arg11 : memref<!tpu.dma_semaphore, #tpu.memory_space<semaphore_mem>>)
    %scan3A = arith.constant 0 : i32
    %scan3A_14 = arith.constant 0 : i32
    %scan3A_15 = arith.constant 16 : i32
    %scan3A_16 = arith.addi %scan3A_14, %scan3A_15 : i32
    %scan3A_17 = arith.constant 1 : i32
    scf.for %scan3A_130 = %scan3A_14 to %scan3A_16 step %scan3A_17  : i32 {
      %mul3A_131 = arith.constant 2 : i32
      %mul3A_132 = arith.muli %mul3A_131, %scan3A_130 : i32
      %add3A_133 = arith.constant 0 : i32
      %add3A_134 = arith.addi %mul3A_132, %add3A_133 : i32
      %mul3A_135 = arith.constant 4 : i32
      %mul3A_136 = arith.muli %add3A_134, %mul3A_135 : i32
      %add3A_137 = arith.addi %mul3A_4, %mul3A_136 : i32
      %dma_wait3A_138 = arith.constant 0 : i32
      %dma_wait3A_139 = tpu.memref_slice %arg2[%mul3A_4, %dma_wait3A_138] : memref<4096x4096xf32, #tpu.memory_space<hbm>> -> memref<4x4096xf32, #tpu.memory_space<hbm>>
      %dma_wait3A_140 = arith.constant 0 : i32
      %dma_wait3A_141 = tpu.memref_slice %arg2[%mul3A_4, %dma_wait3A_140] : memref<4096x4096xf32, #tpu.memory_space<hbm>> -> memref<4x4096xf32, #tpu.memory_space<hbm>>
      tpu.wait_dma2 semaphore(%arg10 : memref<!tpu.dma_semaphore, #tpu.memory_space<semaphore_mem>>) src(%dma_wait3A_141 : memref<4x4096xf32, #tpu.memory_space<hbm>>) dst(%arg6 : memref<4x4096xf32, #tpu.memory_space<vmem>>)
      %ge3A = arith.constant 2 : i32
      %ge3A_142 = arith.cmpi sge, %add3A_134, %ge3A : i32
      %convert_element_type3A = arith.extui %ge3A_142 : i1 to i32
      %cond3A = arith.constant 0 : i32
      %cond3A_143 = arith.cmpi ne, %convert_element_type3A, %cond3A : i32
      scf.if %cond3A_143 {
        %dma_wait3A_312 = arith.constant 0 : i32
        %dma_wait3A_313 = arith.constant 0 : i32
        %dma_wait3A_314 = tpu.memref_slice %arg8[%dma_wait3A_312, %dma_wait3A_313] : memref<256x64xf32, #tpu.memory_space<vmem>> -> memref<64x64xf32, #tpu.memory_space<vmem>>
        %dma_wait3A_315 = arith.constant 0 : i32
        %dma_wait3A_316 = arith.constant 0 : i32
        %dma_wait3A_317 = tpu.memref_slice %arg4[%mul3A_4, %dma_wait3A_315, %dma_wait3A_316] : memref<4096x64x64xf32, #tpu.memory_space<hbm>> -> memref<1x64x64xf32, #tpu.memory_space<hbm>>
        %dma_wait3A_318 = tpu.memref_squeeze %dma_wait3A_317 : memref<1x64x64xf32, #tpu.memory_space<hbm>> -> memref<64x64xf32, #tpu.memory_space<hbm>>
        %dma_wait3A_319 = arith.constant 0 : i32
        %dma_wait3A_320 = arith.constant 0 : i32
        %dma_wait3A_321 = tpu.memref_slice %arg4[%mul3A_4, %dma_wait3A_319, %dma_wait3A_320] : memref<4096x64x64xf32, #tpu.memory_space<hbm>> -> memref<1x64x64xf32, #tpu.memory_space<hbm>>
        %dma_wait3A_322 = tpu.memref_squeeze %dma_wait3A_321 : memref<1x64x64xf32, #tpu.memory_space<hbm>> -> memref<64x64xf32, #tpu.memory_space<hbm>>
        %dma_wait3A_323 = arith.constant 0 : i32
        %dma_wait3A_324 = arith.constant 0 : i32
        %dma_wait3A_325 = tpu.memref_slice %arg8[%dma_wait3A_323, %dma_wait3A_324] : memref<256x64xf32, #tpu.memory_space<vmem>> -> memref<64x64xf32, #tpu.memory_space<vmem>>
        tpu.wait_dma2 semaphore(%arg12 : memref<!tpu.dma_semaphore, #tpu.memory_space<semaphore_mem>>) src(%dma_wait3A_325 : memref<64x64xf32, #tpu.memory_space<vmem>>) dst(%dma_wait3A_322 : memref<64x64xf32, #tpu.memory_space<hbm>>)
        %dma_wait3A_326 = arith.constant 64 : i32
        %dma_wait3A_327 = arith.constant 0 : i32
        %dma_wait3A_328 = tpu.memref_slice %arg8[%dma_wait3A_326, %dma_wait3A_327] : memref<256x64xf32, #tpu.memory_space<vmem>> -> memref<64x64xf32, #tpu.memory_space<vmem>>
        %dma_wait3A_329 = arith.constant 0 : i32
        %dma_wait3A_330 = arith.constant 0 : i32
        %dma_wait3A_331 = tpu.memref_slice %arg4[%mul3A_4, %dma_wait3A_329, %dma_wait3A_330] : memref<4096x64x64xf32, #tpu.memory_space<hbm>> -> memref<1x64x64xf32, #tpu.memory_space<hbm>>
        %dma_wait3A_332 = tpu.memref_squeeze %dma_wait3A_331 : memref<1x64x64xf32, #tpu.memory_space<hbm>> -> memref<64x64xf32, #tpu.memory_space<hbm>>
        %dma_wait3A_333 = arith.constant 0 : i32
        %dma_wait3A_334 = arith.constant 0 : i32
        %dma_wait3A_335 = tpu.memref_slice %arg4[%mul3A_4, %dma_wait3A_333, %dma_wait3A_334] : memref<4096x64x64xf32, #tpu.memory_space<hbm>> -> memref<1x64x64xf32, #tpu.memory_space<hbm>>
        %dma_wait3A_336 = tpu.memref_squeeze %dma_wait3A_335 : memref<1x64x64xf32, #tpu.memory_space<hbm>> -> memref<64x64xf32, #tpu.memory_space<hbm>>
        %dma_wait3A_337 = arith.constant 64 : i32
        %dma_wait3A_338 = arith.constant 0 : i32
        %dma_wait3A_339 = tpu.memref_slice %arg8[%dma_wait3A_337, %dma_wait3A_338] : memref<256x64xf32, #tpu.memory_space<vmem>> -> memref<64x64xf32, #tpu.memory_space<vmem>>
        tpu.wait_dma2 semaphore(%arg12 : memref<!tpu.dma_semaphore, #tpu.memory_space<semaphore_mem>>) src(%dma_wait3A_339 : memref<64x64xf32, #tpu.memory_space<vmem>>) dst(%dma_wait3A_336 : memref<64x64xf32, #tpu.memory_space<hbm>>)
        %dma_wait3A_340 = arith.constant 128 : i32
        %dma_wait3A_341 = arith.constant 0 : i32
        %dma_wait3A_342 = tpu.memref_slice %arg8[%dma_wait3A_340, %dma_wait3A_341] : memref<256x64xf32, #tpu.memory_space<vmem>> -> memref<64x64xf32, #tpu.memory_space<vmem>>
        %dma_wait3A_343 = arith.constant 0 : i32
        %dma_wait3A_344 = arith.constant 0 : i32
        %dma_wait3A_345 = tpu.memref_slice %arg4[%mul3A_4, %dma_wait3A_343, %dma_wait3A_344] : memref<4096x64x64xf32, #tpu.memory_space<hbm>> -> memref<1x64x64xf32, #tpu.memory_space<hbm>>
        %dma_wait3A_346 = tpu.memref_squeeze %dma_wait3A_345 : memref<1x64x64xf32, #tpu.memory_space<hbm>> -> memref<64x64xf32, #tpu.memory_space<hbm>>
        %dma_wait3A_347 = arith.constant 0 : i32
        %dma_wait3A_348 = arith.constant 0 : i32
        %dma_wait3A_349 = tpu.memref_slice %arg4[%mul3A_4, %dma_wait3A_347, %dma_wait3A_348] : memref<4096x64x64xf32, #tpu.memory_space<hbm>> -> memref<1x64x64xf32, #tpu.memory_space<hbm>>
        %dma_wait3A_350 = tpu.memref_squeeze %dma_wait3A_349 : memref<1x64x64xf32, #tpu.memory_space<hbm>> -> memref<64x64xf32, #tpu.memory_space<hbm>>
        %dma_wait3A_351 = arith.constant 128 : i32
        %dma_wait3A_352 = arith.constant 0 : i32
        %dma_wait3A_353 = tpu.memref_slice %arg8[%dma_wait3A_351, %dma_wait3A_352] : memref<256x64xf32, #tpu.memory_space<vmem>> -> memref<64x64xf32, #tpu.memory_space<vmem>>
        tpu.wait_dma2 semaphore(%arg12 : memref<!tpu.dma_semaphore, #tpu.memory_space<semaphore_mem>>) src(%dma_wait3A_353 : memref<64x64xf32, #tpu.memory_space<vmem>>) dst(%dma_wait3A_350 : memref<64x64xf32, #tpu.memory_space<hbm>>)
        %dma_wait3A_354 = arith.constant 192 : i32
        %dma_wait3A_355 = arith.constant 0 : i32
        %dma_wait3A_356 = tpu.memref_slice %arg8[%dma_wait3A_354, %dma_wait3A_355] : memref<256x64xf32, #tpu.memory_space<vmem>> -> memref<64x64xf32, #tpu.memory_space<vmem>>
        %dma_wait3A_357 = arith.constant 0 : i32
        %dma_wait3A_358 = arith.constant 0 : i32
        %dma_wait3A_359 = tpu.memref_slice %arg4[%mul3A_4, %dma_wait3A_357, %dma_wait3A_358] : memref<4096x64x64xf32, #tpu.memory_space<hbm>> -> memref<1x64x64xf32, #tpu.memory_space<hbm>>
        %dma_wait3A_360 = tpu.memref_squeeze %dma_wait3A_359 : memref<1x64x64xf32, #tpu.memory_space<hbm>> -> memref<64x64xf32, #tpu.memory_space<hbm>>
        %dma_wait3A_361 = arith.constant 0 : i32
        %dma_wait3A_362 = arith.constant 0 : i32
        %dma_wait3A_363 = tpu.memref_slice %arg4[%mul3A_4, %dma_wait3A_361, %dma_wait3A_362] : memref<4096x64x64xf32, #tpu.memory_space<hbm>> -> memref<1x64x64xf32, #tpu.memory_space<hbm>>
        %dma_wait3A_364 = tpu.memref_squeeze %dma_wait3A_363 : memref<1x64x64xf32, #tpu.memory_space<hbm>> -> memref<64x64xf32, #tpu.memory_space<hbm>>
        %dma_wait3A_365 = arith.constant 192 : i32
        %dma_wait3A_366 = arith.constant 0 : i32
        %dma_wait3A_367 = tpu.memref_slice %arg8[%dma_wait3A_365, %dma_wait3A_366] : memref<256x64xf32, #tpu.memory_space<vmem>> -> memref<64x64xf32, #tpu.memory_space<vmem>>
        tpu.wait_dma2 semaphore(%arg12 : memref<!tpu.dma_semaphore, #tpu.memory_space<semaphore_mem>>) src(%dma_wait3A_367 : memref<64x64xf32, #tpu.memory_space<vmem>>) dst(%dma_wait3A_364 : memref<64x64xf32, #tpu.memory_space<hbm>>)
      } else {
      }
      %parallel_loop3A = arith.constant 0 : i32
      %parallel_loop3A_144 = arith.constant 256 : i32
      %parallel_loop3A_145 = arith.constant 1 : i32
      scf.for %parallel_loop3A_312 = %parallel_loop3A to %parallel_loop3A_144 step %parallel_loop3A_145  : i32 {
        %parallel_loop3A_313 = arith.constant 16 : i32
        %parallel_loop3A_314 = arith.muli %parallel_loop3A_312, %parallel_loop3A_313 : i32
        %parallel_loop3A_315 = arith.index_cast %parallel_loop3A_314 : i32 to index
        %parallel_loop3A_316 = tpu.vector_load %arg5[%parallel_loop3A_315] {strides = array<i32>} : memref<4096xi32, #tpu.memory_space<vmem>>, vector<16xi32>,
        %parallel_loop3A_317 = arith.constant 6 : i32
        %parallel_loop3A_318 = vector.broadcast %parallel_loop3A_317 : i32 to vector<16xi32>
        %parallel_loop3A_319 = arith.shrui %parallel_loop3A_316, %parallel_loop3A_318 : vector<16xi32>
        %parallel_loop3A_320 = arith.constant 63 : i32
        %parallel_loop3A_321 = vector.broadcast %parallel_loop3A_320 : i32 to vector<16xi32>
        %parallel_loop3A_322 = arith.andi %parallel_loop3A_316, %parallel_loop3A_321 : vector<16xi32>
        %parallel_loop3A_323 = arith.constant 0 : i32
        %parallel_loop3A_324 = arith.index_cast %parallel_loop3A_323 : i32 to index
        %parallel_loop3A_325 = arith.index_cast %parallel_loop3A_314 : i32 to index
        %parallel_loop3A_326 = tpu.vector_load %arg6[%parallel_loop3A_324, %parallel_loop3A_325] {strides = array<i32>} : memref<4x4096xf32, #tpu.memory_space<vmem>>, vector<16xf32>,
        %parallel_loop3A_327 = arith.constant 0 : i32
        %parallel_loop3A_328 = vector.broadcast %parallel_loop3A_327 : i32 to vector<16xi32>
        %parallel_loop3A_329 = arith.addi %parallel_loop3A_319, %parallel_loop3A_328 : vector<16xi32>
        tpu.vector_store_idx %arg8[%parallel_loop3A_329, %parallel_loop3A_322], %parallel_loop3A_326 : memref<256x64xf32, #tpu.memory_space<vmem>>[vector<16xi32>, vector<16xi32>], vector<16xf32>,
        %parallel_loop3A_330 = arith.constant 1 : i32
        %parallel_loop3A_331 = arith.index_cast %parallel_loop3A_330 : i32 to index
        %parallel_loop3A_332 = arith.index_cast %parallel_loop3A_314 : i32 to index
        %parallel_loop3A_333 = tpu.vector_load %arg6[%parallel_loop3A_331, %parallel_loop3A_332] {strides = array<i32>} : memref<4x4096xf32, #tpu.memory_space<vmem>>, vector<16xf32>,
        %parallel_loop3A_334 = arith.constant 64 : i32
        %parallel_loop3A_335 = vector.broadcast %parallel_loop3A_334 : i32 to vector<16xi32>
        %parallel_loop3A_336 = arith.addi %parallel_loop3A_319, %parallel_loop3A_335 : vector<16xi32>
        tpu.vector_store_idx %arg8[%parallel_loop3A_336, %parallel_loop3A_322], %parallel_loop3A_333 : memref<256x64xf32, #tpu.memory_space<vmem>>[vector<16xi32>, vector<16xi32>], vector<16xf32>,
        %parallel_loop3A_337 = arith.constant 2 : i32
        %parallel_loop3A_338 = arith.index_cast %parallel_loop3A_337 : i32 to index
        %parallel_loop3A_339 = arith.index_cast %parallel_loop3A_314 : i32 to index
        %parallel_loop3A_340 = tpu.vector_load %arg6[%parallel_loop3A_338, %parallel_loop3A_339] {strides = array<i32>} : memref<4x4096xf32, #tpu.memory_space<vmem>>, vector<16xf32>,
        %parallel_loop3A_341 = arith.constant 128 : i32
        %parallel_loop3A_342 = vector.broadcast %parallel_loop3A_341 : i32 to vector<16xi32>
        %parallel_loop3A_343 = arith.addi %parallel_loop3A_319, %parallel_loop3A_342 : vector<16xi32>
        tpu.vector_store_idx %arg8[%parallel_loop3A_343, %parallel_loop3A_322], %parallel_loop3A_340 : memref<256x64xf32, #tpu.memory_space<vmem>>[vector<16xi32>, vector<16xi32>], vector<16xf32>,
        %parallel_loop3A_344 = arith.constant 3 : i32
        %parallel_loop3A_345 = arith.index_cast %parallel_loop3A_344 : i32 to index
        %parallel_loop3A_346 = arith.index_cast %parallel_loop3A_314 : i32 to index
        %parallel_loop3A_347 = tpu.vector_load %arg6[%parallel_loop3A_345, %parallel_loop3A_346] {strides = array<i32>} : memref<4x4096xf32, #tpu.memory_space<vmem>>, vector<16xf32>,
        %parallel_loop3A_348 = arith.constant 192 : i32
        %parallel_loop3A_349 = vector.broadcast %parallel_loop3A_348 : i32 to vector<16xi32>
        %parallel_loop3A_350 = arith.addi %parallel_loop3A_319, %parallel_loop3A_349 : vector<16xi32>
        tpu.vector_store_idx %arg8[%parallel_loop3A_350, %parallel_loop3A_322], %parallel_loop3A_347 : memref<256x64xf32, #tpu.memory_space<vmem>>[vector<16xi32>, vector<16xi32>], vector<16xf32>,
      } {sc.loop_unroll_factor = 4 : i64, sc.parallel_access}
      %mul3A_146 = arith.constant 4 : i32
      %mul3A_147 = arith.muli %add3A_134, %mul3A_146 : i32
      %add3A_148 = arith.addi %mul3A_4, %mul3A_147 : i32
      %add3A_149 = arith.constant 0 : i32
      %add3A_150 = arith.addi %add3A_148, %add3A_149 : i32
      %dma_start3A_151 = arith.constant 0 : i32
      %dma_start3A_152 = arith.constant 0 : i32
      %dma_start3A_153 = tpu.memref_slice %arg8[%dma_start3A_151, %dma_start3A_152] : memref<256x64xf32, #tpu.memory_space<vmem>> -> memref<64x64xf32, #tpu.memory_space<vmem>>
      %dma_start3A_154 = arith.constant 0 : i32
      %dma_start3A_155 = arith.constant 0 : i32
      %dma_start3A_156 = tpu.memref_slice %arg4[%add3A_150, %dma_start3A_154, %dma_start3A_155] : memref<4096x64x64xf32, #tpu.memory_space<hbm>> -> memref<1x64x64xf32, #tpu.memory_space<hbm>>
      %dma_start3A_157 = tpu.memref_squeeze %dma_start3A_156 : memref<1x64x64xf32, #tpu.memory_space<hbm>> -> memref<64x64xf32, #tpu.memory_space<hbm>>
      %dma_start3A_158 = arith.constant 0 : i32
      %dma_start3A_159 = arith.constant 0 : i32
      %dma_start3A_160 = tpu.memref_slice %arg4[%add3A_150, %dma_start3A_158, %dma_start3A_159] : memref<4096x64x64xf32, #tpu.memory_space<hbm>> -> memref<1x64x64xf32, #tpu.memory_space<hbm>>
      %dma_start3A_161 = tpu.memref_squeeze %dma_start3A_160 : memref<1x64x64xf32, #tpu.memory_space<hbm>> -> memref<64x64xf32, #tpu.memory_space<hbm>>
      %dma_start3A_162 = arith.constant 0 : i32
      %dma_start3A_163 = arith.constant 0 : i32
      %dma_start3A_164 = tpu.memref_slice %arg8[%dma_start3A_162, %dma_start3A_163] : memref<256x64xf32, #tpu.memory_space<vmem>> -> memref<64x64xf32, #tpu.memory_space<vmem>>
      tpu.enqueue_dma source(%dma_start3A_164 : memref<64x64xf32, #tpu.memory_space<vmem>>) target(%dma_start3A_161 : memref<64x64xf32, #tpu.memory_space<hbm>>) target_semaphore(%arg12 : memref<!tpu.dma_semaphore, #tpu.memory_space<semaphore_mem>>)
      %add3A_165 = arith.constant 1 : i32
      %add3A_166 = arith.addi %add3A_148, %add3A_165 : i32
      %dma_start3A_167 = arith.constant 64 : i32
      %dma_start3A_168 = arith.constant 0 : i32
      %dma_start3A_169 = tpu.memref_slice %arg8[%dma_start3A_167, %dma_start3A_168] : memref<256x64xf32, #tpu.memory_space<vmem>> -> memref<64x64xf32, #tpu.memory_space<vmem>>
      %dma_start3A_170 = arith.constant 0 : i32
      %dma_start3A_171 = arith.constant 0 : i32
      %dma_start3A_172 = tpu.memref_slice %arg4[%add3A_166, %dma_start3A_170, %dma_start3A_171] : memref<4096x64x64xf32, #tpu.memory_space<hbm>> -> memref<1x64x64xf32, #tpu.memory_space<hbm>>
      %dma_start3A_173 = tpu.memref_squeeze %dma_start3A_172 : memref<1x64x64xf32, #tpu.memory_space<hbm>> -> memref<64x64xf32, #tpu.memory_space<hbm>>
      %dma_start3A_174 = arith.constant 0 : i32
      %dma_start3A_175 = arith.constant 0 : i32
      %dma_start3A_176 = tpu.memref_slice %arg4[%add3A_166, %dma_start3A_174, %dma_start3A_175] : memref<4096x64x64xf32, #tpu.memory_space<hbm>> -> memref<1x64x64xf32, #tpu.memory_space<hbm>>
      %dma_start3A_177 = tpu.memref_squeeze %dma_start3A_176 : memref<1x64x64xf32, #tpu.memory_space<hbm>> -> memref<64x64xf32, #tpu.memory_space<hbm>>
      %dma_start3A_178 = arith.constant 64 : i32
      %dma_start3A_179 = arith.constant 0 : i32
      %dma_start3A_180 = tpu.memref_slice %arg8[%dma_start3A_178, %dma_start3A_179] : memref<256x64xf32, #tpu.memory_space<vmem>> -> memref<64x64xf32, #tpu.memory_space<vmem>>
      tpu.enqueue_dma source(%dma_start3A_180 : memref<64x64xf32, #tpu.memory_space<vmem>>) target(%dma_start3A_177 : memref<64x64xf32, #tpu.memory_space<hbm>>) target_semaphore(%arg12 : memref<!tpu.dma_semaphore, #tpu.memory_space<semaphore_mem>>)
      %add3A_181 = arith.constant 2 : i32
      %add3A_182 = arith.addi %add3A_148, %add3A_181 : i32
      %dma_start3A_183 = arith.constant 128 : i32
      %dma_start3A_184 = arith.constant 0 : i32
      %dma_start3A_185 = tpu.memref_slice %arg8[%dma_start3A_183, %dma_start3A_184] : memref<256x64xf32, #tpu.memory_space<vmem>> -> memref<64x64xf32, #tpu.memory_space<vmem>>
      %dma_start3A_186 = arith.constant 0 : i32
      %dma_start3A_187 = arith.constant 0 : i32
      %dma_start3A_188 = tpu.memref_slice %arg4[%add3A_182, %dma_start3A_186, %dma_start3A_187] : memref<4096x64x64xf32, #tpu.memory_space<hbm>> -> memref<1x64x64xf32, #tpu.memory_space<hbm>>
      %dma_start3A_189 = tpu.memref_squeeze %dma_start3A_188 : memref<1x64x64xf32, #tpu.memory_space<hbm>> -> memref<64x64xf32, #tpu.memory_space<hbm>>
      %dma_start3A_190 = arith.constant 0 : i32
      %dma_start3A_191 = arith.constant 0 : i32
      %dma_start3A_192 = tpu.memref_slice %arg4[%add3A_182, %dma_start3A_190, %dma_start3A_191] : memref<4096x64x64xf32, #tpu.memory_space<hbm>> -> memref<1x64x64xf32, #tpu.memory_space<hbm>>
      %dma_start3A_193 = tpu.memref_squeeze %dma_start3A_192 : memref<1x64x64xf32, #tpu.memory_space<hbm>> -> memref<64x64xf32, #tpu.memory_space<hbm>>
      %dma_start3A_194 = arith.constant 128 : i32
      %dma_start3A_195 = arith.constant 0 : i32
      %dma_start3A_196 = tpu.memref_slice %arg8[%dma_start3A_194, %dma_start3A_195] : memref<256x64xf32, #tpu.memory_space<vmem>> -> memref<64x64xf32, #tpu.memory_space<vmem>>
      tpu.enqueue_dma source(%dma_start3A_196 : memref<64x64xf32, #tpu.memory_space<vmem>>) target(%dma_start3A_193 : memref<64x64xf32, #tpu.memory_space<hbm>>) target_semaphore(%arg12 : memref<!tpu.dma_semaphore, #tpu.memory_space<semaphore_mem>>)
      %add3A_197 = arith.constant 3 : i32
      %add3A_198 = arith.addi %add3A_148, %add3A_197 : i32
      %dma_start3A_199 = arith.constant 192 : i32
      %dma_start3A_200 = arith.constant 0 : i32
      %dma_start3A_201 = tpu.memref_slice %arg8[%dma_start3A_199, %dma_start3A_200] : memref<256x64xf32, #tpu.memory_space<vmem>> -> memref<64x64xf32, #tpu.memory_space<vmem>>
      %dma_start3A_202 = arith.constant 0 : i32
      %dma_start3A_203 = arith.constant 0 : i32
      %dma_start3A_204 = tpu.memref_slice %arg4[%add3A_198, %dma_start3A_202, %dma_start3A_203] : memref<4096x64x64xf32, #tpu.memory_space<hbm>> -> memref<1x64x64xf32, #tpu.memory_space<hbm>>
      %dma_start3A_205 = tpu.memref_squeeze %dma_start3A_204 : memref<1x64x64xf32, #tpu.memory_space<hbm>> -> memref<64x64xf32, #tpu.memory_space<hbm>>
      %dma_start3A_206 = arith.constant 0 : i32
      %dma_start3A_207 = arith.constant 0 : i32
      %dma_start3A_208 = tpu.memref_slice %arg4[%add3A_198, %dma_start3A_206, %dma_start3A_207] : memref<4096x64x64xf32, #tpu.memory_space<hbm>> -> memref<1x64x64xf32, #tpu.memory_space<hbm>>
      %dma_start3A_209 = tpu.memref_squeeze %dma_start3A_208 : memref<1x64x64xf32, #tpu.memory_space<hbm>> -> memref<64x64xf32, #tpu.memory_space<hbm>>
      %dma_start3A_210 = arith.constant 192 : i32
      %dma_start3A_211 = arith.constant 0 : i32
      %dma_start3A_212 = tpu.memref_slice %arg8[%dma_start3A_210, %dma_start3A_211] : memref<256x64xf32, #tpu.memory_space<vmem>> -> memref<64x64xf32, #tpu.memory_space<vmem>>
      tpu.enqueue_dma source(%dma_start3A_212 : memref<64x64xf32, #tpu.memory_space<vmem>>) target(%dma_start3A_209 : memref<64x64xf32, #tpu.memory_space<hbm>>) target_semaphore(%arg12 : memref<!tpu.dma_semaphore, #tpu.memory_space<semaphore_mem>>)
      %add3A_213 = arith.constant 2 : i32
      %add3A_214 = arith.addi %add3A_134, %add3A_213 : i32
      %lt3A = arith.constant 32 : i32
      %lt3A_215 = arith.cmpi slt, %add3A_214, %lt3A : i32
      %convert_element_type3A_216 = arith.extui %lt3A_215 : i1 to i32
      %cond3A_217 = arith.constant 0 : i32
      %cond3A_218 = arith.cmpi ne, %convert_element_type3A_216, %cond3A_217 : i32
      scf.if %cond3A_218 {
        %add3A_312 = arith.constant 2 : i32
        %add3A_313 = arith.addi %add3A_134, %add3A_312 : i32
        %mul3A_314 = arith.constant 4 : i32
        %mul3A_315 = arith.muli %add3A_313, %mul3A_314 : i32
        %add3A_316 = arith.addi %mul3A_4, %mul3A_315 : i32
        %dma_start3A_317 = arith.constant 0 : i32
        %dma_start3A_318 = tpu.memref_slice %arg2[%add3A_316, %dma_start3A_317] : memref<4096x4096xf32, #tpu.memory_space<hbm>> -> memref<4x4096xf32, #tpu.memory_space<hbm>>
        %dma_start3A_319 = arith.constant 0 : i32
        %dma_start3A_320 = tpu.memref_slice %arg2[%add3A_316, %dma_start3A_319] : memref<4096x4096xf32, #tpu.memory_space<hbm>> -> memref<4x4096xf32, #tpu.memory_space<hbm>>
        tpu.enqueue_dma source(%dma_start3A_320 : memref<4x4096xf32, #tpu.memory_space<hbm>>) target(%arg6 : memref<4x4096xf32, #tpu.memory_space<vmem>>) target_semaphore(%arg10 : memref<!tpu.dma_semaphore, #tpu.memory_space<semaphore_mem>>)
      } else {
      }
      %mul3A_219 = arith.constant 2 : i32
      %mul3A_220 = arith.muli %mul3A_219, %scan3A_130 : i32
      %add3A_221 = arith.constant 1 : i32
      %add3A_222 = arith.addi %mul3A_220, %add3A_221 : i32
      %mul3A_223 = arith.constant 4 : i32
      %mul3A_224 = arith.muli %add3A_222, %mul3A_223 : i32
      %add3A_225 = arith.addi %mul3A_4, %mul3A_224 : i32
      %dma_wait3A_226 = arith.constant 0 : i32
      %dma_wait3A_227 = tpu.memref_slice %arg2[%mul3A_4, %dma_wait3A_226] : memref<4096x4096xf32, #tpu.memory_space<hbm>> -> memref<4x4096xf32, #tpu.memory_space<hbm>>
      %dma_wait3A_228 = arith.constant 0 : i32
      %dma_wait3A_229 = tpu.memref_slice %arg2[%mul3A_4, %dma_wait3A_228] : memref<4096x4096xf32, #tpu.memory_space<hbm>> -> memref<4x4096xf32, #tpu.memory_space<hbm>>
      tpu.wait_dma2 semaphore(%arg11 : memref<!tpu.dma_semaphore, #tpu.memory_space<semaphore_mem>>) src(%dma_wait3A_229 : memref<4x4096xf32, #tpu.memory_space<hbm>>) dst(%arg7 : memref<4x4096xf32, #tpu.memory_space<vmem>>)
      %ge3A_230 = arith.constant 2 : i32
      %ge3A_231 = arith.cmpi sge, %add3A_222, %ge3A_230 : i32
      %convert_element_type3A_232 = arith.extui %ge3A_231 : i1 to i32
      %cond3A_233 = arith.constant 0 : i32
      %cond3A_234 = arith.cmpi ne, %convert_element_type3A_232, %cond3A_233 : i32
      scf.if %cond3A_234 {
        %dma_wait3A_312 = arith.constant 0 : i32
        %dma_wait3A_313 = arith.constant 0 : i32
        %dma_wait3A_314 = tpu.memref_slice %arg9[%dma_wait3A_312, %dma_wait3A_313] : memref<256x64xf32, #tpu.memory_space<vmem>> -> memref<64x64xf32, #tpu.memory_space<vmem>>
        %dma_wait3A_315 = arith.constant 0 : i32
        %dma_wait3A_316 = arith.constant 0 : i32
        %dma_wait3A_317 = tpu.memref_slice %arg4[%mul3A_4, %dma_wait3A_315, %dma_wait3A_316] : memref<4096x64x64xf32, #tpu.memory_space<hbm>> -> memref<1x64x64xf32, #tpu.memory_space<hbm>>
        %dma_wait3A_318 = tpu.memref_squeeze %dma_wait3A_317 : memref<1x64x64xf32, #tpu.memory_space<hbm>> -> memref<64x64xf32, #tpu.memory_space<hbm>>
        %dma_wait3A_319 = arith.constant 0 : i32
        %dma_wait3A_320 = arith.constant 0 : i32
        %dma_wait3A_321 = tpu.memref_slice %arg4[%mul3A_4, %dma_wait3A_319, %dma_wait3A_320] : memref<4096x64x64xf32, #tpu.memory_space<hbm>> -> memref<1x64x64xf32, #tpu.memory_space<hbm>>
        %dma_wait3A_322 = tpu.memref_squeeze %dma_wait3A_321 : memref<1x64x64xf32, #tpu.memory_space<hbm>> -> memref<64x64xf32, #tpu.memory_space<hbm>>
        %dma_wait3A_323 = arith.constant 0 : i32
        %dma_wait3A_324 = arith.constant 0 : i32
        %dma_wait3A_325 = tpu.memref_slice %arg9[%dma_wait3A_323, %dma_wait3A_324] : memref<256x64xf32, #tpu.memory_space<vmem>> -> memref<64x64xf32, #tpu.memory_space<vmem>>
        tpu.wait_dma2 semaphore(%arg13 : memref<!tpu.dma_semaphore, #tpu.memory_space<semaphore_mem>>) src(%dma_wait3A_325 : memref<64x64xf32, #tpu.memory_space<vmem>>) dst(%dma_wait3A_322 : memref<64x64xf32, #tpu.memory_space<hbm>>)
        %dma_wait3A_326 = arith.constant 64 : i32
        %dma_wait3A_327 = arith.constant 0 : i32
        %dma_wait3A_328 = tpu.memref_slice %arg9[%dma_wait3A_326, %dma_wait3A_327] : memref<256x64xf32, #tpu.memory_space<vmem>> -> memref<64x64xf32, #tpu.memory_space<vmem>>
        %dma_wait3A_329 = arith.constant 0 : i32
        %dma_wait3A_330 = arith.constant 0 : i32
        %dma_wait3A_331 = tpu.memref_slice %arg4[%mul3A_4, %dma_wait3A_329, %dma_wait3A_330] : memref<4096x64x64xf32, #tpu.memory_space<hbm>> -> memref<1x64x64xf32, #tpu.memory_space<hbm>>
        %dma_wait3A_332 = tpu.memref_squeeze %dma_wait3A_331 : memref<1x64x64xf32, #tpu.memory_space<hbm>> -> memref<64x64xf32, #tpu.memory_space<hbm>>
        %dma_wait3A_333 = arith.constant 0 : i32
        %dma_wait3A_334 = arith.constant 0 : i32
        %dma_wait3A_335 = tpu.memref_slice %arg4[%mul3A_4, %dma_wait3A_333, %dma_wait3A_334] : memref<4096x64x64xf32, #tpu.memory_space<hbm>> -> memref<1x64x64xf32, #tpu.memory_space<hbm>>
        %dma_wait3A_336 = tpu.memref_squeeze %dma_wait3A_335 : memref<1x64x64xf32, #tpu.memory_space<hbm>> -> memref<64x64xf32, #tpu.memory_space<hbm>>
        %dma_wait3A_337 = arith.constant 64 : i32
        %dma_wait3A_338 = arith.constant 0 : i32
        %dma_wait3A_339 = tpu.memref_slice %arg9[%dma_wait3A_337, %dma_wait3A_338] : memref<256x64xf32, #tpu.memory_space<vmem>> -> memref<64x64xf32, #tpu.memory_space<vmem>>
        tpu.wait_dma2 semaphore(%arg13 : memref<!tpu.dma_semaphore, #tpu.memory_space<semaphore_mem>>) src(%dma_wait3A_339 : memref<64x64xf32, #tpu.memory_space<vmem>>) dst(%dma_wait3A_336 : memref<64x64xf32, #tpu.memory_space<hbm>>)
        %dma_wait3A_340 = arith.constant 128 : i32
        %dma_wait3A_341 = arith.constant 0 : i32
        %dma_wait3A_342 = tpu.memref_slice %arg9[%dma_wait3A_340, %dma_wait3A_341] : memref<256x64xf32, #tpu.memory_space<vmem>> -> memref<64x64xf32, #tpu.memory_space<vmem>>
        %dma_wait3A_343 = arith.constant 0 : i32
        %dma_wait3A_344 = arith.constant 0 : i32
        %dma_wait3A_345 = tpu.memref_slice %arg4[%mul3A_4, %dma_wait3A_343, %dma_wait3A_344] : memref<4096x64x64xf32, #tpu.memory_space<hbm>> -> memref<1x64x64xf32, #tpu.memory_space<hbm>>
        %dma_wait3A_346 = tpu.memref_squeeze %dma_wait3A_345 : memref<1x64x64xf32, #tpu.memory_space<hbm>> -> memref<64x64xf32, #tpu.memory_space<hbm>>
        %dma_wait3A_347 = arith.constant 0 : i32
        %dma_wait3A_348 = arith.constant 0 : i32
        %dma_wait3A_349 = tpu.memref_slice %arg4[%mul3A_4, %dma_wait3A_347, %dma_wait3A_348] : memref<4096x64x64xf32, #tpu.memory_space<hbm>> -> memref<1x64x64xf32, #tpu.memory_space<hbm>>
        %dma_wait3A_350 = tpu.memref_squeeze %dma_wait3A_349 : memref<1x64x64xf32, #tpu.memory_space<hbm>> -> memref<64x64xf32, #tpu.memory_space<hbm>>
        %dma_wait3A_351 = arith.constant 128 : i32
        %dma_wait3A_352 = arith.constant 0 : i32
        %dma_wait3A_353 = tpu.memref_slice %arg9[%dma_wait3A_351, %dma_wait3A_352] : memref<256x64xf32, #tpu.memory_space<vmem>> -> memref<64x64xf32, #tpu.memory_space<vmem>>
        tpu.wait_dma2 semaphore(%arg13 : memref<!tpu.dma_semaphore, #tpu.memory_space<semaphore_mem>>) src(%dma_wait3A_353 : memref<64x64xf32, #tpu.memory_space<vmem>>) dst(%dma_wait3A_350 : memref<64x64xf32, #tpu.memory_space<hbm>>)
        %dma_wait3A_354 = arith.constant 192 : i32
        %dma_wait3A_355 = arith.constant 0 : i32
        %dma_wait3A_356 = tpu.memref_slice %arg9[%dma_wait3A_354, %dma_wait3A_355] : memref<256x64xf32, #tpu.memory_space<vmem>> -> memref<64x64xf32, #tpu.memory_space<vmem>>
        %dma_wait3A_357 = arith.constant 0 : i32
        %dma_wait3A_358 = arith.constant 0 : i32
        %dma_wait3A_359 = tpu.memref_slice %arg4[%mul3A_4, %dma_wait3A_357, %dma_wait3A_358] : memref<4096x64x64xf32, #tpu.memory_space<hbm>> -> memref<1x64x64xf32, #tpu.memory_space<hbm>>
        %dma_wait3A_360 = tpu.memref_squeeze %dma_wait3A_359 : memref<1x64x64xf32, #tpu.memory_space<hbm>> -> memref<64x64xf32, #tpu.memory_space<hbm>>
        %dma_wait3A_361 = arith.constant 0 : i32
        %dma_wait3A_362 = arith.constant 0 : i32
        %dma_wait3A_363 = tpu.memref_slice %arg4[%mul3A_4, %dma_wait3A_361, %dma_wait3A_362] : memref<4096x64x64xf32, #tpu.memory_space<hbm>> -> memref<1x64x64xf32, #tpu.memory_space<hbm>>
        %dma_wait3A_364 = tpu.memref_squeeze %dma_wait3A_363 : memref<1x64x64xf32, #tpu.memory_space<hbm>> -> memref<64x64xf32, #tpu.memory_space<hbm>>
        %dma_wait3A_365 = arith.constant 192 : i32
        %dma_wait3A_366 = arith.constant 0 : i32
        %dma_wait3A_367 = tpu.memref_slice %arg9[%dma_wait3A_365, %dma_wait3A_366] : memref<256x64xf32, #tpu.memory_space<vmem>> -> memref<64x64xf32, #tpu.memory_space<vmem>>
        tpu.wait_dma2 semaphore(%arg13 : memref<!tpu.dma_semaphore, #tpu.memory_space<semaphore_mem>>) src(%dma_wait3A_367 : memref<64x64xf32, #tpu.memory_space<vmem>>) dst(%dma_wait3A_364 : memref<64x64xf32, #tpu.memory_space<hbm>>)
      } else {
      }
      %parallel_loop3A_235 = arith.constant 0 : i32
      %parallel_loop3A_236 = arith.constant 256 : i32
      %parallel_loop3A_237 = arith.constant 1 : i32
      scf.for %parallel_loop3A_312 = %parallel_loop3A_235 to %parallel_loop3A_236 step %parallel_loop3A_237  : i32 {
        %parallel_loop3A_313 = arith.constant 16 : i32
        %parallel_loop3A_314 = arith.muli %parallel_loop3A_312, %parallel_loop3A_313 : i32
        %parallel_loop3A_315 = arith.index_cast %parallel_loop3A_314 : i32 to index
        %parallel_loop3A_316 = tpu.vector_load %arg5[%parallel_loop3A_315] {strides = array<i32>} : memref<4096xi32, #tpu.memory_space<vmem>>, vector<16xi32>,
        %parallel_loop3A_317 = arith.constant 6 : i32
        %parallel_loop3A_318 = vector.broadcast %parallel_loop3A_317 : i32 to vector<16xi32>
        %parallel_loop3A_319 = arith.shrui %parallel_loop3A_316, %parallel_loop3A_318 : vector<16xi32>
        %parallel_loop3A_320 = arith.constant 63 : i32
        %parallel_loop3A_321 = vector.broadcast %parallel_loop3A_320 : i32 to vector<16xi32>
        %parallel_loop3A_322 = arith.andi %parallel_loop3A_316, %parallel_loop3A_321 : vector<16xi32>
        %parallel_loop3A_323 = arith.constant 0 : i32
        %parallel_loop3A_324 = arith.index_cast %parallel_loop3A_323 : i32 to index
        %parallel_loop3A_325 = arith.index_cast %parallel_loop3A_314 : i32 to index
        %parallel_loop3A_326 = tpu.vector_load %arg7[%parallel_loop3A_324, %parallel_loop3A_325] {strides = array<i32>} : memref<4x4096xf32, #tpu.memory_space<vmem>>, vector<16xf32>,
        %parallel_loop3A_327 = arith.constant 0 : i32
        %parallel_loop3A_328 = vector.broadcast %parallel_loop3A_327 : i32 to vector<16xi32>
        %parallel_loop3A_329 = arith.addi %parallel_loop3A_319, %parallel_loop3A_328 : vector<16xi32>
        tpu.vector_store_idx %arg9[%parallel_loop3A_329, %parallel_loop3A_322], %parallel_loop3A_326 : memref<256x64xf32, #tpu.memory_space<vmem>>[vector<16xi32>, vector<16xi32>], vector<16xf32>,
        %parallel_loop3A_330 = arith.constant 1 : i32
        %parallel_loop3A_331 = arith.index_cast %parallel_loop3A_330 : i32 to index
        %parallel_loop3A_332 = arith.index_cast %parallel_loop3A_314 : i32 to index
        %parallel_loop3A_333 = tpu.vector_load %arg7[%parallel_loop3A_331, %parallel_loop3A_332] {strides = array<i32>} : memref<4x4096xf32, #tpu.memory_space<vmem>>, vector<16xf32>,
        %parallel_loop3A_334 = arith.constant 64 : i32
        %parallel_loop3A_335 = vector.broadcast %parallel_loop3A_334 : i32 to vector<16xi32>
        %parallel_loop3A_336 = arith.addi %parallel_loop3A_319, %parallel_loop3A_335 : vector<16xi32>
        tpu.vector_store_idx %arg9[%parallel_loop3A_336, %parallel_loop3A_322], %parallel_loop3A_333 : memref<256x64xf32, #tpu.memory_space<vmem>>[vector<16xi32>, vector<16xi32>], vector<16xf32>,
        %parallel_loop3A_337 = arith.constant 2 : i32
        %parallel_loop3A_338 = arith.index_cast %parallel_loop3A_337 : i32 to index
        %parallel_loop3A_339 = arith.index_cast %parallel_loop3A_314 : i32 to index
        %parallel_loop3A_340 = tpu.vector_load %arg7[%parallel_loop3A_338, %parallel_loop3A_339] {strides = array<i32>} : memref<4x4096xf32, #tpu.memory_space<vmem>>, vector<16xf32>,
        %parallel_loop3A_341 = arith.constant 128 : i32
        %parallel_loop3A_342 = vector.broadcast %parallel_loop3A_341 : i32 to vector<16xi32>
        %parallel_loop3A_343 = arith.addi %parallel_loop3A_319, %parallel_loop3A_342 : vector<16xi32>
        tpu.vector_store_idx %arg9[%parallel_loop3A_343, %parallel_loop3A_322], %parallel_loop3A_340 : memref<256x64xf32, #tpu.memory_space<vmem>>[vector<16xi32>, vector<16xi32>], vector<16xf32>,
        %parallel_loop3A_344 = arith.constant 3 : i32
        %parallel_loop3A_345 = arith.index_cast %parallel_loop3A_344 : i32 to index
        %parallel_loop3A_346 = arith.index_cast %parallel_loop3A_314 : i32 to index
        %parallel_loop3A_347 = tpu.vector_load %arg7[%parallel_loop3A_345, %parallel_loop3A_346] {strides = array<i32>} : memref<4x4096xf32, #tpu.memory_space<vmem>>, vector<16xf32>,
        %parallel_loop3A_348 = arith.constant 192 : i32
        %parallel_loop3A_349 = vector.broadcast %parallel_loop3A_348 : i32 to vector<16xi32>
        %parallel_loop3A_350 = arith.addi %parallel_loop3A_319, %parallel_loop3A_349 : vector<16xi32>
        tpu.vector_store_idx %arg9[%parallel_loop3A_350, %parallel_loop3A_322], %parallel_loop3A_347 : memref<256x64xf32, #tpu.memory_space<vmem>>[vector<16xi32>, vector<16xi32>], vector<16xf32>,
      } {sc.loop_unroll_factor = 4 : i64, sc.parallel_access}
      %mul3A_238 = arith.constant 4 : i32
      %mul3A_239 = arith.muli %add3A_222, %mul3A_238 : i32
      %add3A_240 = arith.addi %mul3A_4, %mul3A_239 : i32
      %add3A_241 = arith.constant 0 : i32
      %add3A_242 = arith.addi %add3A_240, %add3A_241 : i32
      %dma_start3A_243 = arith.constant 0 : i32
      %dma_start3A_244 = arith.constant 0 : i32
      %dma_start3A_245 = tpu.memref_slice %arg9[%dma_start3A_243, %dma_start3A_244] : memref<256x64xf32, #tpu.memory_space<vmem>> -> memref<64x64xf32, #tpu.memory_space<vmem>>
      %dma_start3A_246 = arith.constant 0 : i32
      %dma_start3A_247 = arith.constant 0 : i32
      %dma_start3A_248 = tpu.memref_slice %arg4[%add3A_242, %dma_start3A_246, %dma_start3A_247] : memref<4096x64x64xf32, #tpu.memory_space<hbm>> -> memref<1x64x64xf32, #tpu.memory_space<hbm>>
      %dma_start3A_249 = tpu.memref_squeeze %dma_start3A_248 : memref<1x64x64xf32, #tpu.memory_space<hbm>> -> memref<64x64xf32, #tpu.memory_space<hbm>>
      %dma_start3A_250 = arith.constant 0 : i32
      %dma_start3A_251 = arith.constant 0 : i32
      %dma_start3A_252 = tpu.memref_slice %arg4[%add3A_242, %dma_start3A_250, %dma_start3A_251] : memref<4096x64x64xf32, #tpu.memory_space<hbm>> -> memref<1x64x64xf32, #tpu.memory_space<hbm>>
      %dma_start3A_253 = tpu.memref_squeeze %dma_start3A_252 : memref<1x64x64xf32, #tpu.memory_space<hbm>> -> memref<64x64xf32, #tpu.memory_space<hbm>>
      %dma_start3A_254 = arith.constant 0 : i32
      %dma_start3A_255 = arith.constant 0 : i32
      %dma_start3A_256 = tpu.memref_slice %arg9[%dma_start3A_254, %dma_start3A_255] : memref<256x64xf32, #tpu.memory_space<vmem>> -> memref<64x64xf32, #tpu.memory_space<vmem>>
      tpu.enqueue_dma source(%dma_start3A_256 : memref<64x64xf32, #tpu.memory_space<vmem>>) target(%dma_start3A_253 : memref<64x64xf32, #tpu.memory_space<hbm>>) target_semaphore(%arg13 : memref<!tpu.dma_semaphore, #tpu.memory_space<semaphore_mem>>)
      %add3A_257 = arith.constant 1 : i32
      %add3A_258 = arith.addi %add3A_240, %add3A_257 : i32
      %dma_start3A_259 = arith.constant 64 : i32
      %dma_start3A_260 = arith.constant 0 : i32
      %dma_start3A_261 = tpu.memref_slice %arg9[%dma_start3A_259, %dma_start3A_260] : memref<256x64xf32, #tpu.memory_space<vmem>> -> memref<64x64xf32, #tpu.memory_space<vmem>>
      %dma_start3A_262 = arith.constant 0 : i32
      %dma_start3A_263 = arith.constant 0 : i32
      %dma_start3A_264 = tpu.memref_slice %arg4[%add3A_258, %dma_start3A_262, %dma_start3A_263] : memref<4096x64x64xf32, #tpu.memory_space<hbm>> -> memref<1x64x64xf32, #tpu.memory_space<hbm>>
      %dma_start3A_265 = tpu.memref_squeeze %dma_start3A_264 : memref<1x64x64xf32, #tpu.memory_space<hbm>> -> memref<64x64xf32, #tpu.memory_space<hbm>>
      %dma_start3A_266 = arith.constant 0 : i32
      %dma_start3A_267 = arith.constant 0 : i32
      %dma_start3A_268 = tpu.memref_slice %arg4[%add3A_258, %dma_start3A_266, %dma_start3A_267] : memref<4096x64x64xf32, #tpu.memory_space<hbm>> -> memref<1x64x64xf32, #tpu.memory_space<hbm>>
      %dma_start3A_269 = tpu.memref_squeeze %dma_start3A_268 : memref<1x64x64xf32, #tpu.memory_space<hbm>> -> memref<64x64xf32, #tpu.memory_space<hbm>>
      %dma_start3A_270 = arith.constant 64 : i32
      %dma_start3A_271 = arith.constant 0 : i32
      %dma_start3A_272 = tpu.memref_slice %arg9[%dma_start3A_270, %dma_start3A_271] : memref<256x64xf32, #tpu.memory_space<vmem>> -> memref<64x64xf32, #tpu.memory_space<vmem>>
      tpu.enqueue_dma source(%dma_start3A_272 : memref<64x64xf32, #tpu.memory_space<vmem>>) target(%dma_start3A_269 : memref<64x64xf32, #tpu.memory_space<hbm>>) target_semaphore(%arg13 : memref<!tpu.dma_semaphore, #tpu.memory_space<semaphore_mem>>)
      %add3A_273 = arith.constant 2 : i32
      %add3A_274 = arith.addi %add3A_240, %add3A_273 : i32
      %dma_start3A_275 = arith.constant 128 : i32
      %dma_start3A_276 = arith.constant 0 : i32
      %dma_start3A_277 = tpu.memref_slice %arg9[%dma_start3A_275, %dma_start3A_276] : memref<256x64xf32, #tpu.memory_space<vmem>> -> memref<64x64xf32, #tpu.memory_space<vmem>>
      %dma_start3A_278 = arith.constant 0 : i32
      %dma_start3A_279 = arith.constant 0 : i32
      %dma_start3A_280 = tpu.memref_slice %arg4[%add3A_274, %dma_start3A_278, %dma_start3A_279] : memref<4096x64x64xf32, #tpu.memory_space<hbm>> -> memref<1x64x64xf32, #tpu.memory_space<hbm>>
      %dma_start3A_281 = tpu.memref_squeeze %dma_start3A_280 : memref<1x64x64xf32, #tpu.memory_space<hbm>> -> memref<64x64xf32, #tpu.memory_space<hbm>>
      %dma_start3A_282 = arith.constant 0 : i32
      %dma_start3A_283 = arith.constant 0 : i32
      %dma_start3A_284 = tpu.memref_slice %arg4[%add3A_274, %dma_start3A_282, %dma_start3A_283] : memref<4096x64x64xf32, #tpu.memory_space<hbm>> -> memref<1x64x64xf32, #tpu.memory_space<hbm>>
      %dma_start3A_285 = tpu.memref_squeeze %dma_start3A_284 : memref<1x64x64xf32, #tpu.memory_space<hbm>> -> memref<64x64xf32, #tpu.memory_space<hbm>>
      %dma_start3A_286 = arith.constant 128 : i32
      %dma_start3A_287 = arith.constant 0 : i32
      %dma_start3A_288 = tpu.memref_slice %arg9[%dma_start3A_286, %dma_start3A_287] : memref<256x64xf32, #tpu.memory_space<vmem>> -> memref<64x64xf32, #tpu.memory_space<vmem>>
      tpu.enqueue_dma source(%dma_start3A_288 : memref<64x64xf32, #tpu.memory_space<vmem>>) target(%dma_start3A_285 : memref<64x64xf32, #tpu.memory_space<hbm>>) target_semaphore(%arg13 : memref<!tpu.dma_semaphore, #tpu.memory_space<semaphore_mem>>)
      %add3A_289 = arith.constant 3 : i32
      %add3A_290 = arith.addi %add3A_240, %add3A_289 : i32
      %dma_start3A_291 = arith.constant 192 : i32
      %dma_start3A_292 = arith.constant 0 : i32
      %dma_start3A_293 = tpu.memref_slice %arg9[%dma_start3A_291, %dma_start3A_292] : memref<256x64xf32, #tpu.memory_space<vmem>> -> memref<64x64xf32, #tpu.memory_space<vmem>>
      %dma_start3A_294 = arith.constant 0 : i32
      %dma_start3A_295 = arith.constant 0 : i32
      %dma_start3A_296 = tpu.memref_slice %arg4[%add3A_290, %dma_start3A_294, %dma_start3A_295] : memref<4096x64x64xf32, #tpu.memory_space<hbm>> -> memref<1x64x64xf32, #tpu.memory_space<hbm>>
      %dma_start3A_297 = tpu.memref_squeeze %dma_start3A_296 : memref<1x64x64xf32, #tpu.memory_space<hbm>> -> memref<64x64xf32, #tpu.memory_space<hbm>>
      %dma_start3A_298 = arith.constant 0 : i32
      %dma_start3A_299 = arith.constant 0 : i32
      %dma_start3A_300 = tpu.memref_slice %arg4[%add3A_290, %dma_start3A_298, %dma_start3A_299] : memref<4096x64x64xf32, #tpu.memory_space<hbm>> -> memref<1x64x64xf32, #tpu.memory_space<hbm>>
      %dma_start3A_301 = tpu.memref_squeeze %dma_start3A_300 : memref<1x64x64xf32, #tpu.memory_space<hbm>> -> memref<64x64xf32, #tpu.memory_space<hbm>>
      %dma_start3A_302 = arith.constant 192 : i32
      %dma_start3A_303 = arith.constant 0 : i32
      %dma_start3A_304 = tpu.memref_slice %arg9[%dma_start3A_302, %dma_start3A_303] : memref<256x64xf32, #tpu.memory_space<vmem>> -> memref<64x64xf32, #tpu.memory_space<vmem>>
      tpu.enqueue_dma source(%dma_start3A_304 : memref<64x64xf32, #tpu.memory_space<vmem>>) target(%dma_start3A_301 : memref<64x64xf32, #tpu.memory_space<hbm>>) target_semaphore(%arg13 : memref<!tpu.dma_semaphore, #tpu.memory_space<semaphore_mem>>)
      %add3A_305 = arith.constant 2 : i32
      %add3A_306 = arith.addi %add3A_222, %add3A_305 : i32
      %lt3A_307 = arith.constant 32 : i32
      %lt3A_308 = arith.cmpi slt, %add3A_306, %lt3A_307 : i32
      %convert_element_type3A_309 = arith.extui %lt3A_308 : i1 to i32
      %cond3A_310 = arith.constant 0 : i32
      %cond3A_311 = arith.cmpi ne, %convert_element_type3A_309, %cond3A_310 : i32
      scf.if %cond3A_311 {
        %add3A_312 = arith.constant 2 : i32
        %add3A_313 = arith.addi %add3A_222, %add3A_312 : i32
        %mul3A_314 = arith.constant 4 : i32
        %mul3A_315 = arith.muli %add3A_313, %mul3A_314 : i32
        %add3A_316 = arith.addi %mul3A_4, %mul3A_315 : i32
        %dma_start3A_317 = arith.constant 0 : i32
        %dma_start3A_318 = tpu.memref_slice %arg2[%add3A_316, %dma_start3A_317] : memref<4096x4096xf32, #tpu.memory_space<hbm>> -> memref<4x4096xf32, #tpu.memory_space<hbm>>
        %dma_start3A_319 = arith.constant 0 : i32
        %dma_start3A_320 = tpu.memref_slice %arg2[%add3A_316, %dma_start3A_319] : memref<4096x4096xf32, #tpu.memory_space<hbm>> -> memref<4x4096xf32, #tpu.memory_space<hbm>>
        tpu.enqueue_dma source(%dma_start3A_320 : memref<4x4096xf32, #tpu.memory_space<hbm>>) target(%arg7 : memref<4x4096xf32, #tpu.memory_space<vmem>>) target_semaphore(%arg11 : memref<!tpu.dma_semaphore, #tpu.memory_space<semaphore_mem>>)
      } else {
      }
    }
    %scan3A_18 = arith.constant 16 : i32
    %dma_wait3A = arith.constant 0 : i32
    %dma_wait3A_19 = arith.constant 0 : i32
    %dma_wait3A_20 = tpu.memref_slice %arg8[%dma_wait3A, %dma_wait3A_19] : memref<256x64xf32, #tpu.memory_space<vmem>> -> memref<64x64xf32, #tpu.memory_space<vmem>>
    %dma_wait3A_21 = arith.constant 0 : i32
    %dma_wait3A_22 = arith.constant 0 : i32
    %dma_wait3A_23 = tpu.memref_slice %arg4[%mul3A_4, %dma_wait3A_21, %dma_wait3A_22] : memref<4096x64x64xf32, #tpu.memory_space<hbm>> -> memref<1x64x64xf32, #tpu.memory_space<hbm>>
    %dma_wait3A_24 = tpu.memref_squeeze %dma_wait3A_23 : memref<1x64x64xf32, #tpu.memory_space<hbm>> -> memref<64x64xf32, #tpu.memory_space<hbm>>
    %dma_wait3A_25 = arith.constant 0 : i32
    %dma_wait3A_26 = arith.constant 0 : i32
    %dma_wait3A_27 = tpu.memref_slice %arg4[%mul3A_4, %dma_wait3A_25, %dma_wait3A_26] : memref<4096x64x64xf32, #tpu.memory_space<hbm>> -> memref<1x64x64xf32, #tpu.memory_space<hbm>>
    %dma_wait3A_28 = tpu.memref_squeeze %dma_wait3A_27 : memref<1x64x64xf32, #tpu.memory_space<hbm>> -> memref<64x64xf32, #tpu.memory_space<hbm>>
    %dma_wait3A_29 = arith.constant 0 : i32
    %dma_wait3A_30 = arith.constant 0 : i32
    %dma_wait3A_31 = tpu.memref_slice %arg8[%dma_wait3A_29, %dma_wait3A_30] : memref<256x64xf32, #tpu.memory_space<vmem>> -> memref<64x64xf32, #tpu.memory_space<vmem>>
    tpu.wait_dma2 semaphore(%arg12 : memref<!tpu.dma_semaphore, #tpu.memory_space<semaphore_mem>>) src(%dma_wait3A_31 : memref<64x64xf32, #tpu.memory_space<vmem>>) dst(%dma_wait3A_28 : memref<64x64xf32, #tpu.memory_space<hbm>>)
    %dma_wait3A_32 = arith.constant 64 : i32
    %dma_wait3A_33 = arith.constant 0 : i32
    %dma_wait3A_34 = tpu.memref_slice %arg8[%dma_wait3A_32, %dma_wait3A_33] : memref<256x64xf32, #tpu.memory_space<vmem>> -> memref<64x64xf32, #tpu.memory_space<vmem>>
    %dma_wait3A_35 = arith.constant 0 : i32
    %dma_wait3A_36 = arith.constant 0 : i32
    %dma_wait3A_37 = tpu.memref_slice %arg4[%mul3A_4, %dma_wait3A_35, %dma_wait3A_36] : memref<4096x64x64xf32, #tpu.memory_space<hbm>> -> memref<1x64x64xf32, #tpu.memory_space<hbm>>
    %dma_wait3A_38 = tpu.memref_squeeze %dma_wait3A_37 : memref<1x64x64xf32, #tpu.memory_space<hbm>> -> memref<64x64xf32, #tpu.memory_space<hbm>>
    %dma_wait3A_39 = arith.constant 0 : i32
    %dma_wait3A_40 = arith.constant 0 : i32
    %dma_wait3A_41 = tpu.memref_slice %arg4[%mul3A_4, %dma_wait3A_39, %dma_wait3A_40] : memref<4096x64x64xf32, #tpu.memory_space<hbm>> -> memref<1x64x64xf32, #tpu.memory_space<hbm>>
    %dma_wait3A_42 = tpu.memref_squeeze %dma_wait3A_41 : memref<1x64x64xf32, #tpu.memory_space<hbm>> -> memref<64x64xf32, #tpu.memory_space<hbm>>
    %dma_wait3A_43 = arith.constant 64 : i32
    %dma_wait3A_44 = arith.constant 0 : i32
    %dma_wait3A_45 = tpu.memref_slice %arg8[%dma_wait3A_43, %dma_wait3A_44] : memref<256x64xf32, #tpu.memory_space<vmem>> -> memref<64x64xf32, #tpu.memory_space<vmem>>
    tpu.wait_dma2 semaphore(%arg12 : memref<!tpu.dma_semaphore, #tpu.memory_space<semaphore_mem>>) src(%dma_wait3A_45 : memref<64x64xf32, #tpu.memory_space<vmem>>) dst(%dma_wait3A_42 : memref<64x64xf32, #tpu.memory_space<hbm>>)
    %dma_wait3A_46 = arith.constant 128 : i32
    %dma_wait3A_47 = arith.constant 0 : i32
    %dma_wait3A_48 = tpu.memref_slice %arg8[%dma_wait3A_46, %dma_wait3A_47] : memref<256x64xf32, #tpu.memory_space<vmem>> -> memref<64x64xf32, #tpu.memory_space<vmem>>
    %dma_wait3A_49 = arith.constant 0 : i32
    %dma_wait3A_50 = arith.constant 0 : i32
    %dma_wait3A_51 = tpu.memref_slice %arg4[%mul3A_4, %dma_wait3A_49, %dma_wait3A_50] : memref<4096x64x64xf32, #tpu.memory_space<hbm>> -> memref<1x64x64xf32, #tpu.memory_space<hbm>>
    %dma_wait3A_52 = tpu.memref_squeeze %dma_wait3A_51 : memref<1x64x64xf32, #tpu.memory_space<hbm>> -> memref<64x64xf32, #tpu.memory_space<hbm>>
    %dma_wait3A_53 = arith.constant 0 : i32
    %dma_wait3A_54 = arith.constant 0 : i32
    %dma_wait3A_55 = tpu.memref_slice %arg4[%mul3A_4, %dma_wait3A_53, %dma_wait3A_54] : memref<4096x64x64xf32, #tpu.memory_space<hbm>> -> memref<1x64x64xf32, #tpu.memory_space<hbm>>
    %dma_wait3A_56 = tpu.memref_squeeze %dma_wait3A_55 : memref<1x64x64xf32, #tpu.memory_space<hbm>> -> memref<64x64xf32, #tpu.memory_space<hbm>>
    %dma_wait3A_57 = arith.constant 128 : i32
    %dma_wait3A_58 = arith.constant 0 : i32
    %dma_wait3A_59 = tpu.memref_slice %arg8[%dma_wait3A_57, %dma_wait3A_58] : memref<256x64xf32, #tpu.memory_space<vmem>> -> memref<64x64xf32, #tpu.memory_space<vmem>>
    tpu.wait_dma2 semaphore(%arg12 : memref<!tpu.dma_semaphore, #tpu.memory_space<semaphore_mem>>) src(%dma_wait3A_59 : memref<64x64xf32, #tpu.memory_space<vmem>>) dst(%dma_wait3A_56 : memref<64x64xf32, #tpu.memory_space<hbm>>)
    %dma_wait3A_60 = arith.constant 192 : i32
    %dma_wait3A_61 = arith.constant 0 : i32
    %dma_wait3A_62 = tpu.memref_slice %arg8[%dma_wait3A_60, %dma_wait3A_61] : memref<256x64xf32, #tpu.memory_space<vmem>> -> memref<64x64xf32, #tpu.memory_space<vmem>>
    %dma_wait3A_63 = arith.constant 0 : i32
    %dma_wait3A_64 = arith.constant 0 : i32
    %dma_wait3A_65 = tpu.memref_slice %arg4[%mul3A_4, %dma_wait3A_63, %dma_wait3A_64] : memref<4096x64x64xf32, #tpu.memory_space<hbm>> -> memref<1x64x64xf32, #tpu.memory_space<hbm>>
    %dma_wait3A_66 = tpu.memref_squeeze %dma_wait3A_65 : memref<1x64x64xf32, #tpu.memory_space<hbm>> -> memref<64x64xf32, #tpu.memory_space<hbm>>
    %dma_wait3A_67 = arith.constant 0 : i32
    %dma_wait3A_68 = arith.constant 0 : i32
    %dma_wait3A_69 = tpu.memref_slice %arg4[%mul3A_4, %dma_wait3A_67, %dma_wait3A_68] : memref<4096x64x64xf32, #tpu.memory_space<hbm>> -> memref<1x64x64xf32, #tpu.memory_space<hbm>>
    %dma_wait3A_70 = tpu.memref_squeeze %dma_wait3A_69 : memref<1x64x64xf32, #tpu.memory_space<hbm>> -> memref<64x64xf32, #tpu.memory_space<hbm>>
    %dma_wait3A_71 = arith.constant 192 : i32
    %dma_wait3A_72 = arith.constant 0 : i32
    %dma_wait3A_73 = tpu.memref_slice %arg8[%dma_wait3A_71, %dma_wait3A_72] : memref<256x64xf32, #tpu.memory_space<vmem>> -> memref<64x64xf32, #tpu.memory_space<vmem>>
    tpu.wait_dma2 semaphore(%arg12 : memref<!tpu.dma_semaphore, #tpu.memory_space<semaphore_mem>>) src(%dma_wait3A_73 : memref<64x64xf32, #tpu.memory_space<vmem>>) dst(%dma_wait3A_70 : memref<64x64xf32, #tpu.memory_space<hbm>>)
    %dma_wait3A_74 = arith.constant 0 : i32
    %dma_wait3A_75 = arith.constant 0 : i32
    %dma_wait3A_76 = tpu.memref_slice %arg9[%dma_wait3A_74, %dma_wait3A_75] : memref<256x64xf32, #tpu.memory_space<vmem>> -> memref<64x64xf32, #tpu.memory_space<vmem>>
    %dma_wait3A_77 = arith.constant 0 : i32
    %dma_wait3A_78 = arith.constant 0 : i32
    %dma_wait3A_79 = tpu.memref_slice %arg4[%mul3A_4, %dma_wait3A_77, %dma_wait3A_78] : memref<4096x64x64xf32, #tpu.memory_space<hbm>> -> memref<1x64x64xf32, #tpu.memory_space<hbm>>
    %dma_wait3A_80 = tpu.memref_squeeze %dma_wait3A_79 : memref<1x64x64xf32, #tpu.memory_space<hbm>> -> memref<64x64xf32, #tpu.memory_space<hbm>>
    %dma_wait3A_81 = arith.constant 0 : i32
    %dma_wait3A_82 = arith.constant 0 : i32
    %dma_wait3A_83 = tpu.memref_slice %arg4[%mul3A_4, %dma_wait3A_81, %dma_wait3A_82] : memref<4096x64x64xf32, #tpu.memory_space<hbm>> -> memref<1x64x64xf32, #tpu.memory_space<hbm>>
    %dma_wait3A_84 = tpu.memref_squeeze %dma_wait3A_83 : memref<1x64x64xf32, #tpu.memory_space<hbm>> -> memref<64x64xf32, #tpu.memory_space<hbm>>
    %dma_wait3A_85 = arith.constant 0 : i32
    %dma_wait3A_86 = arith.constant 0 : i32
    %dma_wait3A_87 = tpu.memref_slice %arg9[%dma_wait3A_85, %dma_wait3A_86] : memref<256x64xf32, #tpu.memory_space<vmem>> -> memref<64x64xf32, #tpu.memory_space<vmem>>
    tpu.wait_dma2 semaphore(%arg13 : memref<!tpu.dma_semaphore, #tpu.memory_space<semaphore_mem>>) src(%dma_wait3A_87 : memref<64x64xf32, #tpu.memory_space<vmem>>) dst(%dma_wait3A_84 : memref<64x64xf32, #tpu.memory_space<hbm>>)
    %dma_wait3A_88 = arith.constant 64 : i32
    %dma_wait3A_89 = arith.constant 0 : i32
    %dma_wait3A_90 = tpu.memref_slice %arg9[%dma_wait3A_88, %dma_wait3A_89] : memref<256x64xf32, #tpu.memory_space<vmem>> -> memref<64x64xf32, #tpu.memory_space<vmem>>
    %dma_wait3A_91 = arith.constant 0 : i32
    %dma_wait3A_92 = arith.constant 0 : i32
    %dma_wait3A_93 = tpu.memref_slice %arg4[%mul3A_4, %dma_wait3A_91, %dma_wait3A_92] : memref<4096x64x64xf32, #tpu.memory_space<hbm>> -> memref<1x64x64xf32, #tpu.memory_space<hbm>>
    %dma_wait3A_94 = tpu.memref_squeeze %dma_wait3A_93 : memref<1x64x64xf32, #tpu.memory_space<hbm>> -> memref<64x64xf32, #tpu.memory_space<hbm>>
    %dma_wait3A_95 = arith.constant 0 : i32
    %dma_wait3A_96 = arith.constant 0 : i32
    %dma_wait3A_97 = tpu.memref_slice %arg4[%mul3A_4, %dma_wait3A_95, %dma_wait3A_96] : memref<4096x64x64xf32, #tpu.memory_space<hbm>> -> memref<1x64x64xf32, #tpu.memory_space<hbm>>
    %dma_wait3A_98 = tpu.memref_squeeze %dma_wait3A_97 : memref<1x64x64xf32, #tpu.memory_space<hbm>> -> memref<64x64xf32, #tpu.memory_space<hbm>>
    %dma_wait3A_99 = arith.constant 64 : i32
    %dma_wait3A_100 = arith.constant 0 : i32
    %dma_wait3A_101 = tpu.memref_slice %arg9[%dma_wait3A_99, %dma_wait3A_100] : memref<256x64xf32, #tpu.memory_space<vmem>> -> memref<64x64xf32, #tpu.memory_space<vmem>>
    tpu.wait_dma2 semaphore(%arg13 : memref<!tpu.dma_semaphore, #tpu.memory_space<semaphore_mem>>) src(%dma_wait3A_101 : memref<64x64xf32, #tpu.memory_space<vmem>>) dst(%dma_wait3A_98 : memref<64x64xf32, #tpu.memory_space<hbm>>)
    %dma_wait3A_102 = arith.constant 128 : i32
    %dma_wait3A_103 = arith.constant 0 : i32
    %dma_wait3A_104 = tpu.memref_slice %arg9[%dma_wait3A_102, %dma_wait3A_103] : memref<256x64xf32, #tpu.memory_space<vmem>> -> memref<64x64xf32, #tpu.memory_space<vmem>>
    %dma_wait3A_105 = arith.constant 0 : i32
    %dma_wait3A_106 = arith.constant 0 : i32
    %dma_wait3A_107 = tpu.memref_slice %arg4[%mul3A_4, %dma_wait3A_105, %dma_wait3A_106] : memref<4096x64x64xf32, #tpu.memory_space<hbm>> -> memref<1x64x64xf32, #tpu.memory_space<hbm>>
    %dma_wait3A_108 = tpu.memref_squeeze %dma_wait3A_107 : memref<1x64x64xf32, #tpu.memory_space<hbm>> -> memref<64x64xf32, #tpu.memory_space<hbm>>
    %dma_wait3A_109 = arith.constant 0 : i32
    %dma_wait3A_110 = arith.constant 0 : i32
    %dma_wait3A_111 = tpu.memref_slice %arg4[%mul3A_4, %dma_wait3A_109, %dma_wait3A_110] : memref<4096x64x64xf32, #tpu.memory_space<hbm>> -> memref<1x64x64xf32, #tpu.memory_space<hbm>>
    %dma_wait3A_112 = tpu.memref_squeeze %dma_wait3A_111 : memref<1x64x64xf32, #tpu.memory_space<hbm>> -> memref<64x64xf32, #tpu.memory_space<hbm>>
    %dma_wait3A_113 = arith.constant 128 : i32
    %dma_wait3A_114 = arith.constant 0 : i32
    %dma_wait3A_115 = tpu.memref_slice %arg9[%dma_wait3A_113, %dma_wait3A_114] : memref<256x64xf32, #tpu.memory_space<vmem>> -> memref<64x64xf32, #tpu.memory_space<vmem>>
    tpu.wait_dma2 semaphore(%arg13 : memref<!tpu.dma_semaphore, #tpu.memory_space<semaphore_mem>>) src(%dma_wait3A_115 : memref<64x64xf32, #tpu.memory_space<vmem>>) dst(%dma_wait3A_112 : memref<64x64xf32, #tpu.memory_space<hbm>>)
    %dma_wait3A_116 = arith.constant 192 : i32
    %dma_wait3A_117 = arith.constant 0 : i32
    %dma_wait3A_118 = tpu.memref_slice %arg9[%dma_wait3A_116, %dma_wait3A_117] : memref<256x64xf32, #tpu.memory_space<vmem>> -> memref<64x64xf32, #tpu.memory_space<vmem>>
    %dma_wait3A_119 = arith.constant 0 : i32
    %dma_wait3A_120 = arith.constant 0 : i32
    %dma_wait3A_121 = tpu.memref_slice %arg4[%mul3A_4, %dma_wait3A_119, %dma_wait3A_120] : memref<4096x64x64xf32, #tpu.memory_space<hbm>> -> memref<1x64x64xf32, #tpu.memory_space<hbm>>
    %dma_wait3A_122 = tpu.memref_squeeze %dma_wait3A_121 : memref<1x64x64xf32, #tpu.memory_space<hbm>> -> memref<64x64xf32, #tpu.memory_space<hbm>>
    %dma_wait3A_123 = arith.constant 0 : i32
    %dma_wait3A_124 = arith.constant 0 : i32
    %dma_wait3A_125 = tpu.memref_slice %arg4[%mul3A_4, %dma_wait3A_123, %dma_wait3A_124] : memref<4096x64x64xf32, #tpu.memory_space<hbm>> -> memref<1x64x64xf32, #tpu.memory_space<hbm>>
    %dma_wait3A_126 = tpu.memref_squeeze %dma_wait3A_125 : memref<1x64x64xf32, #tpu.memory_space<hbm>> -> memref<64x64xf32, #tpu.memory_space<hbm>>
    %dma_wait3A_127 = arith.constant 192 : i32
    %dma_wait3A_128 = arith.constant 0 : i32
    %dma_wait3A_129 = tpu.memref_slice %arg9[%dma_wait3A_127, %dma_wait3A_128] : memref<256x64xf32, #tpu.memory_space<vmem>> -> memref<64x64xf32, #tpu.memory_space<vmem>>
    tpu.wait_dma2 semaphore(%arg13 : memref<!tpu.dma_semaphore, #tpu.memory_space<semaphore_mem>>) src(%dma_wait3A_129 : memref<64x64xf32, #tpu.memory_space<vmem>>) dst(%dma_wait3A_126 : memref<64x64xf32, #tpu.memory_space<hbm>>)
    return
  }
}

module attributes {stable_mosaic.version = 14 : i64} {
  func.func @_mm_body(%arg0: i32, %arg1: memref<256x4096xf32, #tpu.memory_space<vmem>>, %arg2: memref<16x256x256xf32, #tpu.memory_space<vmem>>, %arg3: memref<16x256xf32, #tpu.memory_space<vmem>>, %arg4: memref<256x4096xf32, #tpu.memory_space<vmem>>) attributes {dimension_semantics = [#tpu.dimension_semantics<arbitrary>], iteration_bounds = array<i64: 16>, scalar_prefetch = 0 : i64, scratch_operands = 0 : i64, tpu.core_type = #tpu.core_type<tc>, window_params = [{transform_indices = @transform_0, window_bounds = array<i64: 256, 4096>}, {pipeline_mode = #tpu.pipeline_mode<synchronous>, transform_indices = @transform_1, window_bounds = array<i64: 16, 256, 256>}, {pipeline_mode = #tpu.pipeline_mode<synchronous>, transform_indices = @transform_2, window_bounds = array<i64: 16, 256>}, {transform_indices = @transform_3, window_bounds = array<i64: 256, 4096>}]} {
    %get3A = arith.constant 0 : index
    %get3A_0 = arith.constant 0 : index
    %get3A_1 = vector.load %arg1[%get3A, %get3A_0] : memref<256x4096xf32, #tpu.memory_space<vmem>>, vector<256x256xf32>
    %get3A_2 = arith.constant 0 : index
    %get3A_3 = arith.constant 0 : index
    %get3A_4 = arith.constant 0 : index
    %get3A_5 = vector.load %arg2[%get3A_2, %get3A_3, %get3A_4] : memref<16x256x256xf32, #tpu.memory_space<vmem>>, vector<1x256x256xf32>
    %get3A_6 = vector.shape_cast %get3A_5 : vector<1x256x256xf32> to vector<256x256xf32>
    %dot_general3A = arith.constant dense<0.000000e+00> : vector<256x256xf32>
    %dot_general3A_7 = tpu.matmul %get3A_1, %get3A_6, %dot_general3A {dimension_numbers = #tpu.dot_dimension_numbers<[1], [0], [0], [1], [0, 0, 1, 1], [], []>, transpose_lhs_hint = false} : vector<256x256xf32>, vector<256x256xf32>, vector<256x256xf32> -> vector<256x256xf32>
    %get3A_8 = arith.constant 0 : index
    %get3A_9 = arith.constant 0 : index
    %get3A_10 = vector.load %arg3[%get3A_8, %get3A_9] : memref<16x256xf32, #tpu.memory_space<vmem>>, vector<1x256xf32>
    %get3A_11 = vector.shape_cast %get3A_10 : vector<1x256xf32> to vector<256xf32>
    %broadcast_in_dim3A = vector.shape_cast %get3A_11 : vector<256xf32> to vector<1x256xf32>
    %add3A = vector.broadcast %broadcast_in_dim3A : vector<1x256xf32> to vector<256x256xf32>
    %add3A_12 = arith.addf %dot_general3A_7, %add3A : vector<256x256xf32>
    %swap3A = arith.constant 0 : index
    %swap3A_13 = arith.constant 0 : index
    %swap3A_14 = vector.load %arg4[%swap3A, %swap3A_13] : memref<256x4096xf32, #tpu.memory_space<vmem>>, vector<256x256xf32>
    tpu.vector_store %arg4[%swap3A, %swap3A_13], %add3A_12 {strides = array<i32>} : memref<256x4096xf32, #tpu.memory_space<vmem>>, vector<256x256xf32>,
    %get3A_15 = arith.constant 0 : index
    %get3A_16 = arith.constant 256 : index
    %get3A_17 = vector.load %arg1[%get3A_15, %get3A_16] : memref<256x4096xf32, #tpu.memory_space<vmem>>, vector<256x256xf32>
    %get3A_18 = arith.constant 1 : index
    %get3A_19 = arith.constant 0 : index
    %get3A_20 = arith.constant 0 : index
    %get3A_21 = vector.load %arg2[%get3A_18, %get3A_19, %get3A_20] : memref<16x256x256xf32, #tpu.memory_space<vmem>>, vector<1x256x256xf32>
    %get3A_22 = vector.shape_cast %get3A_21 : vector<1x256x256xf32> to vector<256x256xf32>
    %dot_general3A_23 = arith.constant dense<0.000000e+00> : vector<256x256xf32>
    %dot_general3A_24 = tpu.matmul %get3A_17, %get3A_22, %dot_general3A_23 {dimension_numbers = #tpu.dot_dimension_numbers<[1], [0], [0], [1], [0, 0, 1, 1], [], []>, transpose_lhs_hint = false} : vector<256x256xf32>, vector<256x256xf32>, vector<256x256xf32> -> vector<256x256xf32>
    %get3A_25 = arith.constant 1 : index
    %get3A_26 = arith.constant 0 : index
    %get3A_27 = vector.load %arg3[%get3A_25, %get3A_26] : memref<16x256xf32, #tpu.memory_space<vmem>>, vector<1x256xf32>
    %get3A_28 = vector.shape_cast %get3A_27 : vector<1x256xf32> to vector<256xf32>
    %broadcast_in_dim3A_29 = vector.shape_cast %get3A_28 : vector<256xf32> to vector<1x256xf32>
    %add3A_30 = vector.broadcast %broadcast_in_dim3A_29 : vector<1x256xf32> to vector<256x256xf32>
    %add3A_31 = arith.addf %dot_general3A_24, %add3A_30 : vector<256x256xf32>
    %swap3A_32 = arith.constant 0 : index
    %swap3A_33 = arith.constant 256 : index
    %swap3A_34 = vector.load %arg4[%swap3A_32, %swap3A_33] : memref<256x4096xf32, #tpu.memory_space<vmem>>, vector<256x256xf32>
    tpu.vector_store %arg4[%swap3A_32, %swap3A_33], %add3A_31 {strides = array<i32>} : memref<256x4096xf32, #tpu.memory_space<vmem>>, vector<256x256xf32>,
    %get3A_35 = arith.constant 0 : index
    %get3A_36 = arith.constant 512 : index
    %get3A_37 = vector.load %arg1[%get3A_35, %get3A_36] : memref<256x4096xf32, #tpu.memory_space<vmem>>, vector<256x256xf32>
    %get3A_38 = arith.constant 2 : index
    %get3A_39 = arith.constant 0 : index
    %get3A_40 = arith.constant 0 : index
    %get3A_41 = vector.load %arg2[%get3A_38, %get3A_39, %get3A_40] : memref<16x256x256xf32, #tpu.memory_space<vmem>>, vector<1x256x256xf32>
    %get3A_42 = vector.shape_cast %get3A_41 : vector<1x256x256xf32> to vector<256x256xf32>
    %dot_general3A_43 = arith.constant dense<0.000000e+00> : vector<256x256xf32>
    %dot_general3A_44 = tpu.matmul %get3A_37, %get3A_42, %dot_general3A_43 {dimension_numbers = #tpu.dot_dimension_numbers<[1], [0], [0], [1], [0, 0, 1, 1], [], []>, transpose_lhs_hint = false} : vector<256x256xf32>, vector<256x256xf32>, vector<256x256xf32> -> vector<256x256xf32>
    %get3A_45 = arith.constant 2 : index
    %get3A_46 = arith.constant 0 : index
    %get3A_47 = vector.load %arg3[%get3A_45, %get3A_46] : memref<16x256xf32, #tpu.memory_space<vmem>>, vector<1x256xf32>
    %get3A_48 = vector.shape_cast %get3A_47 : vector<1x256xf32> to vector<256xf32>
    %broadcast_in_dim3A_49 = vector.shape_cast %get3A_48 : vector<256xf32> to vector<1x256xf32>
    %add3A_50 = vector.broadcast %broadcast_in_dim3A_49 : vector<1x256xf32> to vector<256x256xf32>
    %add3A_51 = arith.addf %dot_general3A_44, %add3A_50 : vector<256x256xf32>
    %swap3A_52 = arith.constant 0 : index
    %swap3A_53 = arith.constant 512 : index
    %swap3A_54 = vector.load %arg4[%swap3A_52, %swap3A_53] : memref<256x4096xf32, #tpu.memory_space<vmem>>, vector<256x256xf32>
    tpu.vector_store %arg4[%swap3A_52, %swap3A_53], %add3A_51 {strides = array<i32>} : memref<256x4096xf32, #tpu.memory_space<vmem>>, vector<256x256xf32>,
    %get3A_55 = arith.constant 0 : index
    %get3A_56 = arith.constant 768 : index
    %get3A_57 = vector.load %arg1[%get3A_55, %get3A_56] : memref<256x4096xf32, #tpu.memory_space<vmem>>, vector<256x256xf32>
    %get3A_58 = arith.constant 3 : index
    %get3A_59 = arith.constant 0 : index
    %get3A_60 = arith.constant 0 : index
    %get3A_61 = vector.load %arg2[%get3A_58, %get3A_59, %get3A_60] : memref<16x256x256xf32, #tpu.memory_space<vmem>>, vector<1x256x256xf32>
    %get3A_62 = vector.shape_cast %get3A_61 : vector<1x256x256xf32> to vector<256x256xf32>
    %dot_general3A_63 = arith.constant dense<0.000000e+00> : vector<256x256xf32>
    %dot_general3A_64 = tpu.matmul %get3A_57, %get3A_62, %dot_general3A_63 {dimension_numbers = #tpu.dot_dimension_numbers<[1], [0], [0], [1], [0, 0, 1, 1], [], []>, transpose_lhs_hint = false} : vector<256x256xf32>, vector<256x256xf32>, vector<256x256xf32> -> vector<256x256xf32>
    %get3A_65 = arith.constant 3 : index
    %get3A_66 = arith.constant 0 : index
    %get3A_67 = vector.load %arg3[%get3A_65, %get3A_66] : memref<16x256xf32, #tpu.memory_space<vmem>>, vector<1x256xf32>
    %get3A_68 = vector.shape_cast %get3A_67 : vector<1x256xf32> to vector<256xf32>
    %broadcast_in_dim3A_69 = vector.shape_cast %get3A_68 : vector<256xf32> to vector<1x256xf32>
    %add3A_70 = vector.broadcast %broadcast_in_dim3A_69 : vector<1x256xf32> to vector<256x256xf32>
    %add3A_71 = arith.addf %dot_general3A_64, %add3A_70 : vector<256x256xf32>
    %swap3A_72 = arith.constant 0 : index
    %swap3A_73 = arith.constant 768 : index
    %swap3A_74 = vector.load %arg4[%swap3A_72, %swap3A_73] : memref<256x4096xf32, #tpu.memory_space<vmem>>, vector<256x256xf32>
    tpu.vector_store %arg4[%swap3A_72, %swap3A_73], %add3A_71 {strides = array<i32>} : memref<256x4096xf32, #tpu.memory_space<vmem>>, vector<256x256xf32>,
    %get3A_75 = arith.constant 0 : index
    %get3A_76 = arith.constant 1024 : index
    %get3A_77 = vector.load %arg1[%get3A_75, %get3A_76] : memref<256x4096xf32, #tpu.memory_space<vmem>>, vector<256x256xf32>
    %get3A_78 = arith.constant 4 : index
    %get3A_79 = arith.constant 0 : index
    %get3A_80 = arith.constant 0 : index
    %get3A_81 = vector.load %arg2[%get3A_78, %get3A_79, %get3A_80] : memref<16x256x256xf32, #tpu.memory_space<vmem>>, vector<1x256x256xf32>
    %get3A_82 = vector.shape_cast %get3A_81 : vector<1x256x256xf32> to vector<256x256xf32>
    %dot_general3A_83 = arith.constant dense<0.000000e+00> : vector<256x256xf32>
    %dot_general3A_84 = tpu.matmul %get3A_77, %get3A_82, %dot_general3A_83 {dimension_numbers = #tpu.dot_dimension_numbers<[1], [0], [0], [1], [0, 0, 1, 1], [], []>, transpose_lhs_hint = false} : vector<256x256xf32>, vector<256x256xf32>, vector<256x256xf32> -> vector<256x256xf32>
    %get3A_85 = arith.constant 4 : index
    %get3A_86 = arith.constant 0 : index
    %get3A_87 = vector.load %arg3[%get3A_85, %get3A_86] : memref<16x256xf32, #tpu.memory_space<vmem>>, vector<1x256xf32>
    %get3A_88 = vector.shape_cast %get3A_87 : vector<1x256xf32> to vector<256xf32>
    %broadcast_in_dim3A_89 = vector.shape_cast %get3A_88 : vector<256xf32> to vector<1x256xf32>
    %add3A_90 = vector.broadcast %broadcast_in_dim3A_89 : vector<1x256xf32> to vector<256x256xf32>
    %add3A_91 = arith.addf %dot_general3A_84, %add3A_90 : vector<256x256xf32>
    %swap3A_92 = arith.constant 0 : index
    %swap3A_93 = arith.constant 1024 : index
    %swap3A_94 = vector.load %arg4[%swap3A_92, %swap3A_93] : memref<256x4096xf32, #tpu.memory_space<vmem>>, vector<256x256xf32>
    tpu.vector_store %arg4[%swap3A_92, %swap3A_93], %add3A_91 {strides = array<i32>} : memref<256x4096xf32, #tpu.memory_space<vmem>>, vector<256x256xf32>,
    %get3A_95 = arith.constant 0 : index
    %get3A_96 = arith.constant 1280 : index
    %get3A_97 = vector.load %arg1[%get3A_95, %get3A_96] : memref<256x4096xf32, #tpu.memory_space<vmem>>, vector<256x256xf32>
    %get3A_98 = arith.constant 5 : index
    %get3A_99 = arith.constant 0 : index
    %get3A_100 = arith.constant 0 : index
    %get3A_101 = vector.load %arg2[%get3A_98, %get3A_99, %get3A_100] : memref<16x256x256xf32, #tpu.memory_space<vmem>>, vector<1x256x256xf32>
    %get3A_102 = vector.shape_cast %get3A_101 : vector<1x256x256xf32> to vector<256x256xf32>
    %dot_general3A_103 = arith.constant dense<0.000000e+00> : vector<256x256xf32>
    %dot_general3A_104 = tpu.matmul %get3A_97, %get3A_102, %dot_general3A_103 {dimension_numbers = #tpu.dot_dimension_numbers<[1], [0], [0], [1], [0, 0, 1, 1], [], []>, transpose_lhs_hint = false} : vector<256x256xf32>, vector<256x256xf32>, vector<256x256xf32> -> vector<256x256xf32>
    %get3A_105 = arith.constant 5 : index
    %get3A_106 = arith.constant 0 : index
    %get3A_107 = vector.load %arg3[%get3A_105, %get3A_106] : memref<16x256xf32, #tpu.memory_space<vmem>>, vector<1x256xf32>
    %get3A_108 = vector.shape_cast %get3A_107 : vector<1x256xf32> to vector<256xf32>
    %broadcast_in_dim3A_109 = vector.shape_cast %get3A_108 : vector<256xf32> to vector<1x256xf32>
    %add3A_110 = vector.broadcast %broadcast_in_dim3A_109 : vector<1x256xf32> to vector<256x256xf32>
    %add3A_111 = arith.addf %dot_general3A_104, %add3A_110 : vector<256x256xf32>
    %swap3A_112 = arith.constant 0 : index
    %swap3A_113 = arith.constant 1280 : index
    %swap3A_114 = vector.load %arg4[%swap3A_112, %swap3A_113] : memref<256x4096xf32, #tpu.memory_space<vmem>>, vector<256x256xf32>
    tpu.vector_store %arg4[%swap3A_112, %swap3A_113], %add3A_111 {strides = array<i32>} : memref<256x4096xf32, #tpu.memory_space<vmem>>, vector<256x256xf32>,
    %get3A_115 = arith.constant 0 : index
    %get3A_116 = arith.constant 1536 : index
    %get3A_117 = vector.load %arg1[%get3A_115, %get3A_116] : memref<256x4096xf32, #tpu.memory_space<vmem>>, vector<256x256xf32>
    %get3A_118 = arith.constant 6 : index
    %get3A_119 = arith.constant 0 : index
    %get3A_120 = arith.constant 0 : index
    %get3A_121 = vector.load %arg2[%get3A_118, %get3A_119, %get3A_120] : memref<16x256x256xf32, #tpu.memory_space<vmem>>, vector<1x256x256xf32>
    %get3A_122 = vector.shape_cast %get3A_121 : vector<1x256x256xf32> to vector<256x256xf32>
    %dot_general3A_123 = arith.constant dense<0.000000e+00> : vector<256x256xf32>
    %dot_general3A_124 = tpu.matmul %get3A_117, %get3A_122, %dot_general3A_123 {dimension_numbers = #tpu.dot_dimension_numbers<[1], [0], [0], [1], [0, 0, 1, 1], [], []>, transpose_lhs_hint = false} : vector<256x256xf32>, vector<256x256xf32>, vector<256x256xf32> -> vector<256x256xf32>
    %get3A_125 = arith.constant 6 : index
    %get3A_126 = arith.constant 0 : index
    %get3A_127 = vector.load %arg3[%get3A_125, %get3A_126] : memref<16x256xf32, #tpu.memory_space<vmem>>, vector<1x256xf32>
    %get3A_128 = vector.shape_cast %get3A_127 : vector<1x256xf32> to vector<256xf32>
    %broadcast_in_dim3A_129 = vector.shape_cast %get3A_128 : vector<256xf32> to vector<1x256xf32>
    %add3A_130 = vector.broadcast %broadcast_in_dim3A_129 : vector<1x256xf32> to vector<256x256xf32>
    %add3A_131 = arith.addf %dot_general3A_124, %add3A_130 : vector<256x256xf32>
    %swap3A_132 = arith.constant 0 : index
    %swap3A_133 = arith.constant 1536 : index
    %swap3A_134 = vector.load %arg4[%swap3A_132, %swap3A_133] : memref<256x4096xf32, #tpu.memory_space<vmem>>, vector<256x256xf32>
    tpu.vector_store %arg4[%swap3A_132, %swap3A_133], %add3A_131 {strides = array<i32>} : memref<256x4096xf32, #tpu.memory_space<vmem>>, vector<256x256xf32>,
    %get3A_135 = arith.constant 0 : index
    %get3A_136 = arith.constant 1792 : index
    %get3A_137 = vector.load %arg1[%get3A_135, %get3A_136] : memref<256x4096xf32, #tpu.memory_space<vmem>>, vector<256x256xf32>
    %get3A_138 = arith.constant 7 : index
    %get3A_139 = arith.constant 0 : index
    %get3A_140 = arith.constant 0 : index
    %get3A_141 = vector.load %arg2[%get3A_138, %get3A_139, %get3A_140] : memref<16x256x256xf32, #tpu.memory_space<vmem>>, vector<1x256x256xf32>
    %get3A_142 = vector.shape_cast %get3A_141 : vector<1x256x256xf32> to vector<256x256xf32>
    %dot_general3A_143 = arith.constant dense<0.000000e+00> : vector<256x256xf32>
    %dot_general3A_144 = tpu.matmul %get3A_137, %get3A_142, %dot_general3A_143 {dimension_numbers = #tpu.dot_dimension_numbers<[1], [0], [0], [1], [0, 0, 1, 1], [], []>, transpose_lhs_hint = false} : vector<256x256xf32>, vector<256x256xf32>, vector<256x256xf32> -> vector<256x256xf32>
    %get3A_145 = arith.constant 7 : index
    %get3A_146 = arith.constant 0 : index
    %get3A_147 = vector.load %arg3[%get3A_145, %get3A_146] : memref<16x256xf32, #tpu.memory_space<vmem>>, vector<1x256xf32>
    %get3A_148 = vector.shape_cast %get3A_147 : vector<1x256xf32> to vector<256xf32>
    %broadcast_in_dim3A_149 = vector.shape_cast %get3A_148 : vector<256xf32> to vector<1x256xf32>
    %add3A_150 = vector.broadcast %broadcast_in_dim3A_149 : vector<1x256xf32> to vector<256x256xf32>
    %add3A_151 = arith.addf %dot_general3A_144, %add3A_150 : vector<256x256xf32>
    %swap3A_152 = arith.constant 0 : index
    %swap3A_153 = arith.constant 1792 : index
    %swap3A_154 = vector.load %arg4[%swap3A_152, %swap3A_153] : memref<256x4096xf32, #tpu.memory_space<vmem>>, vector<256x256xf32>
    tpu.vector_store %arg4[%swap3A_152, %swap3A_153], %add3A_151 {strides = array<i32>} : memref<256x4096xf32, #tpu.memory_space<vmem>>, vector<256x256xf32>,
    %get3A_155 = arith.constant 0 : index
    %get3A_156 = arith.constant 2048 : index
    %get3A_157 = vector.load %arg1[%get3A_155, %get3A_156] : memref<256x4096xf32, #tpu.memory_space<vmem>>, vector<256x256xf32>
    %get3A_158 = arith.constant 8 : index
    %get3A_159 = arith.constant 0 : index
    %get3A_160 = arith.constant 0 : index
    %get3A_161 = vector.load %arg2[%get3A_158, %get3A_159, %get3A_160] : memref<16x256x256xf32, #tpu.memory_space<vmem>>, vector<1x256x256xf32>
    %get3A_162 = vector.shape_cast %get3A_161 : vector<1x256x256xf32> to vector<256x256xf32>
    %dot_general3A_163 = arith.constant dense<0.000000e+00> : vector<256x256xf32>
    %dot_general3A_164 = tpu.matmul %get3A_157, %get3A_162, %dot_general3A_163 {dimension_numbers = #tpu.dot_dimension_numbers<[1], [0], [0], [1], [0, 0, 1, 1], [], []>, transpose_lhs_hint = false} : vector<256x256xf32>, vector<256x256xf32>, vector<256x256xf32> -> vector<256x256xf32>
    %get3A_165 = arith.constant 8 : index
    %get3A_166 = arith.constant 0 : index
    %get3A_167 = vector.load %arg3[%get3A_165, %get3A_166] : memref<16x256xf32, #tpu.memory_space<vmem>>, vector<1x256xf32>
    %get3A_168 = vector.shape_cast %get3A_167 : vector<1x256xf32> to vector<256xf32>
    %broadcast_in_dim3A_169 = vector.shape_cast %get3A_168 : vector<256xf32> to vector<1x256xf32>
    %add3A_170 = vector.broadcast %broadcast_in_dim3A_169 : vector<1x256xf32> to vector<256x256xf32>
    %add3A_171 = arith.addf %dot_general3A_164, %add3A_170 : vector<256x256xf32>
    %swap3A_172 = arith.constant 0 : index
    %swap3A_173 = arith.constant 2048 : index
    %swap3A_174 = vector.load %arg4[%swap3A_172, %swap3A_173] : memref<256x4096xf32, #tpu.memory_space<vmem>>, vector<256x256xf32>
    tpu.vector_store %arg4[%swap3A_172, %swap3A_173], %add3A_171 {strides = array<i32>} : memref<256x4096xf32, #tpu.memory_space<vmem>>, vector<256x256xf32>,
    %get3A_175 = arith.constant 0 : index
    %get3A_176 = arith.constant 2304 : index
    %get3A_177 = vector.load %arg1[%get3A_175, %get3A_176] : memref<256x4096xf32, #tpu.memory_space<vmem>>, vector<256x256xf32>
    %get3A_178 = arith.constant 9 : index
    %get3A_179 = arith.constant 0 : index
    %get3A_180 = arith.constant 0 : index
    %get3A_181 = vector.load %arg2[%get3A_178, %get3A_179, %get3A_180] : memref<16x256x256xf32, #tpu.memory_space<vmem>>, vector<1x256x256xf32>
    %get3A_182 = vector.shape_cast %get3A_181 : vector<1x256x256xf32> to vector<256x256xf32>
    %dot_general3A_183 = arith.constant dense<0.000000e+00> : vector<256x256xf32>
    %dot_general3A_184 = tpu.matmul %get3A_177, %get3A_182, %dot_general3A_183 {dimension_numbers = #tpu.dot_dimension_numbers<[1], [0], [0], [1], [0, 0, 1, 1], [], []>, transpose_lhs_hint = false} : vector<256x256xf32>, vector<256x256xf32>, vector<256x256xf32> -> vector<256x256xf32>
    %get3A_185 = arith.constant 9 : index
    %get3A_186 = arith.constant 0 : index
    %get3A_187 = vector.load %arg3[%get3A_185, %get3A_186] : memref<16x256xf32, #tpu.memory_space<vmem>>, vector<1x256xf32>
    %get3A_188 = vector.shape_cast %get3A_187 : vector<1x256xf32> to vector<256xf32>
    %broadcast_in_dim3A_189 = vector.shape_cast %get3A_188 : vector<256xf32> to vector<1x256xf32>
    %add3A_190 = vector.broadcast %broadcast_in_dim3A_189 : vector<1x256xf32> to vector<256x256xf32>
    %add3A_191 = arith.addf %dot_general3A_184, %add3A_190 : vector<256x256xf32>
    %swap3A_192 = arith.constant 0 : index
    %swap3A_193 = arith.constant 2304 : index
    %swap3A_194 = vector.load %arg4[%swap3A_192, %swap3A_193] : memref<256x4096xf32, #tpu.memory_space<vmem>>, vector<256x256xf32>
    tpu.vector_store %arg4[%swap3A_192, %swap3A_193], %add3A_191 {strides = array<i32>} : memref<256x4096xf32, #tpu.memory_space<vmem>>, vector<256x256xf32>,
    %get3A_195 = arith.constant 0 : index
    %get3A_196 = arith.constant 2560 : index
    %get3A_197 = vector.load %arg1[%get3A_195, %get3A_196] : memref<256x4096xf32, #tpu.memory_space<vmem>>, vector<256x256xf32>
    %get3A_198 = arith.constant 10 : index
    %get3A_199 = arith.constant 0 : index
    %get3A_200 = arith.constant 0 : index
    %get3A_201 = vector.load %arg2[%get3A_198, %get3A_199, %get3A_200] : memref<16x256x256xf32, #tpu.memory_space<vmem>>, vector<1x256x256xf32>
    %get3A_202 = vector.shape_cast %get3A_201 : vector<1x256x256xf32> to vector<256x256xf32>
    %dot_general3A_203 = arith.constant dense<0.000000e+00> : vector<256x256xf32>
    %dot_general3A_204 = tpu.matmul %get3A_197, %get3A_202, %dot_general3A_203 {dimension_numbers = #tpu.dot_dimension_numbers<[1], [0], [0], [1], [0, 0, 1, 1], [], []>, transpose_lhs_hint = false} : vector<256x256xf32>, vector<256x256xf32>, vector<256x256xf32> -> vector<256x256xf32>
    %get3A_205 = arith.constant 10 : index
    %get3A_206 = arith.constant 0 : index
    %get3A_207 = vector.load %arg3[%get3A_205, %get3A_206] : memref<16x256xf32, #tpu.memory_space<vmem>>, vector<1x256xf32>
    %get3A_208 = vector.shape_cast %get3A_207 : vector<1x256xf32> to vector<256xf32>
    %broadcast_in_dim3A_209 = vector.shape_cast %get3A_208 : vector<256xf32> to vector<1x256xf32>
    %add3A_210 = vector.broadcast %broadcast_in_dim3A_209 : vector<1x256xf32> to vector<256x256xf32>
    %add3A_211 = arith.addf %dot_general3A_204, %add3A_210 : vector<256x256xf32>
    %swap3A_212 = arith.constant 0 : index
    %swap3A_213 = arith.constant 2560 : index
    %swap3A_214 = vector.load %arg4[%swap3A_212, %swap3A_213] : memref<256x4096xf32, #tpu.memory_space<vmem>>, vector<256x256xf32>
    tpu.vector_store %arg4[%swap3A_212, %swap3A_213], %add3A_211 {strides = array<i32>} : memref<256x4096xf32, #tpu.memory_space<vmem>>, vector<256x256xf32>,
    %get3A_215 = arith.constant 0 : index
    %get3A_216 = arith.constant 2816 : index
    %get3A_217 = vector.load %arg1[%get3A_215, %get3A_216] : memref<256x4096xf32, #tpu.memory_space<vmem>>, vector<256x256xf32>
    %get3A_218 = arith.constant 11 : index
    %get3A_219 = arith.constant 0 : index
    %get3A_220 = arith.constant 0 : index
    %get3A_221 = vector.load %arg2[%get3A_218, %get3A_219, %get3A_220] : memref<16x256x256xf32, #tpu.memory_space<vmem>>, vector<1x256x256xf32>
    %get3A_222 = vector.shape_cast %get3A_221 : vector<1x256x256xf32> to vector<256x256xf32>
    %dot_general3A_223 = arith.constant dense<0.000000e+00> : vector<256x256xf32>
    %dot_general3A_224 = tpu.matmul %get3A_217, %get3A_222, %dot_general3A_223 {dimension_numbers = #tpu.dot_dimension_numbers<[1], [0], [0], [1], [0, 0, 1, 1], [], []>, transpose_lhs_hint = false} : vector<256x256xf32>, vector<256x256xf32>, vector<256x256xf32> -> vector<256x256xf32>
    %get3A_225 = arith.constant 11 : index
    %get3A_226 = arith.constant 0 : index
    %get3A_227 = vector.load %arg3[%get3A_225, %get3A_226] : memref<16x256xf32, #tpu.memory_space<vmem>>, vector<1x256xf32>
    %get3A_228 = vector.shape_cast %get3A_227 : vector<1x256xf32> to vector<256xf32>
    %broadcast_in_dim3A_229 = vector.shape_cast %get3A_228 : vector<256xf32> to vector<1x256xf32>
    %add3A_230 = vector.broadcast %broadcast_in_dim3A_229 : vector<1x256xf32> to vector<256x256xf32>
    %add3A_231 = arith.addf %dot_general3A_224, %add3A_230 : vector<256x256xf32>
    %swap3A_232 = arith.constant 0 : index
    %swap3A_233 = arith.constant 2816 : index
    %swap3A_234 = vector.load %arg4[%swap3A_232, %swap3A_233] : memref<256x4096xf32, #tpu.memory_space<vmem>>, vector<256x256xf32>
    tpu.vector_store %arg4[%swap3A_232, %swap3A_233], %add3A_231 {strides = array<i32>} : memref<256x4096xf32, #tpu.memory_space<vmem>>, vector<256x256xf32>,
    %get3A_235 = arith.constant 0 : index
    %get3A_236 = arith.constant 3072 : index
    %get3A_237 = vector.load %arg1[%get3A_235, %get3A_236] : memref<256x4096xf32, #tpu.memory_space<vmem>>, vector<256x256xf32>
    %get3A_238 = arith.constant 12 : index
    %get3A_239 = arith.constant 0 : index
    %get3A_240 = arith.constant 0 : index
    %get3A_241 = vector.load %arg2[%get3A_238, %get3A_239, %get3A_240] : memref<16x256x256xf32, #tpu.memory_space<vmem>>, vector<1x256x256xf32>
    %get3A_242 = vector.shape_cast %get3A_241 : vector<1x256x256xf32> to vector<256x256xf32>
    %dot_general3A_243 = arith.constant dense<0.000000e+00> : vector<256x256xf32>
    %dot_general3A_244 = tpu.matmul %get3A_237, %get3A_242, %dot_general3A_243 {dimension_numbers = #tpu.dot_dimension_numbers<[1], [0], [0], [1], [0, 0, 1, 1], [], []>, transpose_lhs_hint = false} : vector<256x256xf32>, vector<256x256xf32>, vector<256x256xf32> -> vector<256x256xf32>
    %get3A_245 = arith.constant 12 : index
    %get3A_246 = arith.constant 0 : index
    %get3A_247 = vector.load %arg3[%get3A_245, %get3A_246] : memref<16x256xf32, #tpu.memory_space<vmem>>, vector<1x256xf32>
    %get3A_248 = vector.shape_cast %get3A_247 : vector<1x256xf32> to vector<256xf32>
    %broadcast_in_dim3A_249 = vector.shape_cast %get3A_248 : vector<256xf32> to vector<1x256xf32>
    %add3A_250 = vector.broadcast %broadcast_in_dim3A_249 : vector<1x256xf32> to vector<256x256xf32>
    %add3A_251 = arith.addf %dot_general3A_244, %add3A_250 : vector<256x256xf32>
    %swap3A_252 = arith.constant 0 : index
    %swap3A_253 = arith.constant 3072 : index
    %swap3A_254 = vector.load %arg4[%swap3A_252, %swap3A_253] : memref<256x4096xf32, #tpu.memory_space<vmem>>, vector<256x256xf32>
    tpu.vector_store %arg4[%swap3A_252, %swap3A_253], %add3A_251 {strides = array<i32>} : memref<256x4096xf32, #tpu.memory_space<vmem>>, vector<256x256xf32>,
    %get3A_255 = arith.constant 0 : index
    %get3A_256 = arith.constant 3328 : index
    %get3A_257 = vector.load %arg1[%get3A_255, %get3A_256] : memref<256x4096xf32, #tpu.memory_space<vmem>>, vector<256x256xf32>
    %get3A_258 = arith.constant 13 : index
    %get3A_259 = arith.constant 0 : index
    %get3A_260 = arith.constant 0 : index
    %get3A_261 = vector.load %arg2[%get3A_258, %get3A_259, %get3A_260] : memref<16x256x256xf32, #tpu.memory_space<vmem>>, vector<1x256x256xf32>
    %get3A_262 = vector.shape_cast %get3A_261 : vector<1x256x256xf32> to vector<256x256xf32>
    %dot_general3A_263 = arith.constant dense<0.000000e+00> : vector<256x256xf32>
    %dot_general3A_264 = tpu.matmul %get3A_257, %get3A_262, %dot_general3A_263 {dimension_numbers = #tpu.dot_dimension_numbers<[1], [0], [0], [1], [0, 0, 1, 1], [], []>, transpose_lhs_hint = false} : vector<256x256xf32>, vector<256x256xf32>, vector<256x256xf32> -> vector<256x256xf32>
    %get3A_265 = arith.constant 13 : index
    %get3A_266 = arith.constant 0 : index
    %get3A_267 = vector.load %arg3[%get3A_265, %get3A_266] : memref<16x256xf32, #tpu.memory_space<vmem>>, vector<1x256xf32>
    %get3A_268 = vector.shape_cast %get3A_267 : vector<1x256xf32> to vector<256xf32>
    %broadcast_in_dim3A_269 = vector.shape_cast %get3A_268 : vector<256xf32> to vector<1x256xf32>
    %add3A_270 = vector.broadcast %broadcast_in_dim3A_269 : vector<1x256xf32> to vector<256x256xf32>
    %add3A_271 = arith.addf %dot_general3A_264, %add3A_270 : vector<256x256xf32>
    %swap3A_272 = arith.constant 0 : index
    %swap3A_273 = arith.constant 3328 : index
    %swap3A_274 = vector.load %arg4[%swap3A_272, %swap3A_273] : memref<256x4096xf32, #tpu.memory_space<vmem>>, vector<256x256xf32>
    tpu.vector_store %arg4[%swap3A_272, %swap3A_273], %add3A_271 {strides = array<i32>} : memref<256x4096xf32, #tpu.memory_space<vmem>>, vector<256x256xf32>,
    %get3A_275 = arith.constant 0 : index
    %get3A_276 = arith.constant 3584 : index
    %get3A_277 = vector.load %arg1[%get3A_275, %get3A_276] : memref<256x4096xf32, #tpu.memory_space<vmem>>, vector<256x256xf32>
    %get3A_278 = arith.constant 14 : index
    %get3A_279 = arith.constant 0 : index
    %get3A_280 = arith.constant 0 : index
    %get3A_281 = vector.load %arg2[%get3A_278, %get3A_279, %get3A_280] : memref<16x256x256xf32, #tpu.memory_space<vmem>>, vector<1x256x256xf32>
    %get3A_282 = vector.shape_cast %get3A_281 : vector<1x256x256xf32> to vector<256x256xf32>
    %dot_general3A_283 = arith.constant dense<0.000000e+00> : vector<256x256xf32>
    %dot_general3A_284 = tpu.matmul %get3A_277, %get3A_282, %dot_general3A_283 {dimension_numbers = #tpu.dot_dimension_numbers<[1], [0], [0], [1], [0, 0, 1, 1], [], []>, transpose_lhs_hint = false} : vector<256x256xf32>, vector<256x256xf32>, vector<256x256xf32> -> vector<256x256xf32>
    %get3A_285 = arith.constant 14 : index
    %get3A_286 = arith.constant 0 : index
    %get3A_287 = vector.load %arg3[%get3A_285, %get3A_286] : memref<16x256xf32, #tpu.memory_space<vmem>>, vector<1x256xf32>
    %get3A_288 = vector.shape_cast %get3A_287 : vector<1x256xf32> to vector<256xf32>
    %broadcast_in_dim3A_289 = vector.shape_cast %get3A_288 : vector<256xf32> to vector<1x256xf32>
    %add3A_290 = vector.broadcast %broadcast_in_dim3A_289 : vector<1x256xf32> to vector<256x256xf32>
    %add3A_291 = arith.addf %dot_general3A_284, %add3A_290 : vector<256x256xf32>
    %swap3A_292 = arith.constant 0 : index
    %swap3A_293 = arith.constant 3584 : index
    %swap3A_294 = vector.load %arg4[%swap3A_292, %swap3A_293] : memref<256x4096xf32, #tpu.memory_space<vmem>>, vector<256x256xf32>
    tpu.vector_store %arg4[%swap3A_292, %swap3A_293], %add3A_291 {strides = array<i32>} : memref<256x4096xf32, #tpu.memory_space<vmem>>, vector<256x256xf32>,
    %get3A_295 = arith.constant 0 : index
    %get3A_296 = arith.constant 3840 : index
    %get3A_297 = vector.load %arg1[%get3A_295, %get3A_296] : memref<256x4096xf32, #tpu.memory_space<vmem>>, vector<256x256xf32>
    %get3A_298 = arith.constant 15 : index
    %get3A_299 = arith.constant 0 : index
    %get3A_300 = arith.constant 0 : index
    %get3A_301 = vector.load %arg2[%get3A_298, %get3A_299, %get3A_300] : memref<16x256x256xf32, #tpu.memory_space<vmem>>, vector<1x256x256xf32>
    %get3A_302 = vector.shape_cast %get3A_301 : vector<1x256x256xf32> to vector<256x256xf32>
    %dot_general3A_303 = arith.constant dense<0.000000e+00> : vector<256x256xf32>
    %dot_general3A_304 = tpu.matmul %get3A_297, %get3A_302, %dot_general3A_303 {dimension_numbers = #tpu.dot_dimension_numbers<[1], [0], [0], [1], [0, 0, 1, 1], [], []>, transpose_lhs_hint = false} : vector<256x256xf32>, vector<256x256xf32>, vector<256x256xf32> -> vector<256x256xf32>
    %get3A_305 = arith.constant 15 : index
    %get3A_306 = arith.constant 0 : index
    %get3A_307 = vector.load %arg3[%get3A_305, %get3A_306] : memref<16x256xf32, #tpu.memory_space<vmem>>, vector<1x256xf32>
    %get3A_308 = vector.shape_cast %get3A_307 : vector<1x256xf32> to vector<256xf32>
    %broadcast_in_dim3A_309 = vector.shape_cast %get3A_308 : vector<256xf32> to vector<1x256xf32>
    %add3A_310 = vector.broadcast %broadcast_in_dim3A_309 : vector<1x256xf32> to vector<256x256xf32>
    %add3A_311 = arith.addf %dot_general3A_304, %add3A_310 : vector<256x256xf32>
    %swap3A_312 = arith.constant 0 : index
    %swap3A_313 = arith.constant 3840 : index
    %swap3A_314 = vector.load %arg4[%swap3A_312, %swap3A_313] : memref<256x4096xf32, #tpu.memory_space<vmem>>, vector<256x256xf32>
    tpu.vector_store %arg4[%swap3A_312, %swap3A_313], %add3A_311 {strides = array<i32>} : memref<256x4096xf32, #tpu.memory_space<vmem>>, vector<256x256xf32>,
    return
  }
  func.func @transform_0(%arg0: i32) -> (i32, i32) {
    %c0_i32 = arith.constant 0 : i32
    %c0_i32_0 = arith.constant 0 : i32
    return %arg0, %c0_i32 : i32, i32
  }
  func.func @transform_1(%arg0: i32) -> (i32, i32, i32) {
    %c0_i32 = arith.constant 0 : i32
    %c0_i32_0 = arith.constant 0 : i32
    %c0_i32_1 = arith.constant 0 : i32
    %c0_i32_2 = arith.constant 0 : i32
    return %c0_i32, %c0_i32_0, %c0_i32_1 : i32, i32, i32
  }
  func.func @transform_2(%arg0: i32) -> (i32, i32) {
    %c0_i32 = arith.constant 0 : i32
    %c0_i32_0 = arith.constant 0 : i32
    %c0_i32_1 = arith.constant 0 : i32
    return %c0_i32, %c0_i32_0 : i32, i32
  }
  func.func @transform_3(%arg0: i32) -> (i32, i32) {
    %c0_i32 = arith.constant 0 : i32
    %c0_i32_0 = arith.constant 0 : i32
    return %arg0, %c0_i32 : i32, i32
  }
}

</mosaic_0001>

<sc_bundles>
// kernel: kernel.5.cloned.1.call-start
scs
__scs_entry_jumppad:
0x0: {  	(pc) =	sbr.rel $0x88, $3  }
0x1: {  	(tag) =	ssettag $0x0;
	lr =	simm.s32 $0x1  }
0x2: {  	[smem:$0x3F20] =	sst lr;
	_ =	strace $0xD0000000  }
0x3: {  	_ = 	snop  }
0x4: {  	_ = 	snop  }
0x5: {  	_ = 	snop  }
0x6: {  	_ = 	snop  }
0x7: {  	_ = 	snop  }
__scs_overlays_trampoline_lowered:
0x8: {  	[smem:$0x3F2F] =	sst s0  }
0x9: {  	[smem:$0x3F30] =	sst s1  }
0xa: {  	[smem:$0x3F31] =	sst s2  }
0xb: {  	[smem:$0x3F32] =	sst s3  }
0xc: {  	[smem:$0x3F33] =	sst s4  }
0xd: {  	[smem:$0x3F34] =	sst s5  }
0xe: {  	[smem:$0x3F35] =	sst s6  }
0xf: {  	[smem:$0x3F36] =	sst s7  }
0x10: {  	[smem:$0x3F37] =	sst s8  }
0x11: {  	[smem:$0x3F38] =	sst s9;
	s0 =	simm.s32 @!p0 $0x0  }
0x12: {  	s1 =	sld [smem:$0x3F1E];
	s0 =	simm.s32 @p0 $0x1  }
0x13: {  	[smem:$0x3F39] =	sst s0;
	s0 =	simm.s32 @!p1 $0x0  }
0x14: {  	s2 =	sld [smem:$0x3F1D];
	s0 =	simm.s32 @p1 $0x1  }
0x15: {  	[smem:$0x3F3A] =	sst s0;
	s0 =	simm.s32 @!p2 $0x0  }
0x16: {  	s3 =	sld [smem:$0x3FDB];
	s0 =	simm.s32 @p2 $0x1  }
0x17: {  	s4 =	simm.s32 $0x1BF5;
	[smem:$0x3F3C] =	sst s0  }
0x18: {  	s0 =	sld [smem:$0x3F1F];
	_ =	swait.ge [sflag:s4], $0x0  }
0x19: {  	s7 =	sld [smem:$0x3F20]  }
0x1a: {  	s8 =	sadd.s32 $0xFFFFE003, lr  }
0x1b: {  	s9 =	sadd.s32 $0xFFFFFEF7, lr;
	s5 =	simm.s32 $0xFFFFFFFF;
	p2 =	slt.u32 s8, $0xFFFFF086  }
0x1c: {  	p1 =	slt.u32 s9, $0xF7A;
	s5 =	simm.s32 @!p2 $0x0  }
0x1d: {  	s5 =	simm.s32 @p1 $0x1;
	p0 =	seq.s32 s7, s2  }
0x1e: {  	s7 =	smul.u32 @!p0 $0xF7A, s2;
	p2 =	seq.s32 @!p0 s5, $0x0  }
0x1f: {  	s9 =	smul.u32 $0xF7A, s1;
	s8 =	simm.s32 @!p0 $0x1BF5;
	p2 =	por !p2, p0  }
0x20: {  	[sflag:s8] =	ssyncset.s32 @!p0 $0xFFFFF086;
	s6 =	sadd.s32 @!p0 s3, s7;
	s7 =	simm.s32 @!p0 $0x108  }
0x21: {  	s3 =	sadd.s32 s3, s9;
	s6 =	sadd.s32 @!p0 $0x88, s6;
	s7 =	simm.s32 @p2 $0x1082  }
0x22: {  	[simem:s7], [sflag:s8] =	dma.local @!p0 [hbm:s6], $0xF7A  }
0x23: {  	s9 =	sor.u32 $0xD0000000, s2;
	s6 =	simm.s32 $0x108;
	_ =	swait.ge @!p0 [sflag:s8], $0x0  }
0x24: {  	s3 =	sadd.s32 $0x88, s3;
	s6 =	simm.s32 @!p1 $0x1082;
	[sflag:s4] =	ssyncset.s32 $0xFFFFF086  }
0x25: {  	[simem:s6], [sflag:s4] =	dma.local [hbm:s3], $0xF7A  }
0x26: {  	[smem:$0x3F20] =	sst s1;
	(tag) =	ssettag s2;
	_ =	strace s9  }
0x27: {  	s1 =	sld [smem:$0x3F30]  }
0x28: {  	s2 =	sld [smem:$0x3F31]  }
0x29: {  	s4 =	sld [smem:$0x3F33]  }
0x2a: {  	p0 =	seq.s32 s5, $0x0;
	s5 =	sld [smem:$0x3F34]  }
0x2b: {  	s6 =	sld [smem:$0x3F35]  }
0x2c: {  	s7 =	sld [smem:$0x3F36]  }
0x2d: {  	s3 =	simm.s32 $0x108;
	s8 =	sld [smem:$0x3F37]  }
0x2e: {  	s3 =	simm.s32 @!p0 $0x1082;
	s9 =	sld [smem:$0x3F38]  }
0x2f: {  	lr =	sadd.s32 s0, s3;
	s0 =	sld [smem:$0x3F2F]  }
0x30: {  	s3 =	sld [smem:$0x3F32]  }
0x31: {  	[smem:$0x3F3B] =	sst s10  }
0x32: {  	s10 =	sld [smem:$0x3F39];
	_ =	sdelay $0x3  }
0x33: {  	p0 =	seq.s32 s10, $0x1;
	s10 =	sld [smem:$0x3F3B];
	_ =	sdelay $0x3  }
0x34: {  	[smem:$0x3F3B] =	sst s10  }
0x35: {  	s10 =	sld [smem:$0x3F3A];
	_ =	sdelay $0x3  }
0x36: {  	p1 =	seq.s32 s10, $0x1;
	s10 =	sld [smem:$0x3F3B];
	_ =	sdelay $0x3  }
0x37: {  	[smem:$0x3F3B] =	sst s10  }
0x38: {  	s10 =	sld [smem:$0x3F3C]  }
0x39: {  	_ = 	snop;
	(pc) =	sbr.ind lr, $3  }
0x3a: {  	_ = 	snop  }
0x3b: {  	_ = 	snop  }
0x3c: {  	p2 =	seq.s32 s10, $0x1;
	s10 =	sld [smem:$0x3F3B]  }
0x3d: {  	_ =	shalt  }
0x3e: {  	_ =	shalt  }
0x3f: {  	_ =	shalt  }
0x40: {  	_ =	shalt  }
0x41: {  	_ =	shalt  }
0x42: {  	_ =	shalt  }
0x43: {  	_ =	shalt  }
0x44: {  	_ =	shalt  }
0x45: {  	_ =	shalt  }
0x46: {  	_ =	shalt  }
0x47: {  	_ =	shalt  }
0x48: {  	_ =	shalt  }
0x49: {  	_ =	shalt  }
0x4a: {  	_ =	shalt  }
0x4b: {  	_ =	shalt  }
0x4c: {  	_ =	shalt  }
0x4d: {  	_ =	shalt  }
0x4e: {  	_ =	shalt  }
0x4f: {  	_ =	shalt  }
0x50: {  	_ =	shalt  }
0x51: {  	_ =	shalt  }
0x52: {  	_ =	shalt  }
0x53: {  	_ =	shalt  }
0x54: {  	_ =	shalt  }
0x55: {  	_ =	shalt  }
0x56: {  	_ =	shalt  }
0x57: {  	_ =	shalt  }
0x58: {  	_ =	shalt  }
0x59: {  	_ =	shalt  }
0x5a: {  	_ =	shalt  }
0x5b: {  	_ =	shalt  }
0x5c: {  	_ =	shalt  }
0x5d: {  	_ =	shalt  }
0x5e: {  	_ =	shalt  }
0x5f: {  	_ =	shalt  }
0x60: {  	_ =	shalt  }
0x61: {  	_ =	shalt  }
0x62: {  	_ =	shalt  }
0x63: {  	_ =	shalt  }
0x64: {  	_ =	shalt  }
0x65: {  	_ =	shalt  }
0x66: {  	_ =	shalt  }
0x67: {  	_ =	shalt  }
0x68: {  	_ =	shalt  }
0x69: {  	_ =	shalt  }
0x6a: {  	_ =	shalt  }
0x6b: {  	_ =	shalt  }
0x6c: {  	_ =	shalt  }
0x6d: {  	_ =	shalt  }
0x6e: {  	_ =	shalt  }
0x6f: {  	_ =	shalt  }
0x70: {  	_ =	shalt  }
0x71: {  	_ =	shalt  }
0x72: {  	_ =	shalt  }
0x73: {  	_ =	shalt  }
0x74: {  	_ =	shalt  }
0x75: {  	_ =	shalt  }
0x76: {  	_ =	shalt  }
0x77: {  	_ =	shalt  }
0x78: {  	_ =	shalt  }
0x79: {  	_ =	shalt  }
0x7a: {  	_ =	shalt  }
0x7b: {  	_ =	shalt  }
0x7c: {  	_ =	shalt  }
0x7d: {  	_ =	shalt  }
0x7e: {  	_ =	shalt  }
0x7f: {  	_ =	shalt  }
0x80: {  	_ =	shalt  }
0x81: {  	_ =	shalt  }
0x82: {  	_ =	shalt  }
0x83: {  	_ =	shalt  }
0x84: {  	_ =	shalt  }
0x85: {  	_ =	shalt  }
0x86: {  	_ =	shalt  }
0x87: {  	_ =	shalt  }
.Lfunc_end0:
.L_simem_size_0:
called_computation_lowered:
.L_overlay_start_0:
0x88: {  	s2 =	sld [smem:$0x3FD9]  }
0x89: {  	s3 =	sld [smem:$0x3FFE];
	_ =	sdelay $0x1  }
0x8a: {  	s1 =	srdreg.scid  }
0x8b: {  	s0 =	sand.u32 $0x1, s1  }
0x8c: {  	s17 =	sshll.u32 s0, $0xA;
	s2 =	sadd.s32 s3, s2  }
0x8d: {  	s2 =	sadd.s32 s2, s17  }
0x8e: {  	[smem:$0x3F47] =	sst s2  }
0x8f: {  	_ = 	snop  }
0x90: {  	s2 =	sld [smem:$0x3FD0];
	(tm) =	ssettm $0x1  }
0x91: {  	s18 =	sld [smem:$0x3FFB];
	_ =	sdelay $0x3  }
0x92: {  	_ =	strace s18  }
0x93: {  	s3 =	sld [smem:$0x3FFC];
	_ =	sdelay $0x3  }
0x94: {  	_ =	strace s3  }
0x95: {  	s3 =	sld [smem:$0x3FFD];
	_ =	sdelay $0x3  }
0x96: {  	_ =	strace s3  }
0x97: {  	_ =	strace $0x8FFFFFFF  }
0x98: {  	s19 =	sld [smem:$0x3FDB];
	_ =	sdelay $0x1  }
0x99: {  	s4 =	simm.s32 $_scs_section_size  }
0x9a: {  	s5 =	simm.s32 $_size__tile_overlayer_lowered;
	s6 =	simm.s32 $_tile_overlayer_lowered  }
0x9b: {  	s22 =	simm.s32 $0x1BFF;
	s21 =	sshll.u32 s6, $0x1;
	s3 =	sadd.s32 s4, s19  }
0x9c: {  	s7 =	simm.s32 $0x0;
	s20 =	sshll.u32 s5, $0x1;
	s5 =	sadd.s32 s21, s3  }
0x9d: {  	[timem:s7], [sflag:s22] =	dma.local [hbm:s5], s20  }
0x9e: {  	_ =	swait.ge [sflag:s22], s20  }
0x9f: {  	s4 =	ssub.s32 $0x0, s20;
	[sflag:s22] =	ssyncset.done $0x0  }
0xa0: {  	[sflag:s22] =	ssyncadd.s32 s4;
	_ =	sdelay $0x1  }
0xa1: {  	s23 =	simm.s32 $0x1B8B  }
0xa2: {  	_ =	swait.ge [sflag:s23], $0x1  }
0xa3: {  	[sflag:s23] =	ssyncset.done $0x0  }
0xa4: {  	s25 =	simm.s32 $0x1B8E;
	s24 =	sld [smem:$0x3FFE];
	[sflag:s23] =	ssyncadd.s32 $0xFFFFFFFF  }
0xa5: {  	s26 =	simm.s32 $execute0_lowered;
	[smem:$0x3FD2] =	sst s25  }
0xa6: {  	s5 =	sshll.u32 s26, $0x1;
	_ =	strace $0x80000046;
	[dreg:$0x1] =	wrdreg $0xFFFFFFFF  }
0xa7: {  	s28 =	simm.s32 $_size_execute0_lowered;
	s3 =	sadd.s32 s3, s5;
	[dreg:$0x0] =	wrdreg $0x0  }
0xa8: {  	s5 =	sshll.u32 s28, $0x1;
	[dreg:$0x2] =	wrdreg s3  }
0xa9: {  	[dreg:$0x3] =	wrdreg s5  }
0xaa: {  	[dreg:$0x4] =	wrdreg $0xC0  }
0xab: {  	_ =	task [dreg:s7], $0x5FFFF  }
0xac: {  	[dreg:$0x1] =	wrdreg $0xFFFFFFFF  }
0xad: {  	[dreg:$0x0] =	wrdreg $0x60  }
0xae: {  	[dreg:$0x2] =	wrdreg s24  }
0xaf: {  	[dreg:$0x3] =	wrdreg s2  }
0xb0: {  	[dreg:$0x4] =	wrdreg $0x9  }
0xb1: {  	_ =	task.clear_ibuf [dreg:s7], $0x5FFFF;
	_ =	strace $0x90000046  }
0xb2: {  	s29 =	simm.s32 $0x9;
	_ =	strace $0x80000048  }
0xb3: {  	_ =	swait.ge [sflag:s29], $0x1  }
0xb4: {  	[sflag:s29] =	ssyncadd.s32 $0xFFFFFFFF  }
0xb5: {  	_ =	strace $0x90000048  }
0xb6: {  	_ =	sfence  }
0xb7: {  	s30 =	sld [smem:$0x0];
	_ =	sdelay $0x2  }
0xb8: {  	s31 =	sshll.u32 s1, $0xD;
	s1 =	sshrl.u32 s1, $0x2  }
0xb9: {  	s3 =	sand.u32 $0x4000, s31;
	s1 =	sadd.s32 s1, s30  }
0xba: {  	s0 =	sor.u32 s3, s0;
	s1 =	sshll.u32 s1, $0x11  }
0xbb: {  	s0 =	sor.u32 s1, s0  }
0xbc: {  	s0 =	sadd.s32 $0x8F2B, s0  }
0xbd: {  	[sflag:s0] =	ssyncadd.remote.s32 $0x1  }
0xbe: {  	_ =	sfence.sel $0xFFFF  }
0xbf: {  	[dreg:$0x0] =	wrdreg $0xFFFFFFFF;
	(pc) =	sbr.abs _section_cstart, $3  }
0xc0: {  	[dreg:$0x1] =	wrdreg $0xFFFFFFFF  }
0xc1: {  	_ =	task.clear_ibuf [dreg:s7], $0x2FFFF;
	_ =	strace $0x9FFFFFFF  }
0xc2: {  	(tm) =	ssettm $0x7FFFFFFF  }
0xc3: {  	_ =	shalt  }
tec
execute0_lowered:
.L_overlay_start_1:
0x0: {  	(tag) =	ssettag $0x1  }
0x1: {  	s0 =	rddreg [dreg:$0x0]  }
0x2: {  	s3 =	simm.s32 $0x0;
	s1 =	srdreg.scid;
	s4 =	stileid.u32  }
0x3: {  	s28 =	simm.s32 $0x9000;
	[smem:$0x7FF] =	sst s3;
	s1 =	sand.u32 $0x1, s1  }
0x4: {  	s5 =	sshll.u32 s4, $0x8;
	s18 =	sadd.s32 $0x10600, s0;
	s9 =	sadd.s32 $0x410800, s0  }
0x5: {  	s19 =	sadd.s32 $0x10A00, s0;
	s2 =	ssub.s32 $0x2, s1;
	s1 =	sshll.u32 s1, $0x7  }
0x6: {  	_ =	strace $0x80000047;
	[dreg:$0x7] =	wrdreg s18;
	s1 =	sor.u32 s1, s5  }
0x7: {  	s10 =	sadd.s32 $0x10E00, s0;
	[dreg:$0x3] =	wrdreg s9;
	s26 =	sshrl.u32 s1, $0x3  }
0x8: {  	s6 =	sshrl.u32 s2, $0x1;
	s29 =	sor.u32 $0x8, s1;
	[dreg:$0xd] =	wrdreg s26  }
0x9: {  	s5 =	sshll.u32 s1, $0xA;
	s30 =	sor.u32 $0xC, s1;
	[dreg:$0xe] =	wrdreg s29  }
0xa: {  	s2 =	ssub.s32 s2, s6;
	s6 =	sadd.s32 s5, s19;
	[dreg:$0x10] =	wrdreg s30  }
0xb: {  	s0 =	sadd.s32 $0x11200, s0;
	s20 =	sadd.s32 s5, s10;
	[dreg:$0x5] =	wrdreg s6  }
0xc: {  	s7 =	smov.u32 s0;
	s0 =	sadd.s32 s5, s0;
	[dreg:$0x6] =	wrdreg s20  }
0xd: {  	s8 =	smov.u32 s19;
	s4 =	sadd.s32 s18, s5;
	[dreg:$0x8] =	wrdreg s0  }
0xe: {  	s11 =	smov.u32 s10;
	s31 =	smax.u32 s2, $0x1;
	[dreg:$0x4] =	wrdreg s4  }
0xf: {  	s25 =	sshll.u32 s1, $0x9;
	s21 =	sadd.s32 $0x1000, s4;
	[dreg:$0x11] =	wrdreg s31  }
.Ltmp0:
0x10: {  	s22 =	sadd.s32 $0x1400, s4;
	[dreg:$0x9] =	wrdreg s21;
	(pc) =	sbr.rel .LBB2_1-.Ltmp0, $4  }
0x11: {  	s23 =	sadd.s32 $0x1800, s4;
	s24 =	sadd.s32 $0x1C00, s4;
	[dreg:$0xa] =	wrdreg s22  }
0x12: {  	s0 =	sadd.s32 s25, s9;
	s25 =	simm.s32 $0x2;
	[dreg:$0xb] =	wrdreg s23  }
0x13: {  	s4 =	simm.s32 $0x0;
	[dreg:$0xc] =	wrdreg s24;
	s0 =	sadd.s32 $0x40, s0  }
0x14: {  	s23 =	simm.s32 $0x1000;
	[dreg:$0xf] =	wrdreg s0;
	s0 =	simm.s32 $0x1  }
.LBB2_8:
0x15: {  	s1 =	simm.s32 $0x3  }
0x16: {  	_ =	swait.ge [sflag:s1], $0x4000  }
0x17: {  	[sflag:s1] =	ssyncset.done $0x0  }
0x18: {  	s2 =	simm.s32 $0x4;
	[sflag:s1] =	ssyncadd.s32 $0xFFFFC000  }
0x19: {  	_ =	swait.ge [sflag:s2], $0x4000  }
0x1a: {  	s4 =	rddreg [dreg:$0x12]  }
0x1b: {  	s31 =	rddreg [dreg:$0x11];
	s4 =	sadd.s32 $0x1, s4  }
0x1c: {  	p0 =	sne.s32 s4, s31  }
.Ltmp1:
0x1d: {  	_ = 	snop;
	(pc) =	sbr.rel @!p0 .LBB2_9-.Ltmp1, $3  }
0x1e: {  	_ =	sdelay $0x1  }
0x1f: {  	[sflag:s2] =	ssyncset.done $0x0  }
0x20: {  	[sflag:s2] =	ssyncadd.s32 $0xFFFFC000  }
.LBB2_1:
0x21: {  	[dreg:$0x12] =	wrdreg s4  }
0x22: {  	s1 =	rddreg [dreg:$0x1];
	s14 =	simm.s32 $0x5  }
0x23: {  	[tilespmem:s3], [sflag:$0x5] =	stream.linear.gather [hbm4b:s1+s3], $0x1000, $0x38;
	[tilespmem:$0x19000] =	vst v63  }
0x24: {  	_ =	swait.ge [sflag:s14], $0x1000  }
0x25: {  	[sflag:s14] =	ssyncset.done $0x0  }
0x26: {  	s15 =	rddreg [dreg:$0x4];
	[sflag:s14] =	ssyncadd.s32 $0xFFFFF000  }
0x27: {  	[tilespmem:s23], [sflag:$0x1] =	stream.linear.gather [hbm4b:s15+s3], $0x2000, $0x38;
	[tilespmem:$0x19000] =	vst v63  }
0x28: {  	s2 =	simm.s32 $0x3000;
	s16 =	rddreg [dreg:$0x5]  }
0x29: {  	[tilespmem:s2], [sflag:$0x1] =	stream.linear.gather [hbm4b:s16+s3], $0x2000, $0x38;
	[tilespmem:$0x19000] =	vst v63  }
0x2a: {  	s18 =	simm.s32 $0x5000;
	s17 =	rddreg [dreg:$0x6]  }
0x2b: {  	[tilespmem:s18], [sflag:$0x1] =	stream.linear.gather [hbm4b:s17+s3], $0x2000, $0x38;
	[tilespmem:$0x19000] =	vst v63  }
0x2c: {  	s20 =	simm.s32 $0x7000;
	s19 =	rddreg [dreg:$0x8]  }
0x2d: {  	[tilespmem:s20], [sflag:$0x1] =	stream.linear.gather [hbm4b:s19+s3], $0x2000, $0x38;
	[tilespmem:$0x19000] =	vst v63  }
0x2e: {  	s21 =	rddreg [dreg:$0x9]  }
0x2f: {  	[tilespmem:s28], [sflag:$0x2] =	stream.linear.gather [hbm4b:s21+s3], $0x2000, $0x38;
	[tilespmem:$0x19000] =	vst v63  }
0x30: {  	s24 =	simm.s32 $0xB000;
	s22 =	rddreg [dreg:$0xa]  }
0x31: {  	[tilespmem:s24], [sflag:$0x2] =	stream.linear.gather [hbm4b:s22+s3], $0x2000, $0x38;
	[tilespmem:$0x19000] =	vst v63  }
0x32: {  	s29 =	simm.s32 $0xD000;
	s26 =	rddreg [dreg:$0xb]  }
0x33: {  	[tilespmem:s29], [sflag:$0x2] =	stream.linear.gather [hbm4b:s26+s3], $0x2000, $0x38;
	[tilespmem:$0x19000] =	vst v63  }
0x34: {  	s31 =	simm.s32 $0xF000;
	s13 =	simm.s32 $0x0;
	s30 =	rddreg [dreg:$0xc]  }
0x35: {  	[tilespmem:s31], [sflag:$0x2] =	stream.linear.gather [hbm4b:s30+s3], $0x2000, $0x38;
	[tilespmem:$0x19000] =	vst v63  }
.LBB2_2:
0x36: {  	_ =	swait.ge [sflag:s0], $0x2000  }
0x37: {  	[sflag:s0] =	ssyncset.done $0x0  }
0x38: {  	[sflag:s0] =	ssyncadd.s32 $0xFFFFE000  }
0x39: {  	_ =	swait.ge [sflag:s0], $0x2000  }
0x3a: {  	[sflag:s0] =	ssyncset.done $0x0  }
0x3b: {  	[sflag:s0] =	ssyncadd.s32 $0xFFFFE000  }
0x3c: {  	_ =	swait.ge [sflag:s0], $0x2000  }
0x3d: {  	[sflag:s0] =	ssyncset.done $0x0  }
0x3e: {  	[sflag:s0] =	ssyncadd.s32 $0xFFFFE000  }
0x3f: {  	_ =	swait.ge [sflag:s0], $0x2000  }
0x40: {  	p0 =	seq.s32 s13, $0x0;
	[sflag:s0] =	ssyncset.done $0x0  }
0x41: {  	s6 =	simm.s32 $0x0;
	s2 =	simm.s32 @!p0 $0x3;
	[sflag:s0] =	ssyncadd.s32 $0xFFFFE000  }
0x42: {  	s5 =	sand.u32 $0x40, s6;
	_ =	swait.ge @!p0 [sflag:s2], $0x4000  }
0x43: {  	s9 =	sand.u32 $0xF80, s6;
	s12 =	sor.u32 $0x30, s5;
	[sflag:s2] =	ssyncset.done @!p0 $0x0  }
0x44: {  	s1 =	sor.u32 s12, s9;
	[sflag:s2] =	ssyncadd.s32 @!p0 $0xFFFFC000  }
0x45: {  	s4 =	sor.u32 $0x10, s5;
	v0 =	vld [tilespmem:s1+$0x0]  }
0x46: {  	s16 =	sor.u32 $0x20, s5;
	s10 =	sor.u32 s4, s9  }
0x47: {  	s9 =	sor.u32 s16, s9;
	v1 =	vld [tilespmem:s10+$0x0]  }
0x48: {  	v2 =	vld [tilespmem:s9+$0x0];
	_ =	sdelay $0x1  }
0x49: {  	v3 =	vshll.u32 v0, $0x1  }
0x4a: {  	v0 =	vand.u32 $0x3F, v0;
	v3 =	vand.u32 $0xFFFFFF80, v3  }
0x4b: {  	v0 =	vor.u32 v0, v3;
	v3 =	vshll.u32 v1, $0x1  }
0x4c: {  	v4 =	vshll.u32 v2, $0x1;
	v1 =	vand.u32 $0x3F, v1;
	v3 =	vand.u32 $0xFFFFFF80, v3  }
0x4d: {  	v2 =	vand.u32 $0x3F, v2;
	v1 =	vor.u32 v1, v3;
	v3 =	vand.u32 $0xFFFFFF80, v4  }
0x4e: {  	v2 =	vor.u32 v2, v3;
	_ =	sdelay $0x1  }
0x4f: {  	s19 =	simm.s32 $0x0;
	s14 =	simm.s32 $0x40;
	v3 =	vld.idx.msk [tilespmem:v0+s23+$0x0], $0xffff  }
0x50: {  	v6 =	vld [tilespmem:s19+$0x0];
	s10 =	sand.u32 $0x40, s14;
	v4 =	vadd.s32 $0x2000, v0  }
0x51: {  	s6 =	sand.u32 $0x3E00, s6;
	s17 =	sand.u32 $0xF80, s14;
	s21 =	sor.u32 $0x30, s10;
	v5 =	vld.idx.msk [tilespmem:v1+s23+$0x0], $0xffff  }
0x52: {  	s15 =	sadd.s32 $0x11000, s6;
	s14 =	sor.u32 s21, s17;
	v7 =	vld.idx.msk [tilespmem:v2+s23+$0x0], $0xffff  }
0x53: {  	s20 =	sor.u32 s12, s15;
	v9 =	vld [tilespmem:s14+$0x0];
	v8 =	vadd.s32 $0x2000, v2  }
0x54: {  	s12 =	sor.u32 $0x10, s10;
	[tilespmem:s20+$0x0] =	vst v3  }
0x55: {  	s2 =	sor.u32 s4, s15;
	s18 =	sor.u32 s12, s17;
	s14 =	sor.u32 $0x20, s10;
	v11 =	vshll.u32 v6, $0x1;
	v3 =	vadd.s32 $0x2000, v1;
	v4 =	vld.idx.msk [tilespmem:v4+s23+$0x0], $0xffff  }
0x56: {  	s16 =	sor.u32 s16, s15;
	v10 =	vld [tilespmem:s18+$0x0];
	s17 =	sor.u32 s14, s17;
	v6 =	vand.u32 $0x3F, v6;
	v11 =	vand.u32 $0xFFFFFF80, v11;
	v12 =	vadd.s32 $0x4000, v0;
	[tilespmem:s2+$0x0] =	vst v5  }
0x57: {  	v13 =	vld [tilespmem:s17+$0x0];
	v5 =	vor.u32 v6, v11;
	[tilespmem:s16+$0x0] =	vst v7  }
0x58: {  	v11 =	vshll.u32 v9, $0x1;
	v8 =	vld.idx.msk [tilespmem:v8+s23+$0x0], $0xffff  }
0x59: {  	v9 =	vand.u32 $0x3F, v9;
	v7 =	vadd.s32 $0x4000, v2;
	v11 =	vand.u32 $0xFFFFFF80, v11  }
0x5a: {  	p1 =	por $0x0, $0x0;
	s9 =	simm.s32 $0x1;
	v9 =	vor.u32 v9, v11;
	v3 =	vld.idx.msk [tilespmem:v3+s23+$0x0], $0xffff;
	[tilespmem:s20+$0x80] =	vst v4  }
0x5b: {  	s9 =	simm.s32 @!p1 $0x0;
	v6 =	vadd.s32 $0x4000, v1;
	v12 =	vld.idx.msk [tilespmem:v12+s23+$0x0], $0xffff  }
0x5c: {  	s9 =	sshll.u32 s9, $0x6;
	v0 =	vadd.s32 $0x6000, v0;
	v4 =	vshll.u32 v10, $0x1;
	v14 =	vld.idx.msk [tilespmem:v5+s23+$0x0], $0xffff  }
0x5d: {  	s9 =	sadd.s32 $0x0, s9;
	v11 =	vshll.u32 v13, $0x1;
	v10 =	vand.u32 $0x3F, v10;
	v4 =	vand.u32 $0xFFFFFF80, v4;
	[tilespmem:s16+$0x80] =	vst v8  }
0x5e: {  	s17 =	sadd.s32 $0x30, s9;
	v11 =	vand.u32 $0xFFFFFF80, v11;
	v4 =	vor.u32 v10, v4;
	v10 =	vand.u32 $0x3F, v13;
	v7 =	vld.idx.msk [tilespmem:v7+s23+$0x0], $0xffff  }
0x5f: {  	s22 =	sor.u32 $0x100, s17;
	[tilespmem:s2+$0x80] =	vst v3;
	v3 =	vor.u32 v10, v11;
	v10 =	vld.idx.msk [tilespmem:v9+s23+$0x0], $0xffff  }
0x60: {  	s26 =	simm.s32 $0x40;
	s5 =	sor.u32 s5, s15;
	s1 =	simm.s32 $0x80;
	v8 =	vadd.s32 $0x2000, v5;
	v6 =	vld.idx.msk [tilespmem:v6+s23+$0x0], $0xffff;
	[tilespmem:s22+$0x11000] =	vst v12  }
0x61: {  	s15 =	sand.u32 $0x40, s1;
	[tilespmem:s5+$0x0] =	vst v14;
	v14 =	vld [tilespmem:s26+$0x0]  }
0x62: {  	s24 =	simm.s32 $0x100;
	s4 =	sand.u32 $0xF80, s1;
	s16 =	sor.u32 $0x30, s15;
	v11 =	vld.idx.msk [tilespmem:v0+s23+$0x0], $0xffff  }
0x63: {  	s2 =	sand.u32 $0x3E00, s24;
	s26 =	sor.u32 s16, s4;
	v0 =	vadd.s32 $0x2000, v9;
	v12 =	vld.idx.msk [tilespmem:v4+s23+$0x0], $0xffff  }
0x64: {  	v1 =	vadd.s32 $0x6000, v1;
	s20 =	sadd.s32 $0x11000, s2;
	v16 =	vld [tilespmem:s26+$0x0]  }
0x65: {  	s19 =	sadd.s32 $0x10, s9;
	s2 =	sor.u32 s21, s20;
	s21 =	sor.u32 $0x10, s15;
	v8 =	vld.idx.msk [tilespmem:v8+s23+$0x0], $0xffff  }
0x66: {  	s22 =	sor.u32 $0x100, s19;
	s24 =	sor.u32 s21, s4;
	v13 =	vld.idx.msk [tilespmem:v3+s23+$0x0], $0xffff;
	[tilespmem:s2+$0x0] =	vst v10;
	v10 =	vadd.s32 $0x2000, v4  }
0x67: {  	v15 =	vadd.s32 $0x2000, v3;
	[tilespmem:s22+$0x11000] =	vst v6;
	v6 =	vld [tilespmem:s24+$0x0]  }
0x68: {  	s6 =	sor.u32 $0x20, s15;
	v17 =	vadd.s32 $0x4000, v5;
	v0 =	vld.idx.msk [tilespmem:v0+s23+$0x0], $0xffff  }
0x69: {  	s18 =	sor.u32 s6, s4;
	v19 =	vadd.s32 $0x4000, v9;
	s12 =	sor.u32 s12, s20;
	v18 =	vld.idx.msk [tilespmem:v1+s23+$0x0], $0xffff;
	v1 =	vshll.u32 v14, $0x1  }
0x6a: {  	v20 =	vld [tilespmem:s18+$0x0];
	v2 =	vadd.s32 $0x6000, v2;
	s1 =	sor.u32 s14, s20;
	v14 =	vand.u32 $0x3F, v14;
	v1 =	vand.u32 $0xFFFFFF80, v1;
	[tilespmem:s12+$0x0] =	vst v12  }
0x6b: {  	v12 =	vor.u32 v14, v1;
	v1 =	vld.idx.msk [tilespmem:v10+s23+$0x0], $0xffff;
	[tilespmem:s1+$0x0] =	vst v13  }
0x6c: {  	s4 =	sadd.s32 $0x20, s9;
	v14 =	vadd.s32 $0x4000, v3;
	[tilespmem:s5+$0x80] =	vst v8;
	v8 =	vshll.u32 v16, $0x1;
	v10 =	vadd.s32 $0x4000, v4;
	v15 =	vld.idx.msk [tilespmem:v15+s23+$0x0], $0xffff  }
0x6d: {  	p1 =	por !p1, !p1;
	s14 =	sor.u32 $0x100, s4;
	v21 =	vld.idx.msk [tilespmem:v17+s23+$0x0], $0xffff;
	v13 =	vand.u32 $0x3F, v16;
	v8 =	vand.u32 $0xFFFFFF80, v8;
	[tilespmem:s2+$0x80] =	vst v0;
	v0 =	vshll.u32 v6, $0x1;
	s2 =	simm.s32 $0x1  }
0x6e: {  	[tilespmem:s14+$0x11000] =	vst v7;
	s24 =	sor.u32 $0x180, s17;
	v7 =	vld.idx.msk [tilespmem:v19+s23+$0x0], $0xffff;
	v16 =	vand.u32 $0xFFFFFF80, v0;
	v0 =	vor.u32 v13, v8;
	s2 =	simm.s32 @!p1 $0x0  }
0x6f: {  	s30 =	simm.s32 $0x8;
	[tilespmem:s24+$0x11000] =	vst v11;
	v8 =	vshll.u32 v20, $0x1;
	v19 =	vld.idx.msk [tilespmem:v2+s23+$0x0], $0xffff;
	v2 =	vand.u32 $0x3F, v6;
	v6 =	vadd.s32 $0x6000, v9;
	s2 =	sshll.u32 s2, $0x6  }
0x70: {  	s29 =	simm.s32 $0x200;
	s26 =	sor.u32 $0x180, s19;
	v22 =	vld.idx.msk [tilespmem:v12+s23+$0x0], $0xffff;
	v8 =	vand.u32 $0xFFFFFF80, v8;
	v23 =	vor.u32 v2, v16;
	v2 =	vand.u32 $0x3F, v20;
	[tilespmem:s12+$0x80] =	vst v1;
	s2 =	sadd.s32 $0x100, s2  }
0x71: {  	s19 =	sor.u32 $0x180, s4;
	s14 =	sshll.u32 s13, $0x3;
	v20 =	vor.u32 v2, v8;
	v13 =	vld.idx.msk [tilespmem:v10+s23+$0x0], $0xffff;
	[tilespmem:s1+$0x80] =	vst v15;
	s5 =	sadd.s32 $0x30, s2  }
0x72: {  	s24 =	sor.u32 $0x100, s9;
	s9 =	sor.u32 $0x180, s9;
	v3 =	vadd.s32 $0x6000, v3;
	[tilespmem:s26+$0x11000] =	vst v18;
	v14 =	vld.idx.msk [tilespmem:v14+s23+$0x0], $0xffff;
	s4 =	sor.u32 $0x100, s5  }
0x73: {  	v4 =	vadd.s32 $0x6000, v4;
	v9 =	vadd.s32 $0x2000, v12;
	v1 =	vadd.s32 $0x6000, v5;
	s12 =	sor.u32 s10, s20;
	s1 =	sadd.s32 $0x10, s2;
	s26 =	sadd.s32 $0x20, s2;
	v17 =	vld.idx.msk [tilespmem:v0+s23+$0x0], $0xffff;
	[tilespmem:s4+$0x11000] =	vst v7  }
0x74: {  	v5 =	vadd.s32 $0x4000, v12;
	[tilespmem:s24+$0x11000] =	vst v21;
	v2 =	vadd.s32 $0x6000, v12;
	v10 =	vadd.s32 $0x2000, v23;
	s10 =	sor.u32 $0x100, s2;
	s31 =	sor.u32 $0x180, s2;
	s2 =	simm.s32 $0x80;
	v16 =	vld.idx.msk [tilespmem:v6+s23+$0x0], $0xffff  }
0x75: {  	v11 =	vadd.s32 $0x6000, v23;
	v12 =	vadd.s32 $0x2000, v20;
	s17 =	sor.u32 $0x100, s1;
	s18 =	sor.u32 $0x100, s26;
	s24 =	sor.u32 $0x180, s1;
	[tilespmem:s19+$0x11000] =	vst v19;
	v19 =	vadd.s32 $0x2000, v0;
	v15 =	vld.idx.msk [tilespmem:v23+s23+$0x0], $0xffff  }
0x76: {  	v8 =	vadd.s32 $0x6000, v20;
	s22 =	sor.u32 $0x180, s26;
	s26 =	simm.s32 $0xC0;
	v7 =	vadd.s32 $0x4000, v20;
	[tilespmem:s12+$0x0] =	vst v22;
	s19 =	sand.u32 $0x3E00, s29;
	v6 =	vadd.s32 $0x4000, v23;
	v18 =	vld.idx.msk [tilespmem:v20+s23+$0x0], $0xffff  }
.LBB2_3:
0x77: {  	s1 =	sand.u32 $0xF80, s26;
	v20 =	vld [tilespmem:s2+$0x0];
	s2 =	sadd.s32 $0x11000, s19;
	[tilespmem:s17+$0x11000] =	vst v13;
	s20 =	smov.u32 s9  }
0x78: {  	s9 =	sand.u32 $0x40, s26;
	s30 =	sadd.s32 $0x4, s30;
	s17 =	sor.u32 s16, s2;
	v13 =	vld.idx.msk [tilespmem:v9+s23+$0x0], $0xffff;
	[tilespmem:s18+$0x11000] =	vst v14  }
0x79: {  	s5 =	sor.u32 $0x180, s5;
	s16 =	sor.u32 $0x30, s9;
	p2 =	slt.u32 s30, $0xFC;
	[tilespmem:s17+$0x0] =	vst v17;
	v14 =	vld.idx.msk [tilespmem:v4+s23+$0x0], $0xffff;
	v4 =	vmov v11  }
0x7a: {  	s18 =	sor.u32 $0x10, s9;
	s19 =	sor.u32 $0x20, s9;
	s4 =	sor.u32 s16, s1;
	v11 =	vld.idx.msk [tilespmem:v19+s23+$0x0], $0xffff;
	[tilespmem:s5+$0x11000] =	vst v16  }
0x7b: {  	s5 =	sor.u32 s18, s1;
	s1 =	sor.u32 s19, s1;
	v16 =	vld [tilespmem:s4+$0x0];
	s4 =	sor.u32 s15, s2  }
0x7c: {  	s15 =	smov.u32 s9;
	v17 =	vld [tilespmem:s5+$0x0];
	v9 =	vand.u32 $0x3F, v20;
	v19 =	vshll.u32 v20, $0x1;
	s5 =	sor.u32 s21, s2;
	s2 =	sor.u32 s6, s2;
	v20 =	vadd.s32 $0x4000, v0  }
0x7d: {  	s9 =	smov.u32 s31;
	s21 =	smov.u32 s18;
	s6 =	smov.u32 s19;
	v21 =	vld [tilespmem:s1+$0x0];
	v19 =	vand.u32 $0xFFFFFF80, v19;
	[tilespmem:s5+$0x0] =	vst v15  }
0x7e: {  	v15 =	vor.u32 v9, v19;
	v10 =	vld.idx.msk [tilespmem:v10+s23+$0x0], $0xffff;
	[tilespmem:s2+$0x0] =	vst v18  }
0x7f: {  	v9 =	vadd.s32 $0x2000, v15;
	v18 =	vadd.s32 $0x4000, v15;
	v19 =	vadd.s32 $0x6000, v15;
	v12 =	vld.idx.msk [tilespmem:v12+s23+$0x0], $0xffff;
	[tilespmem:s12+$0x80] =	vst v13;
	s12 =	smov.u32 s4  }
0x80: {  	p1 =	por !p1, !p1;
	s1 =	simm.s32 $0x1;
	v13 =	vshll.u32 v16, $0x1;
	[tilespmem:s17+$0x80] =	vst v11;
	v22 =	vld.idx.msk [tilespmem:v5+s23+$0x0], $0xffff;
	v5 =	vmov v18  }
0x81: {  	s1 =	simm.s32 @!p1 $0x0;
	v16 =	vand.u32 $0x3F, v16;
	v11 =	vshll.u32 v17, $0x1;
	v13 =	vand.u32 $0xFFFFFF80, v13;
	v18 =	vld.idx.msk [tilespmem:v20+s23+$0x0], $0xffff;
	[tilespmem:s24+$0x11000] =	vst v14  }
0x82: {  	s1 =	sshll.u32 s1, $0x6;
	v11 =	vand.u32 $0xFFFFFF80, v11;
	v14 =	vshll.u32 v21, $0x1;
	v16 =	vor.u32 v16, v13;
	v20 =	vld.idx.msk [tilespmem:v3+s23+$0x0], $0xffff;
	v3 =	vmovc v8  }
0x83: {  	s1 =	sadd.s32 s1, s29;
	v8 =	vand.u32 $0x3F, v17;
	v13 =	vand.u32 $0xFFFFFF80, v14;
	v23 =	vld.idx.msk [tilespmem:v15+s23+$0x0], $0xffff;
	v15 =	vadd.s32 $0x6000, v0;
	v0 =	vmovc v16  }
0x84: {  	s4 =	sadd.s32 $0x10, s1;
	v24 =	vor.u32 v8, v11;
	v8 =	vand.u32 $0x3F, v21;
	[tilespmem:s5+$0x80] =	vst v10;
	v21 =	vld.idx.msk [tilespmem:v1+s23+$0x0], $0xffff;
	v1 =	vmovc v2;
	v2 =	vmov v19  }
0x85: {  	s17 =	sor.u32 $0x100, s4;
	v10 =	vadd.s32 $0x2000, v24;
	v25 =	vor.u32 v8, v13;
	s5 =	sadd.s32 $0x30, s1;
	v13 =	vld.idx.msk [tilespmem:v6+s23+$0x0], $0xffff;
	v6 =	vadd.s32 $0x4000, v24;
	[tilespmem:s2+$0x80] =	vst v12;
	s2 =	sadd.s32 $0x20, s1  }
.Ltmp2:
0x86: {  	v11 =	vadd.s32 $0x6000, v24;
	v12 =	vadd.s32 $0x2000, v25;
	s19 =	sor.u32 $0x100, s5;
	v14 =	vld.idx.msk [tilespmem:v7+s23+$0x0], $0xffff;
	v7 =	vadd.s32 $0x4000, v25;
	s18 =	sor.u32 $0x100, s2;
	[tilespmem:s10+$0x11000] =	vst v22;
	(pc) =	sbr.rel @p2 .LBB2_3-.Ltmp2, $4  }
0x87: {  	s24 =	sor.u32 $0x180, s4;
	v8 =	vadd.s32 $0x6000, v25;
	s10 =	sor.u32 $0x100, s1;
	s2 =	sor.u32 $0x180, s2;
	v17 =	vld.idx.msk [tilespmem:v16+s23+$0x0], $0xffff;
	[tilespmem:s19+$0x11000] =	vst v18  }
0x88: {  	s31 =	sor.u32 $0x180, s1;
	v16 =	vld.idx.msk [tilespmem:v15+s23+$0x0], $0xffff;
	[tilespmem:s22+$0x11000] =	vst v20;
	s22 =	smov.u32 s2  }
0x89: {  	s29 =	sadd.s32 $0x100, s29;
	v19 =	vadd.s32 $0x2000, v0;
	v15 =	vld.idx.msk [tilespmem:v24+s23+$0x0], $0xffff;
	[tilespmem:s12+$0x0] =	vst v23  }
0x8a: {  	s26 =	sadd.s32 $0x40, s26;
	s19 =	sand.u32 $0x3E00, s29;
	s2 =	sshra.s32 s29, $0x2;
	v18 =	vld.idx.msk [tilespmem:v25+s23+$0x0], $0xffff;
	[tilespmem:s20+$0x11000] =	vst v21  }
0x8b: {  	v20 =	vld [tilespmem:s2+$0x0];
	_ =	sdelay $0x4  }
0x8c: {  	v21 =	vshll.u32 v20, $0x1  }
0x8d: {  	v20 =	vand.u32 $0x3F, v20;
	v21 =	vand.u32 $0xFFFFFF80, v21  }
0x8e: {  	v20 =	vor.u32 v20, v21;
	_ =	sdelay $0x3  }
0x8f: {  	s1 =	sadd.s32 $0x11000, s19;
	[tilespmem:s17+$0x11000] =	vst v13;
	v9 =	vld.idx.msk [tilespmem:v9+s23+$0x0], $0xffff  }
0x90: {  	[tilespmem:s18+$0x11000] =	vst v14;
	s6 =	sor.u32 s6, s1;
	v13 =	vld.idx.msk [tilespmem:v20+s23+$0x0], $0xffff  }
0x91: {  	s4 =	sor.u32 s21, s1;
	v4 =	vld.idx.msk [tilespmem:v4+s23+$0x0], $0xffff;
	[tilespmem:s6+$0x0] =	vst v18;
	v14 =	vadd.s32 $0x2000, v20  }
0x92: {  	s26 =	sor.u32 s16, s1;
	[tilespmem:s4+$0x0] =	vst v15;
	v12 =	vld.idx.msk [tilespmem:v12+s23+$0x0], $0xffff  }
0x93: {  	[tilespmem:s26+$0x0] =	vst v17;
	v10 =	vld.idx.msk [tilespmem:v10+s23+$0x0], $0xffff  }
0x94: {  	s1 =	sor.u32 s15, s1;
	v17 =	vld.idx.msk [tilespmem:v19+s23+$0x0], $0xffff;
	[tilespmem:s12+$0x80] =	vst v9  }
0x95: {  	v3 =	vld.idx.msk [tilespmem:v3+s23+$0x0], $0xffff;
	v15 =	vadd.s32 $0x4000, v0;
	[tilespmem:s1+$0x0] =	vst v13  }
0x96: {  	[tilespmem:s24+$0x11000] =	vst v4;
	v9 =	vld.idx.msk [tilespmem:v14+s23+$0x0], $0xffff  }
0x97: {  	p1 =	por !p1, !p1;
	s2 =	simm.s32 $0x1;
	v5 =	vld.idx.msk [tilespmem:v5+s23+$0x0], $0xffff;
	[tilespmem:s6+$0x80] =	vst v12;
	v13 =	vadd.s32 $0x4000, v20  }
0x98: {  	s2 =	simm.s32 @!p1 $0x0;
	[tilespmem:s4+$0x80] =	vst v10;
	v4 =	vld.idx.msk [tilespmem:v7+s23+$0x0], $0xffff  }
0x99: {  	s2 =	sshll.u32 s2, $0x6;
	[tilespmem:s26+$0x80] =	vst v17;
	v6 =	vld.idx.msk [tilespmem:v6+s23+$0x0], $0xffff  }
0x9a: {  	s2 =	sadd.s32 s2, s29;
	[tilespmem:s22+$0x11000] =	vst v3;
	v14 =	vld.idx.msk [tilespmem:v15+s23+$0x0], $0xffff  }
0x9b: {  	v0 =	vadd.s32 $0x6000, v0;
	s17 =	sadd.s32 $0x20, s2;
	[tilespmem:s1+$0x80] =	vst v9  }
0x9c: {  	s15 =	sadd.s32 $0x10, s2;
	s19 =	sor.u32 $0x100, s17;
	[tilespmem:s10+$0x11000] =	vst v5;
	v5 =	vld.idx.msk [tilespmem:v13+s23+$0x0], $0xffff  }
0x9d: {  	v1 =	vld.idx.msk [tilespmem:v1+s23+$0x0], $0xffff;
	s12 =	sadd.s32 $0x30, s2;
	s18 =	sor.u32 $0x100, s15;
	v7 =	vadd.s32 $0x6000, v20;
	[tilespmem:s19+$0x11000] =	vst v4  }
0x9e: {  	s16 =	sor.u32 $0x100, s12;
	[tilespmem:s18+$0x11000] =	vst v6;
	v3 =	vld.idx.msk [tilespmem:v8+s23+$0x0], $0xffff  }
0x9f: {  	s5 =	sor.u32 $0x180, s5;
	v4 =	vld.idx.msk [tilespmem:v11+s23+$0x0], $0xffff;
	[tilespmem:s16+$0x11000] =	vst v14  }
0xa0: {  	[tilespmem:s5+$0x11000] =	vst v16;
	s20 =	sor.u32 $0x100, s2;
	v0 =	vld.idx.msk [tilespmem:v0+s23+$0x0], $0xffff  }
0xa1: {  	v2 =	vld.idx.msk [tilespmem:v2+s23+$0x0], $0xffff;
	[tilespmem:s20+$0x11000] =	vst v5  }
0xa2: {  	[tilespmem:s9+$0x11000] =	vst v1;
	s21 =	sor.u32 $0x180, s17;
	v1 =	vld.idx.msk [tilespmem:v7+s23+$0x0], $0xffff  }
0xa3: {  	[tilespmem:s21+$0x11000] =	vst v3;
	s1 =	sor.u32 $0x180, s15  }
0xa4: {  	s4 =	sor.u32 $0x180, s12;
	[tilespmem:s1+$0x11000] =	vst v4  }
0xa5: {  	[tilespmem:s4+$0x11000] =	vst v0  }
0xa6: {  	s2 =	sor.u32 $0x180, s2;
	s1 =	rddreg [dreg:$0xd];
	[tilespmem:s31+$0x11000] =	vst v2  }
0xa7: {  	s1 =	sadd.s32 s1, s13;
	[tilespmem:s2+$0x11000] =	vst v1  }
0xa8: {  	s22 =	simm.s32 $0x200;
	s1 =	sshll.u32 s1, $0xC;
	s2 =	rddreg [dreg:$0x3]  }
0xa9: {  	s24 =	simm.s32 $0x400;
	s26 =	simm.s32 $0x11000;
	s1 =	sadd.s32 s2, s1  }
0xaa: {  	[hbm4b:s1+s22] =	stream.strided.scatter [tilespmem:s26], [sflag:$0x3], $0x4000, s24, s22, $0x38;
	[tilespmem:$0x19000] =	vst v63  }
0xab: {  	p1 =	seq.s32 s13, $0xF;
	s1 =	rddreg [dreg:$0xe]  }
0xac: {  	s1 =	sadd.s32 @!p1 s14, s1  }
0xad: {  	s2 =	rddreg [dreg:$0x7];
	s1 =	sshll.u32 @!p1 s1, $0xA  }
0xae: {  	s5 =	simm.s32 @!p1 $0x1000;
	s4 =	simm.s32 @!p1 $0x0;
	s2 =	sadd.s32 @!p1 s2, s1  }
0xaf: {  	[tilespmem:s5], [sflag:$0x1] =	stream.linear.gather @!p1 [hbm4b:s2+s4], $0x2000, $0x38;
	[tilespmem:$0x19000] =	vst v63  }
0xb0: {  	s2 =	sadd.s32 @!p1 s1, s8;
	s5 =	simm.s32 @!p1 $0x3000  }
0xb1: {  	[tilespmem:s5], [sflag:$0x1] =	stream.linear.gather @!p1 [hbm4b:s2+s4], $0x2000, $0x38;
	[tilespmem:$0x19000] =	vst v63  }
0xb2: {  	s2 =	sadd.s32 @!p1 s1, s11;
	s5 =	simm.s32 @!p1 $0x5000  }
0xb3: {  	[tilespmem:s5], [sflag:$0x1] =	stream.linear.gather @!p1 [hbm4b:s2+s4], $0x2000, $0x38;
	[tilespmem:$0x19000] =	vst v63  }
0xb4: {  	s1 =	sadd.s32 @!p1 s1, s7;
	s2 =	simm.s32 @!p1 $0x7000  }
0xb5: {  	[tilespmem:s2], [sflag:$0x1] =	stream.linear.gather @!p1 [hbm4b:s1+s4], $0x2000, $0x38;
	[tilespmem:$0x19000] =	vst v63  }
0xb6: {  	_ =	swait.ge [sflag:s25], $0x2000  }
0xb7: {  	[sflag:s25] =	ssyncset.done $0x0  }
0xb8: {  	[sflag:s25] =	ssyncadd.s32 $0xFFFFE000  }
0xb9: {  	_ =	swait.ge [sflag:s25], $0x2000  }
0xba: {  	[sflag:s25] =	ssyncset.done $0x0  }
0xbb: {  	[sflag:s25] =	ssyncadd.s32 $0xFFFFE000  }
0xbc: {  	_ =	swait.ge [sflag:s25], $0x2000  }
0xbd: {  	[sflag:s25] =	ssyncset.done $0x0  }
0xbe: {  	[sflag:s25] =	ssyncadd.s32 $0xFFFFE000  }
0xbf: {  	_ =	swait.ge [sflag:s25], $0x2000  }
0xc0: {  	[sflag:s25] =	ssyncset.done $0x0  }
0xc1: {  	s6 =	simm.s32 $0x0;
	s1 =	simm.s32 @!p0 $0x4;
	[sflag:s25] =	ssyncadd.s32 $0xFFFFE000  }
0xc2: {  	s5 =	sand.u32 $0x40, s6;
	_ =	swait.ge @!p0 [sflag:s1], $0x4000  }
0xc3: {  	s10 =	sand.u32 $0xF80, s6;
	s12 =	sor.u32 $0x30, s5;
	[sflag:s1] =	ssyncset.done @!p0 $0x0  }
0xc4: {  	s15 =	sor.u32 s12, s10;
	[sflag:s1] =	ssyncadd.s32 @!p0 $0xFFFFC000  }
0xc5: {  	s16 =	sor.u32 $0x10, s5;
	v0 =	vld [tilespmem:s15+$0x0]  }
0xc6: {  	s18 =	sor.u32 $0x20, s5;
	s17 =	sor.u32 s16, s10  }
0xc7: {  	s4 =	sor.u32 s18, s10;
	v1 =	vld [tilespmem:s17+$0x0]  }
0xc8: {  	v2 =	vld [tilespmem:s4+$0x0];
	_ =	sdelay $0x1  }
0xc9: {  	v3 =	vshll.u32 v0, $0x1  }
0xca: {  	v0 =	vand.u32 $0x3F, v0;
	v3 =	vand.u32 $0xFFFFFF80, v3  }
0xcb: {  	v0 =	vor.u32 v0, v3;
	v3 =	vshll.u32 v1, $0x1  }
0xcc: {  	v4 =	vshll.u32 v2, $0x1;
	v1 =	vand.u32 $0x3F, v1;
	v3 =	vand.u32 $0xFFFFFF80, v3  }
0xcd: {  	v2 =	vand.u32 $0x3F, v2;
	v1 =	vor.u32 v1, v3;
	v3 =	vand.u32 $0xFFFFFF80, v4  }
0xce: {  	s20 =	simm.s32 $0x40;
	v2 =	vor.u32 v2, v3  }
0xcf: {  	s10 =	sand.u32 $0x40, s20  }
0xd0: {  	s19 =	simm.s32 $0x0;
	s22 =	sand.u32 $0xF80, s20;
	s24 =	sor.u32 $0x30, s10;
	v3 =	vld.idx.msk [tilespmem:v0+s28+$0x0], $0xffff  }
0xd1: {  	s9 =	sor.u32 s24, s22;
	v6 =	vld [tilespmem:s19+$0x0];
	v4 =	vadd.s32 $0x2000, v0  }
0xd2: {  	s2 =	sand.u32 $0x3E00, s6;
	v9 =	vld [tilespmem:s9+$0x0]  }
0xd3: {  	s21 =	sadd.s32 $0x15000, s2;
	v7 =	vld.idx.msk [tilespmem:v2+s28+$0x0], $0xffff  }
0xd4: {  	s2 =	sor.u32 s12, s21;
	v8 =	vadd.s32 $0x2000, v2;
	v5 =	vld.idx.msk [tilespmem:v1+s28+$0x0], $0xffff  }
0xd5: {  	s12 =	sor.u32 $0x10, s10;
	[tilespmem:s2+$0x0] =	vst v3  }
0xd6: {  	s20 =	sor.u32 $0x20, s10;
	s26 =	sor.u32 s12, s22;
	v3 =	vadd.s32 $0x2000, v1;
	v4 =	vld.idx.msk [tilespmem:v4+s28+$0x0], $0xffff  }
0xd7: {  	s1 =	sor.u32 s16, s21;
	s16 =	sor.u32 s18, s21;
	v10 =	vld [tilespmem:s26+$0x0];
	s4 =	sor.u32 s20, s22;
	v11 =	vshll.u32 v6, $0x1;
	v12 =	vadd.s32 $0x4000, v0  }
0xd8: {  	v13 =	vld [tilespmem:s4+$0x0];
	v6 =	vand.u32 $0x3F, v6;
	v11 =	vand.u32 $0xFFFFFF80, v11;
	[tilespmem:s16+$0x0] =	vst v7  }
0xd9: {  	[tilespmem:s1+$0x0] =	vst v5;
	v5 =	vor.u32 v6, v11;
	v11 =	vshll.u32 v9, $0x1;
	v8 =	vld.idx.msk [tilespmem:v8+s28+$0x0], $0xffff  }
0xda: {  	v9 =	vand.u32 $0x3F, v9;
	v7 =	vadd.s32 $0x4000, v2;
	v11 =	vand.u32 $0xFFFFFF80, v11  }
0xdb: {  	p0 =	por $0x0, $0x0;
	v9 =	vor.u32 v9, v11;
	v3 =	vld.idx.msk [tilespmem:v3+s28+$0x0], $0xffff;
	[tilespmem:s2+$0x80] =	vst v4;
	s2 =	simm.s32 $0x1  }
0xdc: {  	v6 =	vadd.s32 $0x4000, v1;
	v4 =	vshll.u32 v10, $0x1;
	v12 =	vld.idx.msk [tilespmem:v12+s28+$0x0], $0xffff;
	s2 =	simm.s32 @!p0 $0x0  }
0xdd: {  	v0 =	vadd.s32 $0x6000, v0;
	v10 =	vand.u32 $0x3F, v10;
	v4 =	vand.u32 $0xFFFFFF80, v4;
	s2 =	sshll.u32 s2, $0x6  }
0xde: {  	v11 =	vshll.u32 v13, $0x1;
	v14 =	vld.idx.msk [tilespmem:v5+s28+$0x0], $0xffff;
	v4 =	vor.u32 v10, v4;
	s9 =	sadd.s32 $0x0, s2;
	[tilespmem:s16+$0x80] =	vst v8  }
0xdf: {  	v11 =	vand.u32 $0xFFFFFF80, v11;
	v10 =	vand.u32 $0x3F, v13;
	s17 =	sadd.s32 $0x30, s9;
	v7 =	vld.idx.msk [tilespmem:v7+s28+$0x0], $0xffff  }
0xe0: {  	v8 =	vadd.s32 $0x2000, v5;
	[tilespmem:s1+$0x80] =	vst v3;
	v3 =	vor.u32 v10, v11;
	v10 =	vld.idx.msk [tilespmem:v9+s28+$0x0], $0xffff;
	s2 =	sor.u32 $0x100, s17  }
0xe1: {  	v6 =	vld.idx.msk [tilespmem:v6+s28+$0x0], $0xffff;
	[tilespmem:s2+$0x15000] =	vst v12  }
0xe2: {  	s18 =	simm.s32 $0x80;
	s4 =	simm.s32 $0x100;
	v11 =	vld.idx.msk [tilespmem:v0+s28+$0x0], $0xffff  }
0xe3: {  	s16 =	simm.s32 $0x40;
	s1 =	sand.u32 $0x3E00, s4;
	s2 =	sor.u32 s5, s21;
	v12 =	vld.idx.msk [tilespmem:v4+s28+$0x0], $0xffff  }
0xe4: {  	s15 =	sand.u32 $0x40, s18;
	s22 =	sadd.s32 $0x15000, s1;
	v0 =	vadd.s32 $0x2000, v9;
	[tilespmem:s2+$0x0] =	vst v14;
	v14 =	vld [tilespmem:s16+$0x0]  }
0xe5: {  	v1 =	vadd.s32 $0x6000, v1;
	s4 =	sand.u32 $0xF80, s18;
	s1 =	sor.u32 s24, s22;
	s16 =	sor.u32 $0x30, s15;
	v8 =	vld.idx.msk [tilespmem:v8+s28+$0x0], $0xffff  }
0xe6: {  	s5 =	sadd.s32 $0x10, s9;
	s21 =	sor.u32 $0x10, s15;
	s19 =	sor.u32 s16, s4;
	v13 =	vld.idx.msk [tilespmem:v3+s28+$0x0], $0xffff  }
0xe7: {  	s24 =	sor.u32 $0x100, s5;
	s26 =	sor.u32 s21, s4;
	[tilespmem:s1+$0x0] =	vst v10;
	v10 =	vadd.s32 $0x2000, v4;
	v16 =	vld [tilespmem:s19+$0x0]  }
0xe8: {  	v15 =	vadd.s32 $0x2000, v3;
	[tilespmem:s24+$0x15000] =	vst v6;
	v6 =	vld [tilespmem:s26+$0x0]  }
0xe9: {  	s6 =	sor.u32 $0x20, s15;
	v17 =	vadd.s32 $0x4000, v5;
	v0 =	vld.idx.msk [tilespmem:v0+s28+$0x0], $0xffff  }
0xea: {  	v19 =	vadd.s32 $0x4000, v9;
	s12 =	sor.u32 s12, s22;
	s4 =	sor.u32 s6, s4;
	v18 =	vld.idx.msk [tilespmem:v1+s28+$0x0], $0xffff;
	v1 =	vshll.u32 v14, $0x1  }
0xeb: {  	v2 =	vadd.s32 $0x6000, v2;
	s20 =	sor.u32 s20, s22;
	v20 =	vld [tilespmem:s4+$0x0];
	v14 =	vand.u32 $0x3F, v14;
	[tilespmem:s12+$0x0] =	vst v12;
	v1 =	vand.u32 $0xFFFFFF80, v1  }
0xec: {  	v12 =	vor.u32 v14, v1;
	v1 =	vld.idx.msk [tilespmem:v10+s28+$0x0], $0xffff;
	[tilespmem:s20+$0x0] =	vst v13  }
0xed: {  	s24 =	sadd.s32 $0x20, s9;
	[tilespmem:s2+$0x80] =	vst v8;
	v10 =	vadd.s32 $0x4000, v4;
	v14 =	vadd.s32 $0x4000, v3;
	v8 =	vshll.u32 v16, $0x1;
	v15 =	vld.idx.msk [tilespmem:v15+s28+$0x0], $0xffff  }
0xee: {  	p0 =	por !p0, !p0;
	s26 =	sor.u32 $0x100, s24;
	v63 =	vld.idx.msk [tilespmem:v17+s28+$0x0], $0xffff;
	v13 =	vand.u32 $0x3F, v16;
	v8 =	vand.u32 $0xFFFFFF80, v8;
	[tilespmem:s1+$0x80] =	vst v0;
	v0 =	vshll.u32 v6, $0x1;
	s1 =	simm.s32 $0x1  }
0xef: {  	s19 =	sor.u32 $0x180, s5;
	[tilespmem:s26+$0x15000] =	vst v7;
	v7 =	vld.idx.msk [tilespmem:v19+s28+$0x0], $0xffff;
	v16 =	vand.u32 $0xFFFFFF80, v0;
	v0 =	vor.u32 v13, v8;
	s1 =	simm.s32 @!p0 $0x0  }
0xf0: {  	[tilespmem:s19+$0x15000] =	vst v18;
	v8 =	vshll.u32 v20, $0x1;
	v19 =	vld.idx.msk [tilespmem:v2+s28+$0x0], $0xffff;
	v2 =	vand.u32 $0x3F, v6;
	v6 =	vadd.s32 $0x6000, v9;
	s1 =	sshll.u32 s1, $0x6  }
0xf1: {  	s30 =	simm.s32 $0x8;
	s29 =	simm.s32 $0x200;
	v8 =	vand.u32 $0xFFFFFF80, v8;
	v22 =	vld.idx.msk [tilespmem:v12+s28+$0x0], $0xffff;
	v23 =	vor.u32 v2, v16;
	v2 =	vand.u32 $0x3F, v20;
	[tilespmem:s12+$0x80] =	vst v1;
	s1 =	sadd.s32 $0x100, s1  }
0xf2: {  	s17 =	sor.u32 $0x180, s17;
	s2 =	sor.u32 $0x100, s9;
	v20 =	vor.u32 v2, v8;
	v13 =	vld.idx.msk [tilespmem:v10+s28+$0x0], $0xffff;
	[tilespmem:s20+$0x80] =	vst v15;
	s5 =	sadd.s32 $0x30, s1  }
0xf3: {  	s4 =	sor.u32 $0x180, s24;
	s9 =	sor.u32 $0x180, s9;
	v4 =	vadd.s32 $0x6000, v4;
	[tilespmem:s2+$0x15000] =	vst v63;
	v14 =	vld.idx.msk [tilespmem:v14+s28+$0x0], $0xffff;
	s24 =	sor.u32 $0x100, s5  }
0xf4: {  	v3 =	vadd.s32 $0x6000, v3;
	s19 =	sand.u32 $0x3E00, s29;
	v9 =	vadd.s32 $0x2000, v12;
	v1 =	vadd.s32 $0x6000, v5;
	s12 =	sor.u32 s10, s22;
	s2 =	simm.s32 $0x80;
	v17 =	vld.idx.msk [tilespmem:v0+s28+$0x0], $0xffff;
	[tilespmem:s24+$0x15000] =	vst v7  }
0xf5: {  	[tilespmem:s17+$0x15000] =	vst v11;
	v5 =	vadd.s32 $0x4000, v12;
	v2 =	vadd.s32 $0x6000, v12;
	v10 =	vadd.s32 $0x2000, v23;
	s20 =	sadd.s32 $0x10, s1;
	s26 =	sadd.s32 $0x20, s1;
	s10 =	sor.u32 $0x100, s1;
	v16 =	vld.idx.msk [tilespmem:v6+s28+$0x0], $0xffff  }
0xf6: {  	v11 =	vadd.s32 $0x6000, v23;
	v12 =	vadd.s32 $0x2000, v20;
	s31 =	sor.u32 $0x180, s1;
	s17 =	sor.u32 $0x100, s20;
	s18 =	sor.u32 $0x100, s26;
	[tilespmem:s4+$0x15000] =	vst v19;
	v19 =	vadd.s32 $0x2000, v0;
	v15 =	vld.idx.msk [tilespmem:v23+s28+$0x0], $0xffff  }
0xf7: {  	v8 =	vadd.s32 $0x6000, v20;
	s22 =	sor.u32 $0x180, s26;
	s26 =	simm.s32 $0xC0;
	s24 =	sor.u32 $0x180, s20;
	v7 =	vadd.s32 $0x4000, v20;
	v6 =	vadd.s32 $0x4000, v23;
	[tilespmem:s12+$0x0] =	vst v22;
	v18 =	vld.idx.msk [tilespmem:v20+s28+$0x0], $0xffff  }
.LBB2_5:
0xf8: {  	s1 =	sand.u32 $0xF80, s26;
	v20 =	vld [tilespmem:s2+$0x0];
	s2 =	sadd.s32 $0x15000, s19;
	[tilespmem:s17+$0x15000] =	vst v13;
	s20 =	smov.u32 s9  }
0xf9: {  	s4 =	sand.u32 $0x40, s26;
	s30 =	sadd.s32 $0x4, s30;
	s17 =	sor.u32 s16, s2;
	v13 =	vld.idx.msk [tilespmem:v9+s28+$0x0], $0xffff;
	[tilespmem:s18+$0x15000] =	vst v14  }
0xfa: {  	s5 =	sor.u32 $0x180, s5;
	s16 =	sor.u32 $0x30, s4;
	p2 =	slt.u32 s30, $0xFC;
	[tilespmem:s17+$0x0] =	vst v17;
	v14 =	vld.idx.msk [tilespmem:v4+s28+$0x0], $0xffff;
	v4 =	vmov v11  }
0xfb: {  	s9 =	sor.u32 $0x10, s4;
	s18 =	sor.u32 $0x20, s4;
	s19 =	sor.u32 s16, s1;
	v11 =	vld.idx.msk [tilespmem:v19+s28+$0x0], $0xffff;
	[tilespmem:s5+$0x15000] =	vst v16  }
0xfc: {  	s5 =	sor.u32 s9, s1;
	s1 =	sor.u32 s18, s1;
	v16 =	vld [tilespmem:s19+$0x0];
	s19 =	sor.u32 s15, s2  }
0xfd: {  	s15 =	smov.u32 s4;
	v17 =	vld [tilespmem:s5+$0x0];
	v9 =	vand.u32 $0x3F, v20;
	v19 =	vshll.u32 v20, $0x1;
	s5 =	sor.u32 s21, s2;
	s2 =	sor.u32 s6, s2;
	v20 =	vadd.s32 $0x4000, v0  }
0xfe: {  	s21 =	smov.u32 s9;
	s6 =	smov.u32 s18;
	s9 =	smov.u32 s31;
	v21 =	vld [tilespmem:s1+$0x0];
	v19 =	vand.u32 $0xFFFFFF80, v19;
	[tilespmem:s5+$0x0] =	vst v15  }
0xff: {  	v15 =	vor.u32 v9, v19;
	v10 =	vld.idx.msk [tilespmem:v10+s28+$0x0], $0xffff;
	[tilespmem:s2+$0x0] =	vst v18  }
0x100: {  	v9 =	vadd.s32 $0x2000, v15;
	v18 =	vadd.s32 $0x4000, v15;
	v19 =	vadd.s32 $0x6000, v15;
	v12 =	vld.idx.msk [tilespmem:v12+s28+$0x0], $0xffff;
	[tilespmem:s12+$0x80] =	vst v13;
	s12 =	smov.u32 s19  }
0x101: {  	p0 =	por !p0, !p0;
	s1 =	simm.s32 $0x1;
	v13 =	vshll.u32 v16, $0x1;
	[tilespmem:s17+$0x80] =	vst v11;
	v22 =	vld.idx.msk [tilespmem:v5+s28+$0x0], $0xffff;
	v5 =	vmov v18  }
0x102: {  	s1 =	simm.s32 @!p0 $0x0;
	v16 =	vand.u32 $0x3F, v16;
	v11 =	vshll.u32 v17, $0x1;
	v13 =	vand.u32 $0xFFFFFF80, v13;
	v18 =	vld.idx.msk [tilespmem:v20+s28+$0x0], $0xffff;
	[tilespmem:s24+$0x15000] =	vst v14  }
0x103: {  	s1 =	sshll.u32 s1, $0x6;
	v11 =	vand.u32 $0xFFFFFF80, v11;
	v14 =	vshll.u32 v21, $0x1;
	v16 =	vor.u32 v16, v13;
	v20 =	vld.idx.msk [tilespmem:v3+s28+$0x0], $0xffff;
	v3 =	vmovc v8  }
0x104: {  	s1 =	sadd.s32 s1, s29;
	v8 =	vand.u32 $0x3F, v17;
	v13 =	vand.u32 $0xFFFFFF80, v14;
	v23 =	vld.idx.msk [tilespmem:v15+s28+$0x0], $0xffff;
	v15 =	vadd.s32 $0x6000, v0;
	v0 =	vmovc v16  }
0x105: {  	s4 =	sadd.s32 $0x10, s1;
	v24 =	vor.u32 v8, v11;
	v8 =	vand.u32 $0x3F, v21;
	[tilespmem:s5+$0x80] =	vst v10;
	v21 =	vld.idx.msk [tilespmem:v1+s28+$0x0], $0xffff;
	v1 =	vmovc v2;
	v2 =	vmov v19  }
0x106: {  	s17 =	sor.u32 $0x100, s4;
	v10 =	vadd.s32 $0x2000, v24;
	v25 =	vor.u32 v8, v13;
	s5 =	sadd.s32 $0x30, s1;
	v13 =	vld.idx.msk [tilespmem:v6+s28+$0x0], $0xffff;
	v6 =	vadd.s32 $0x4000, v24;
	[tilespmem:s2+$0x80] =	vst v12;
	s2 =	sadd.s32 $0x20, s1  }
.Ltmp3:
0x107: {  	v11 =	vadd.s32 $0x6000, v24;
	v12 =	vadd.s32 $0x2000, v25;
	s19 =	sor.u32 $0x100, s5;
	v14 =	vld.idx.msk [tilespmem:v7+s28+$0x0], $0xffff;
	v7 =	vadd.s32 $0x4000, v25;
	s18 =	sor.u32 $0x100, s2;
	[tilespmem:s10+$0x15000] =	vst v22;
	(pc) =	sbr.rel @p2 .LBB2_5-.Ltmp3, $4  }
0x108: {  	s24 =	sor.u32 $0x180, s4;
	v8 =	vadd.s32 $0x6000, v25;
	s10 =	sor.u32 $0x100, s1;
	s2 =	sor.u32 $0x180, s2;
	v17 =	vld.idx.msk [tilespmem:v16+s28+$0x0], $0xffff;
	[tilespmem:s19+$0x15000] =	vst v18  }
0x109: {  	s31 =	sor.u32 $0x180, s1;
	v16 =	vld.idx.msk [tilespmem:v15+s28+$0x0], $0xffff;
	[tilespmem:s22+$0x15000] =	vst v20;
	s22 =	smov.u32 s2  }
0x10a: {  	s29 =	sadd.s32 $0x100, s29;
	v19 =	vadd.s32 $0x2000, v0;
	v15 =	vld.idx.msk [tilespmem:v24+s28+$0x0], $0xffff;
	[tilespmem:s12+$0x0] =	vst v23  }
0x10b: {  	s26 =	sadd.s32 $0x40, s26;
	s19 =	sand.u32 $0x3E00, s29;
	s2 =	sshra.s32 s29, $0x2;
	v18 =	vld.idx.msk [tilespmem:v25+s28+$0x0], $0xffff;
	[tilespmem:s20+$0x15000] =	vst v21  }
0x10c: {  	v20 =	vld [tilespmem:s2+$0x0];
	_ =	sdelay $0x4  }
0x10d: {  	v21 =	vshll.u32 v20, $0x1  }
0x10e: {  	v20 =	vand.u32 $0x3F, v20;
	v21 =	vand.u32 $0xFFFFFF80, v21  }
0x10f: {  	v20 =	vor.u32 v20, v21;
	_ =	sdelay $0x3  }
0x110: {  	s1 =	sadd.s32 $0x15000, s19;
	[tilespmem:s17+$0x15000] =	vst v13  }
0x111: {  	[tilespmem:s18+$0x15000] =	vst v14;
	s30 =	sor.u32 s16, s1;
	v51 =	vld.idx.msk [tilespmem:v20+s28+$0x0], $0xffff  }
0x112: {  	v9 =	vld.idx.msk [tilespmem:v9+s28+$0x0], $0xffff;
	s5 =	sor.u32 $0x180, s5;
	[tilespmem:s30+$0x0] =	vst v17;
	v52 =	vadd.s32 $0x2000, v20  }
0x113: {  	v1 =	vld.idx.msk [tilespmem:v1+s28+$0x0], $0xffff;
	s6 =	sor.u32 s6, s1;
	[tilespmem:s5+$0x15000] =	vst v16  }
0x114: {  	s4 =	sor.u32 s21, s1;
	v17 =	vld.idx.msk [tilespmem:v19+s28+$0x0], $0xffff;
	[tilespmem:s6+$0x0] =	vst v18  }
0x115: {  	v53 =	vadd.s32 $0x4000, v0;
	s1 =	sor.u32 s15, s1;
	[tilespmem:s4+$0x0] =	vst v15;
	v12 =	vld.idx.msk [tilespmem:v12+s28+$0x0], $0xffff  }
0x116: {  	v10 =	vld.idx.msk [tilespmem:v10+s28+$0x0], $0xffff;
	[tilespmem:s1+$0x0] =	vst v51  }
0x117: {  	[tilespmem:s12+$0x80] =	vst v9;
	v54 =	vld.idx.msk [tilespmem:v52+s28+$0x0], $0xffff  }
0x118: {  	v4 =	vld.idx.msk [tilespmem:v4+s28+$0x0], $0xffff;
	[tilespmem:s9+$0x15000] =	vst v1;
	v55 =	vadd.s32 $0x4000, v20  }
0x119: {  	p0 =	por !p0, !p0;
	s2 =	simm.s32 $0x1;
	v5 =	vld.idx.msk [tilespmem:v5+s28+$0x0], $0xffff;
	[tilespmem:s30+$0x80] =	vst v17  }
0x11a: {  	s2 =	simm.s32 @!p0 $0x0;
	v56 =	vld.idx.msk [tilespmem:v53+s28+$0x0], $0xffff;
	[tilespmem:s6+$0x80] =	vst v12  }
0x11b: {  	v57 =	vadd.s32 $0x6000, v0;
	s2 =	sshll.u32 s2, $0x6;
	[tilespmem:s4+$0x80] =	vst v10;
	v58 =	vld.idx.msk [tilespmem:v7+s28+$0x0], $0xffff  }
0x11c: {  	s2 =	sadd.s32 s2, s29;
	v6 =	vld.idx.msk [tilespmem:v6+s28+$0x0], $0xffff;
	[tilespmem:s1+$0x80] =	vst v54  }
0x11d: {  	s15 =	sadd.s32 $0x30, s2;
	[tilespmem:s24+$0x15000] =	vst v4;
	v59 =	vld.idx.msk [tilespmem:v55+s28+$0x0], $0xffff  }
0x11e: {  	v3 =	vld.idx.msk [tilespmem:v3+s28+$0x0], $0xffff;
	s18 =	sadd.s32 $0x20, s2;
	s17 =	sor.u32 $0x100, s15;
	v60 =	vadd.s32 $0x6000, v20;
	[tilespmem:s10+$0x15000] =	vst v5  }
0x11f: {  	s16 =	sadd.s32 $0x10, s2;
	s20 =	sor.u32 $0x100, s18;
	v2 =	vld.idx.msk [tilespmem:v2+s28+$0x0], $0xffff;
	[tilespmem:s17+$0x15000] =	vst v56  }
0x120: {  	s19 =	sor.u32 $0x100, s16;
	v0 =	vld.idx.msk [tilespmem:v57+s28+$0x0], $0xffff;
	[tilespmem:s20+$0x15000] =	vst v58  }
0x121: {  	s21 =	sor.u32 $0x100, s2;
	[tilespmem:s19+$0x15000] =	vst v6;
	v62 =	vld.idx.msk [tilespmem:v8+s28+$0x0], $0xffff  }
0x122: {  	v61 =	vld.idx.msk [tilespmem:v11+s28+$0x0], $0xffff;
	[tilespmem:s21+$0x15000] =	vst v59  }
0x123: {  	[tilespmem:s22+$0x15000] =	vst v3;
	v63 =	vld.idx.msk [tilespmem:v60+s28+$0x0], $0xffff  }
0x124: {  	s4 =	sor.u32 $0x180, s15;
	[tilespmem:s31+$0x15000] =	vst v2  }
0x125: {  	s22 =	sor.u32 $0x180, s18;
	[tilespmem:s4+$0x15000] =	vst v0  }
0x126: {  	[tilespmem:s22+$0x15000] =	vst v62;
	s1 =	sor.u32 $0x180, s16  }
.Ltmp4:
0x127: {  	s24 =	sor.u32 $0x180, s2;
	[tilespmem:s1+$0x15000] =	vst v61;
	(pc) =	sbr.rel @p1 .LBB2_8-.Ltmp4, $4  }
0x128: {  	[tilespmem:s24+$0x15000] =	vst v63  }
0x129: {  	s26 =	sshll.u32 s13, $0xC;
	s29 =	simm.s32 $0x200;
	s1 =	rddreg [dreg:$0xf]  }
0x12a: {  	s30 =	simm.s32 $0x400;
	s31 =	simm.s32 $0x15000;
	s1 =	sadd.s32 s26, s1  }
0x12b: {  	[hbm4b:s1+s29] =	stream.strided.scatter [tilespmem:s31], [sflag:$0x4], $0x4000, s30, s29, $0x38;
	[tilespmem:$0x19000] =	vst v63  }
0x12c: {  	s1 =	rddreg [dreg:$0x10]  }
0x12d: {  	s1 =	sadd.s32 s14, s1  }
0x12e: {  	s2 =	rddreg [dreg:$0x7];
	s1 =	sshll.u32 s1, $0xA  }
0x12f: {  	s2 =	sadd.s32 s2, s1  }
0x130: {  	[tilespmem:s28], [sflag:$0x2] =	stream.linear.gather [hbm4b:s2+s3], $0x2000, $0x38;
	[tilespmem:$0x19000] =	vst v63  }
0x131: {  	s4 =	simm.s32 $0xB000;
	s26 =	sadd.s32 s1, s8  }
0x132: {  	[tilespmem:s4], [sflag:$0x2] =	stream.linear.gather [hbm4b:s26+s3], $0x2000, $0x38;
	[tilespmem:$0x19000] =	vst v63  }
.Ltmp5:
0x133: {  	_ = 	snop;
	(pc) =	sbr.rel .LBB2_2-.Ltmp5, $4  }
0x134: {  	s30 =	simm.s32 $0xD000;
	s29 =	sadd.s32 s1, s11  }
0x135: {  	[tilespmem:s30], [sflag:$0x2] =	stream.linear.gather [hbm4b:s29+s3], $0x2000, $0x38;
	[tilespmem:$0x19000] =	vst v63  }
0x136: {  	s31 =	simm.s32 $0xF000;
	s13 =	sadd.s32 $0x1, s13;
	s1 =	sadd.s32 s1, s7  }
0x137: {  	[tilespmem:s31], [sflag:$0x2] =	stream.linear.gather [hbm4b:s1+s3], $0x2000, $0x38;
	[tilespmem:$0x19000] =	vst v63  }
.LBB2_9:
0x138: {  	_ =	sfence.sel $0x180000  }
0x139: {  	[bflag:$0x0] =	sbarrier.arrive $0xFFFF  }
0x13a: {  	_ =	strace $0x90000047  }
0x13b: {  	s0 =	stileid.u32;
	[bflag:$0x2] =	sbarrier.arrive $0xFFFF  }
0x13c: {  	p0 =	sne.s32 s0, $0x0;
	s0 =	rddreg [dreg:$0x2]  }
0x13d: {  	s0 =	sadd.s32 @!p0 $0x100000, s0  }
0x13e: {  	[sflag:s0] =	ssyncadd.tile.s32 @!p0 $0x1;
	_ =	shalt  }
.Lfunc_end2:
_tile_overlayer_lowered:
.L_overlay_start_2:
0x13f: {  	(tag) =	ssettag $0x2  }
0x140: {  	s0 =	rddreg [dreg:$0x0];
	s2 =	stileid.u32  }
0x141: {  	s1 =	rddreg [dreg:$0x1];
	p0 =	sne.s32 s2, $0x0  }
0x142: {  	s3 =	rddreg [dreg:$0x2];
	[bflag:$0x3] =	sbarrier.arrive $0xFFFF;
	s2 =	simm.s32 @!p0 $0x1C05  }
0x143: {  	[timem:s3], [sflag:s2] =	dma.local @!p0 [hbm:s0], s1  }
0x144: {  	s0 =	simm.s32 @!p0 $0x5  }
0x145: {  	_ =	swait.ge @!p0 [sflag:s0], s1  }
0x146: {  	s1 =	ssub.s32 @!p0 $0x0, s1;
	[sflag:s0] =	ssyncset.done @!p0 $0x0  }
0x147: {  	[sflag:s0] =	ssyncadd.s32 @!p0 s1  }
0x148: {  	[bflag:$0x3] =	sbarrier.arrive $0xFFFF  }
0x149: {  	_ =	shalt  }

// kernel: kernel.8.cloned.1.call-start
scs
__scs_entry_jumppad:
0x0: {  	(pc) =	sbr.rel $0x88, $3  }
0x1: {  	(tag) =	ssettag $0x0;
	lr =	simm.s32 $0x1  }
0x2: {  	[smem:$0x3F20] =	sst lr;
	_ =	strace $0xD0000000  }
0x3: {  	_ = 	snop  }
0x4: {  	_ = 	snop  }
0x5: {  	_ = 	snop  }
0x6: {  	_ = 	snop  }
0x7: {  	_ = 	snop  }
__scs_overlays_trampoline_lowered:
0x8: {  	[smem:$0x3F2F] =	sst s0  }
0x9: {  	[smem:$0x3F30] =	sst s1  }
0xa: {  	[smem:$0x3F31] =	sst s2  }
0xb: {  	[smem:$0x3F32] =	sst s3  }
0xc: {  	[smem:$0x3F33] =	sst s4  }
0xd: {  	[smem:$0x3F34] =	sst s5  }
0xe: {  	[smem:$0x3F35] =	sst s6  }
0xf: {  	[smem:$0x3F36] =	sst s7  }
0x10: {  	[smem:$0x3F37] =	sst s8  }
0x11: {  	[smem:$0x3F38] =	sst s9;
	s0 =	simm.s32 @!p0 $0x0  }
0x12: {  	s1 =	sld [smem:$0x3F1E];
	s0 =	simm.s32 @p0 $0x1  }
0x13: {  	[smem:$0x3F39] =	sst s0;
	s0 =	simm.s32 @!p1 $0x0  }
0x14: {  	s2 =	sld [smem:$0x3F1D];
	s0 =	simm.s32 @p1 $0x1  }
0x15: {  	[smem:$0x3F3A] =	sst s0;
	s0 =	simm.s32 @!p2 $0x0  }
0x16: {  	s3 =	sld [smem:$0x3FDB];
	s0 =	simm.s32 @p2 $0x1  }
0x17: {  	s4 =	simm.s32 $0x1BF5;
	[smem:$0x3F3C] =	sst s0  }
0x18: {  	s0 =	sld [smem:$0x3F1F];
	_ =	swait.ge [sflag:s4], $0x0  }
0x19: {  	s7 =	sld [smem:$0x3F20]  }
0x1a: {  	s8 =	sadd.s32 $0xFFFFE003, lr  }
0x1b: {  	s9 =	sadd.s32 $0xFFFFFEF7, lr;
	s5 =	simm.s32 $0xFFFFFFFF;
	p2 =	slt.u32 s8, $0xFFFFF086  }
0x1c: {  	p1 =	slt.u32 s9, $0xF7A;
	s5 =	simm.s32 @!p2 $0x0  }
0x1d: {  	s5 =	simm.s32 @p1 $0x1;
	p0 =	seq.s32 s7, s2  }
0x1e: {  	s7 =	smul.u32 @!p0 $0xF7A, s2;
	p2 =	seq.s32 @!p0 s5, $0x0  }
0x1f: {  	s9 =	smul.u32 $0xF7A, s1;
	s8 =	simm.s32 @!p0 $0x1BF5;
	p2 =	por !p2, p0  }
0x20: {  	[sflag:s8] =	ssyncset.s32 @!p0 $0xFFFFF086;
	s6 =	sadd.s32 @!p0 s3, s7;
	s7 =	simm.s32 @!p0 $0x108  }
0x21: {  	s3 =	sadd.s32 s3, s9;
	s6 =	sadd.s32 @!p0 $0x88, s6;
	s7 =	simm.s32 @p2 $0x1082  }
0x22: {  	[simem:s7], [sflag:s8] =	dma.local @!p0 [hbm:s6], $0xF7A  }
0x23: {  	s9 =	sor.u32 $0xD0000000, s2;
	s6 =	simm.s32 $0x108;
	_ =	swait.ge @!p0 [sflag:s8], $0x0  }
0x24: {  	s3 =	sadd.s32 $0x88, s3;
	s6 =	simm.s32 @!p1 $0x1082;
	[sflag:s4] =	ssyncset.s32 $0xFFFFF086  }
0x25: {  	[simem:s6], [sflag:s4] =	dma.local [hbm:s3], $0xF7A  }
0x26: {  	[smem:$0x3F20] =	sst s1;
	(tag) =	ssettag s2;
	_ =	strace s9  }
0x27: {  	s1 =	sld [smem:$0x3F30]  }
0x28: {  	s2 =	sld [smem:$0x3F31]  }
0x29: {  	s4 =	sld [smem:$0x3F33]  }
0x2a: {  	p0 =	seq.s32 s5, $0x0;
	s5 =	sld [smem:$0x3F34]  }
0x2b: {  	s6 =	sld [smem:$0x3F35]  }
0x2c: {  	s7 =	sld [smem:$0x3F36]  }
0x2d: {  	s3 =	simm.s32 $0x108;
	s8 =	sld [smem:$0x3F37]  }
0x2e: {  	s3 =	simm.s32 @!p0 $0x1082;
	s9 =	sld [smem:$0x3F38]  }
0x2f: {  	lr =	sadd.s32 s0, s3;
	s0 =	sld [smem:$0x3F2F]  }
0x30: {  	s3 =	sld [smem:$0x3F32]  }
0x31: {  	[smem:$0x3F3B] =	sst s10  }
0x32: {  	s10 =	sld [smem:$0x3F39];
	_ =	sdelay $0x3  }
0x33: {  	p0 =	seq.s32 s10, $0x1;
	s10 =	sld [smem:$0x3F3B];
	_ =	sdelay $0x3  }
0x34: {  	[smem:$0x3F3B] =	sst s10  }
0x35: {  	s10 =	sld [smem:$0x3F3A];
	_ =	sdelay $0x3  }
0x36: {  	p1 =	seq.s32 s10, $0x1;
	s10 =	sld [smem:$0x3F3B];
	_ =	sdelay $0x3  }
0x37: {  	[smem:$0x3F3B] =	sst s10  }
0x38: {  	s10 =	sld [smem:$0x3F3C]  }
0x39: {  	_ = 	snop;
	(pc) =	sbr.ind lr, $3  }
0x3a: {  	_ = 	snop  }
0x3b: {  	_ = 	snop  }
0x3c: {  	p2 =	seq.s32 s10, $0x1;
	s10 =	sld [smem:$0x3F3B]  }
0x3d: {  	_ =	shalt  }
0x3e: {  	_ =	shalt  }
0x3f: {  	_ =	shalt  }
0x40: {  	_ =	shalt  }
0x41: {  	_ =	shalt  }
0x42: {  	_ =	shalt  }
0x43: {  	_ =	shalt  }
0x44: {  	_ =	shalt  }
0x45: {  	_ =	shalt  }
0x46: {  	_ =	shalt  }
0x47: {  	_ =	shalt  }
0x48: {  	_ =	shalt  }
0x49: {  	_ =	shalt  }
0x4a: {  	_ =	shalt  }
0x4b: {  	_ =	shalt  }
0x4c: {  	_ =	shalt  }
0x4d: {  	_ =	shalt  }
0x4e: {  	_ =	shalt  }
0x4f: {  	_ =	shalt  }
0x50: {  	_ =	shalt  }
0x51: {  	_ =	shalt  }
0x52: {  	_ =	shalt  }
0x53: {  	_ =	shalt  }
0x54: {  	_ =	shalt  }
0x55: {  	_ =	shalt  }
0x56: {  	_ =	shalt  }
0x57: {  	_ =	shalt  }
0x58: {  	_ =	shalt  }
0x59: {  	_ =	shalt  }
0x5a: {  	_ =	shalt  }
0x5b: {  	_ =	shalt  }
0x5c: {  	_ =	shalt  }
0x5d: {  	_ =	shalt  }
0x5e: {  	_ =	shalt  }
0x5f: {  	_ =	shalt  }
0x60: {  	_ =	shalt  }
0x61: {  	_ =	shalt  }
0x62: {  	_ =	shalt  }
0x63: {  	_ =	shalt  }
0x64: {  	_ =	shalt  }
0x65: {  	_ =	shalt  }
0x66: {  	_ =	shalt  }
0x67: {  	_ =	shalt  }
0x68: {  	_ =	shalt  }
0x69: {  	_ =	shalt  }
0x6a: {  	_ =	shalt  }
0x6b: {  	_ =	shalt  }
0x6c: {  	_ =	shalt  }
0x6d: {  	_ =	shalt  }
0x6e: {  	_ =	shalt  }
0x6f: {  	_ =	shalt  }
0x70: {  	_ =	shalt  }
0x71: {  	_ =	shalt  }
0x72: {  	_ =	shalt  }
0x73: {  	_ =	shalt  }
0x74: {  	_ =	shalt  }
0x75: {  	_ =	shalt  }
0x76: {  	_ =	shalt  }
0x77: {  	_ =	shalt  }
0x78: {  	_ =	shalt  }
0x79: {  	_ =	shalt  }
0x7a: {  	_ =	shalt  }
0x7b: {  	_ =	shalt  }
0x7c: {  	_ =	shalt  }
0x7d: {  	_ =	shalt  }
0x7e: {  	_ =	shalt  }
0x7f: {  	_ =	shalt  }
0x80: {  	_ =	shalt  }
0x81: {  	_ =	shalt  }
0x82: {  	_ =	shalt  }
0x83: {  	_ =	shalt  }
0x84: {  	_ =	shalt  }
0x85: {  	_ =	shalt  }
0x86: {  	_ =	shalt  }
0x87: {  	_ =	shalt  }
.Lfunc_end0:
.L_simem_size_0:
called_computation.1_lowered:
.L_overlay_start_0:
0x88: {  	s2 =	sld [smem:$0x3FD9]  }
0x89: {  	s3 =	sld [smem:$0x3FFE];
	_ =	sdelay $0x1  }
0x8a: {  	s1 =	srdreg.scid  }
0x8b: {  	s0 =	sand.u32 $0x1, s1  }
0x8c: {  	s17 =	sshll.u32 s0, $0xA;
	s2 =	sadd.s32 s3, s2  }
0x8d: {  	s2 =	sadd.s32 s2, s17  }
0x8e: {  	[smem:$0x3F47] =	sst s2  }
0x8f: {  	_ = 	snop  }
0x90: {  	s2 =	sld [smem:$0x3FD0];
	(tm) =	ssettm $0x1  }
0x91: {  	s18 =	sld [smem:$0x3FFB];
	_ =	sdelay $0x3  }
0x92: {  	_ =	strace s18  }
0x93: {  	s3 =	sld [smem:$0x3FFC];
	_ =	sdelay $0x3  }
0x94: {  	_ =	strace s3  }
0x95: {  	s3 =	sld [smem:$0x3FFD];
	_ =	sdelay $0x3  }
0x96: {  	_ =	strace s3  }
0x97: {  	_ =	strace $0x8FFFFFFF  }
0x98: {  	s19 =	sld [smem:$0x3FDB];
	_ =	sdelay $0x1  }
0x99: {  	s4 =	simm.s32 $_scs_section_size  }
0x9a: {  	s5 =	simm.s32 $_size__tile_overlayer_lowered;
	s6 =	simm.s32 $_tile_overlayer_lowered  }
0x9b: {  	s22 =	simm.s32 $0x1BFF;
	s21 =	sshll.u32 s6, $0x1;
	s3 =	sadd.s32 s4, s19  }
0x9c: {  	s7 =	simm.s32 $0x0;
	s20 =	sshll.u32 s5, $0x1;
	s5 =	sadd.s32 s21, s3  }
0x9d: {  	[timem:s7], [sflag:s22] =	dma.local [hbm:s5], s20  }
0x9e: {  	_ =	swait.ge [sflag:s22], s20  }
0x9f: {  	s4 =	ssub.s32 $0x0, s20;
	[sflag:s22] =	ssyncset.done $0x0  }
0xa0: {  	[sflag:s22] =	ssyncadd.s32 s4;
	_ =	sdelay $0x1  }
0xa1: {  	s23 =	simm.s32 $0x1B8B  }
0xa2: {  	_ =	swait.ge [sflag:s23], $0x1  }
0xa3: {  	[sflag:s23] =	ssyncset.done $0x0  }
0xa4: {  	s25 =	simm.s32 $0x1B8E;
	s24 =	sld [smem:$0x3FFE];
	[sflag:s23] =	ssyncadd.s32 $0xFFFFFFFF  }
0xa5: {  	s26 =	simm.s32 $execute0_lowered;
	[smem:$0x3FD2] =	sst s25  }
0xa6: {  	s5 =	sshll.u32 s26, $0x1;
	_ =	strace $0x80000049;
	[dreg:$0x1] =	wrdreg $0xFFFFFFFF  }
0xa7: {  	s28 =	simm.s32 $_size_execute0_lowered;
	s3 =	sadd.s32 s3, s5;
	[dreg:$0x0] =	wrdreg $0x0  }
0xa8: {  	s5 =	sshll.u32 s28, $0x1;
	[dreg:$0x2] =	wrdreg s3  }
0xa9: {  	[dreg:$0x3] =	wrdreg s5  }
0xaa: {  	[dreg:$0x4] =	wrdreg $0xC0  }
0xab: {  	_ =	task [dreg:s7], $0x5FFFF  }
0xac: {  	[dreg:$0x1] =	wrdreg $0xFFFFFFFF  }
0xad: {  	[dreg:$0x0] =	wrdreg $0x60  }
0xae: {  	[dreg:$0x2] =	wrdreg s2  }
0xaf: {  	[dreg:$0x3] =	wrdreg s24  }
0xb0: {  	[dreg:$0x4] =	wrdreg $0x9  }
0xb1: {  	_ =	task.clear_ibuf [dreg:s7], $0x5FFFF;
	_ =	strace $0x90000049  }
0xb2: {  	s29 =	simm.s32 $0x9;
	_ =	strace $0x8000004B  }
0xb3: {  	_ =	swait.ge [sflag:s29], $0x1  }
0xb4: {  	[sflag:s29] =	ssyncadd.s32 $0xFFFFFFFF  }
0xb5: {  	_ =	strace $0x9000004B  }
0xb6: {  	_ =	sfence  }
0xb7: {  	s30 =	sld [smem:$0x0];
	_ =	sdelay $0x2  }
0xb8: {  	s31 =	sshll.u32 s1, $0xD;
	s1 =	sshrl.u32 s1, $0x2  }
0xb9: {  	s3 =	sand.u32 $0x4000, s31;
	s1 =	sadd.s32 s1, s30  }
0xba: {  	s0 =	sor.u32 s3, s0;
	s1 =	sshll.u32 s1, $0x11  }
0xbb: {  	s0 =	sor.u32 s1, s0  }
0xbc: {  	s0 =	sadd.s32 $0x8F2B, s0  }
0xbd: {  	[sflag:s0] =	ssyncadd.remote.s32 $0x1  }
0xbe: {  	_ =	sfence.sel $0xFFFF  }
0xbf: {  	[dreg:$0x0] =	wrdreg $0xFFFFFFFF;
	(pc) =	sbr.abs _section_cstart, $3  }
0xc0: {  	[dreg:$0x1] =	wrdreg $0xFFFFFFFF  }
0xc1: {  	_ =	task.clear_ibuf [dreg:s7], $0x2FFFF;
	_ =	strace $0x9FFFFFFF  }
0xc2: {  	(tm) =	ssettm $0x7FFFFFFF  }
0xc3: {  	_ =	shalt  }
tec
execute0_lowered:
.L_overlay_start_1:
0x0: {  	(tag) =	ssettag $0x1  }
0x1: {  	s0 =	rddreg [dreg:$0x0]  }
0x2: {  	s1 =	rddreg [dreg:$0x1]  }
0x3: {  	s3 =	srdreg.scid;
	s2 =	simm.s32 $0x0;
	s4 =	stileid.u32  }
0x4: {  	s19 =	simm.s32 $0x1;
	s20 =	simm.s32 $0x9000;
	s24 =	simm.s32 $0x2  }
0x5: {  	s25 =	simm.s32 $0x4;
	s26 =	simm.s32 $0x11000;
	s3 =	sand.u32 $0x1, s3  }
0x6: {  	[smem:$0x7FF] =	sst s2;
	s4 =	sshll.u32 s4, $0x8;
	s28 =	sadd.s32 $0x410600, s1  }
0x7: {  	s8 =	sadd.s32 $0x10E00, s1;
	s9 =	sadd.s32 $0x11200, s1;
	s5 =	sshll.u32 s3, $0x7  }
0x8: {  	_ =	strace $0x8000004A;
	s3 =	ssub.s32 $0x2, s3;
	s5 =	sor.u32 s5, s4  }
0x9: {  	[dreg:$0x3] =	wrdreg s28;
	s7 =	sshrl.u32 s3, $0x1;
	s6 =	sshll.u32 s5, $0x9  }
.Ltmp0:
0xa: {  	s29 =	ssub.s32 s3, s7;
	s6 =	sadd.s32 s0, s6;
	(pc) =	sbr.rel .LBB2_1-.Ltmp0, $4  }
0xb: {  	s4 =	sadd.s32 $0x10600, s1;
	s0 =	smax.u32 s29, $0x1;
	[dreg:$0x4] =	wrdreg s6  }
0xc: {  	s7 =	sadd.s32 $0x10A00, s1;
	s30 =	sadd.s32 $0x40, s6;
	[dreg:$0x7] =	wrdreg s0  }
0xd: {  	s13 =	sshll.u32 s5, $0xA;
	s31 =	sadd.s32 $0x1000, s6;
	[dreg:$0x5] =	wrdreg s30  }
0xe: {  	s1 =	simm.s32 $0x0;
	s11 =	sadd.s32 $0x1040, s6;
	[dreg:$0x6] =	wrdreg s31  }
.LBB2_12:
0xf: {  	s0 =	simm.s32 $0x3  }
0x10: {  	_ =	swait.ge [sflag:s0], $0x2000  }
0x11: {  	[sflag:s0] =	ssyncset.done $0x0  }
0x12: {  	[sflag:s0] =	ssyncadd.s32 $0xFFFFE000  }
0x13: {  	_ =	swait.ge [sflag:s0], $0x2000  }
0x14: {  	[sflag:s0] =	ssyncset.done $0x0  }
0x15: {  	[sflag:s0] =	ssyncadd.s32 $0xFFFFE000  }
0x16: {  	_ =	swait.ge [sflag:s0], $0x2000  }
0x17: {  	[sflag:s0] =	ssyncset.done $0x0  }
0x18: {  	[sflag:s0] =	ssyncadd.s32 $0xFFFFE000  }
0x19: {  	_ =	swait.ge [sflag:s0], $0x2000  }
0x1a: {  	[sflag:s0] =	ssyncset.done $0x0  }
0x1b: {  	[sflag:s0] =	ssyncadd.s32 $0xFFFFE000  }
0x1c: {  	_ =	swait.ge [sflag:s25], $0x2000  }
0x1d: {  	[sflag:s25] =	ssyncset.done $0x0  }
0x1e: {  	[sflag:s25] =	ssyncadd.s32 $0xFFFFE000  }
0x1f: {  	_ =	swait.ge [sflag:s25], $0x2000  }
0x20: {  	[sflag:s25] =	ssyncset.done $0x0  }
0x21: {  	[sflag:s25] =	ssyncadd.s32 $0xFFFFE000  }
0x22: {  	_ =	swait.ge [sflag:s25], $0x2000  }
0x23: {  	[sflag:s25] =	ssyncset.done $0x0  }
0x24: {  	[sflag:s25] =	ssyncadd.s32 $0xFFFFE000  }
0x25: {  	_ =	swait.ge [sflag:s25], $0x2000  }
0x26: {  	s1 =	rddreg [dreg:$0x8]  }
0x27: {  	s31 =	rddreg [dreg:$0x7];
	s1 =	sadd.s32 $0x1, s1  }
0x28: {  	p0 =	sne.s32 s1, s31  }
.Ltmp1:
0x29: {  	_ = 	snop;
	(pc) =	sbr.rel @!p0 .LBB2_13-.Ltmp1, $3  }
0x2a: {  	_ =	sdelay $0x1  }
0x2b: {  	[sflag:s25] =	ssyncset.done $0x0  }
0x2c: {  	[sflag:s25] =	ssyncadd.s32 $0xFFFFE000  }
.LBB2_1:
0x2d: {  	[dreg:$0x8] =	wrdreg s1  }
0x2e: {  	s0 =	rddreg [dreg:$0x3];
	s23 =	simm.s32 $0x5  }
0x2f: {  	[tilespmem:s2], [sflag:$0x5] =	stream.linear.gather [hbm4b:s0+s2], $0x1000, $0x38;
	[tilespmem:$0x19000] =	vst v63  }
0x30: {  	_ =	swait.ge [sflag:s23], $0x1000  }
0x31: {  	s29 =	simm.s32 $0x200;
	s3 =	simm.s32 $0x400;
	[sflag:s23] =	ssyncset.done $0x0  }
0x32: {  	s5 =	simm.s32 $0x1000;
	s28 =	rddreg [dreg:$0x4];
	[sflag:s23] =	ssyncadd.s32 $0xFFFFF000  }
0x33: {  	[tilespmem:s5], [sflag:$0x1] =	stream.strided.gather [hbm4b:s28+s29], $0x4000, s3, s29, $0x38;
	[tilespmem:$0x19000] =	vst v63  }
0x34: {  	s31 =	simm.s32 $0x5000;
	s1 =	simm.s32 $0x0;
	s30 =	rddreg [dreg:$0x5]  }
0x35: {  	[tilespmem:s31], [sflag:$0x2] =	stream.strided.gather [hbm4b:s30+s29], $0x4000, s3, s29, $0x38;
	[tilespmem:$0x19000] =	vst v63  }
.LBB2_2:
0x36: {  	_ =	swait.ge [sflag:s19], $0x4000  }
0x37: {  	p0 =	seq.s32 s1, $0x0;
	[sflag:s19] =	ssyncset.done $0x0  }
0x38: {  	s0 =	simm.s32 @!p0 $0x3;
	[sflag:s19] =	ssyncadd.s32 $0xFFFFC000  }
0x39: {  	_ =	swait.ge @!p0 [sflag:s0], $0x2000  }
0x3a: {  	[sflag:s0] =	ssyncset.done @!p0 $0x0  }
0x3b: {  	[sflag:s0] =	ssyncadd.s32 @!p0 $0xFFFFE000  }
0x3c: {  	_ =	swait.ge @!p0 [sflag:s0], $0x2000  }
0x3d: {  	[sflag:s0] =	ssyncset.done @!p0 $0x0  }
0x3e: {  	[sflag:s0] =	ssyncadd.s32 @!p0 $0xFFFFE000  }
0x3f: {  	_ =	swait.ge @!p0 [sflag:s0], $0x2000  }
0x40: {  	[sflag:s0] =	ssyncset.done @!p0 $0x0  }
0x41: {  	s3 =	simm.s32 $0x0;
	[sflag:s0] =	ssyncadd.s32 @!p0 $0xFFFFE000  }
0x42: {  	s5 =	sand.u32 $0x40, s3;
	_ =	swait.ge @!p0 [sflag:s0], $0x2000  }
0x43: {  	s6 =	sand.u32 $0xF80, s3;
	s10 =	sor.u32 $0x30, s5;
	[sflag:s0] =	ssyncset.done @!p0 $0x0  }
0x44: {  	s14 =	sor.u32 s10, s6;
	[sflag:s0] =	ssyncadd.s32 @!p0 $0xFFFFE000  }
0x45: {  	v0 =	vld [tilespmem:s14+$0x0];
	_ =	sdelay $0x1  }
0x46: {  	s15 =	sor.u32 $0x10, s5  }
0x47: {  	s12 =	sor.u32 $0x20, s5;
	s14 =	sor.u32 s15, s6  }
0x48: {  	s3 =	sand.u32 $0x3E00, s3;
	s6 =	sor.u32 s12, s6;
	v1 =	vld [tilespmem:s14+$0x0]  }
0x49: {  	s3 =	sadd.s32 $0x1000, s3;
	v2 =	vld [tilespmem:s6+$0x0];
	v3 =	vshll.u32 v0, $0x1  }
0x4a: {  	s16 =	sor.u32 s10, s3;
	v0 =	vand.u32 $0x3F, v0;
	v3 =	vand.u32 $0xFFFFFF80, v3  }
0x4b: {  	v4 =	vld [tilespmem:s16+$0x0];
	v5 =	vor.u32 v0, v3  }
0x4c: {  	s17 =	simm.s32 $0x0  }
0x4d: {  	v0 =	vshll.u32 v1, $0x1;
	v3 =	vld [tilespmem:s17+$0x0]  }
0x4e: {  	p1 =	por $0x0, $0x0;
	s18 =	sor.u32 s15, s3;
	s0 =	simm.s32 $0x1;
	v6 =	vshll.u32 v2, $0x1;
	v1 =	vand.u32 $0x3F, v1;
	v0 =	vand.u32 $0xFFFFFF80, v0  }
0x4f: {  	s21 =	simm.s32 $0x40;
	s12 =	sor.u32 s12, s3;
	v7 =	vld [tilespmem:s18+$0x0];
	s0 =	simm.s32 @!p1 $0x0;
	v2 =	vand.u32 $0x3F, v2;
	v6 =	vand.u32 $0xFFFFFF80, v6;
	v0 =	vor.u32 v1, v0  }
0x50: {  	s10 =	sand.u32 $0x40, s21;
	s3 =	sor.u32 s5, s3;
	s0 =	sshll.u32 s0, $0x6;
	v1 =	vor.u32 v2, v6;
	v2 =	vld [tilespmem:s12+$0x0];
	[tilespmem:v5+s20+$0x0] =	vst.idx.msk $0xffff, v4  }
0x51: {  	s5 =	sand.u32 $0xF80, s21;
	s0 =	sadd.s32 $0x0, s0;
	s17 =	sor.u32 $0x10, s10;
	v6 =	vadd.s32 $0x2000, v5;
	v4 =	vld [tilespmem:s16+$0x80]  }
0x52: {  	v9 =	vld [tilespmem:s3+$0x0];
	s22 =	sadd.s32 $0x30, s0;
	s29 =	sor.u32 s17, s5;
	v8 =	vshll.u32 v3, $0x1  }
0x53: {  	s28 =	sor.u32 $0x100, s22;
	v11 =	vld [tilespmem:s29+$0x0];
	v3 =	vand.u32 $0x3F, v3;
	v8 =	vand.u32 $0xFFFFFF80, v8;
	s16 =	sor.u32 $0x180, s22;
	s22 =	simm.s32 $0x40  }
0x54: {  	s23 =	sor.u32 $0x30, s10;
	[tilespmem:v0+s20+$0x0] =	vst.idx.msk $0xffff, v7;
	v7 =	vor.u32 v3, v8;
	v16 =	vld [tilespmem:s22+$0x0]  }
0x55: {  	[tilespmem:v1+s20+$0x0] =	vst.idx.msk $0xffff, v2;
	v2 =	vadd.s32 $0x2000, v0;
	v3 =	vld [tilespmem:s18+$0x80];
	s18 =	sor.u32 s23, s5  }
0x56: {  	v10 =	vld [tilespmem:s18+$0x0];
	[tilespmem:v6+s20+$0x0] =	vst.idx.msk $0xffff, v4  }
0x57: {  	s21 =	sor.u32 $0x20, s10;
	v6 =	vadd.s32 $0x4000, v5;
	v4 =	vld [tilespmem:s28+$0x1000]  }
0x58: {  	s6 =	simm.s32 $0x100;
	v8 =	vld [tilespmem:s12+$0x80];
	s5 =	sor.u32 s21, s5  }
0x59: {  	s15 =	sand.u32 $0x3E00, s6;
	s18 =	sadd.s32 $0x10, s0;
	[tilespmem:v7+s20+$0x0] =	vst.idx.msk $0xffff, v9;
	v9 =	vld [tilespmem:s5+$0x0]  }
0x5a: {  	v18 =	vadd.s32 $0x6000, v5;
	v13 =	vadd.s32 $0x2000, v1;
	s30 =	sor.u32 $0x100, s18;
	v5 =	vshll.u32 v11, $0x1;
	[tilespmem:v2+s20+$0x0] =	vst.idx.msk $0xffff, v3;
	v2 =	vld [tilespmem:s3+$0x80];
	s3 =	sadd.s32 $0x1000, s15  }
0x5b: {  	v12 =	vadd.s32 $0x4000, v0;
	v11 =	vand.u32 $0x3F, v11;
	v5 =	vand.u32 $0xFFFFFF80, v5;
	v14 =	vld [tilespmem:s30+$0x1000];
	s22 =	sor.u32 s17, s3  }
0x5c: {  	v11 =	vor.u32 v11, v5;
	v22 =	vld [tilespmem:s22+$0x0];
	[tilespmem:v6+s20+$0x0] =	vst.idx.msk $0xffff, v4;
	v4 =	vshll.u32 v10, $0x1  }
0x5d: {  	s23 =	sor.u32 s23, s3;
	v6 =	vadd.s32 $0x2000, v7;
	v10 =	vand.u32 $0x3F, v10;
	v4 =	vand.u32 $0xFFFFFF80, v4  }
0x5e: {  	v19 =	vld [tilespmem:s23+$0x0];
	v4 =	vor.u32 v10, v4  }
0x5f: {  	v0 =	vadd.s32 $0x6000, v0;
	s28 =	sadd.s32 $0x20, s0;
	[tilespmem:v13+s20+$0x0] =	vst.idx.msk $0xffff, v8;
	s17 =	sor.u32 s21, s3;
	v17 =	vshll.u32 v9, $0x1;
	v15 =	vld [tilespmem:s16+$0x1000]  }
0x60: {  	v3 =	vadd.s32 $0x4000, v1;
	s29 =	sor.u32 $0x100, s28;
	v24 =	vld [tilespmem:s17+$0x0];
	v8 =	vand.u32 $0x3F, v9;
	v9 =	vand.u32 $0xFFFFFF80, v17;
	[tilespmem:v12+s20+$0x0] =	vst.idx.msk $0xffff, v14  }
0x61: {  	v1 =	vadd.s32 $0x6000, v1;
	v5 =	vadd.s32 $0x4000, v7;
	s12 =	sor.u32 s10, s3;
	v17 =	vld [tilespmem:s29+$0x1000];
	v23 =	vor.u32 v8, v9;
	[tilespmem:v11+s20+$0x0] =	vst.idx.msk $0xffff, v22  }
0x62: {  	s30 =	sor.u32 $0x100, s0;
	v13 =	vadd.s32 $0x2000, v11;
	v10 =	vld [tilespmem:s12+$0x0];
	v9 =	vand.u32 $0x3F, v16;
	v8 =	vadd.s32 $0x6000, v11;
	[tilespmem:v6+s20+$0x0] =	vst.idx.msk $0xffff, v2  }
0x63: {  	p1 =	por !p1, !p1;
	v12 =	vadd.s32 $0x2000, v23;
	v2 =	vadd.s32 $0x6000, v7;
	v7 =	vshll.u32 v16, $0x1;
	v16 =	vld [tilespmem:s30+$0x1000];
	[tilespmem:v4+s20+$0x0] =	vst.idx.msk $0xffff, v19  }
0x64: {  	s31 =	sor.u32 $0x180, s0;
	s18 =	sor.u32 $0x180, s18;
	s21 =	simm.s32 $0x1;
	v14 =	vadd.s32 $0x4000, v23;
	v21 =	vadd.s32 $0x2000, v4;
	[tilespmem:v18+s20+$0x0] =	vst.idx.msk $0xffff, v15;
	v15 =	vand.u32 $0xFFFFFF80, v7;
	v19 =	vld [tilespmem:s23+$0x80]  }
0x65: {  	s5 =	simm.s32 $0x4;
	s14 =	sor.u32 $0x180, s28;
	s21 =	simm.s32 @!p1 $0x0;
	v22 =	vld [tilespmem:s22+$0x80];
	v6 =	vadd.s32 $0x4000, v11;
	v7 =	vadd.s32 $0x6000, v23;
	v20 =	vor.u32 v9, v15  }
0x66: {  	s3 =	sshll.u32 s1, $0xC;
	s0 =	simm.s32 $0x80;
	s10 =	sshll.u32 s21, $0x6;
	v15 =	vld [tilespmem:s18+$0x1000];
	[tilespmem:v23+s20+$0x0] =	vst.idx.msk $0xffff, v24;
	v11 =	vadd.s32 $0x2000, v20;
	v18 =	vadd.s32 $0x4000, v20;
	v9 =	vadd.s32 $0x6000, v20  }
.LBB2_3:
0x67: {  	s18 =	sand.u32 $0xF80, s0;
	s21 =	sadd.s32 s10, s6;
	v23 =	vld [tilespmem:s17+$0x80];
	[tilespmem:v3+s20+$0x0] =	vst.idx.msk $0xffff, v17;
	v3 =	vmov v14  }
0x68: {  	s17 =	sand.u32 $0x40, s0;
	s5 =	sadd.s32 $0x4, s5;
	s22 =	sadd.s32 $0x30, s21;
	[tilespmem:v5+s20+$0x0] =	vst.idx.msk $0xffff, v16;
	v14 =	vld [tilespmem:s14+$0x1000];
	v5 =	vmov v18  }
0x69: {  	s23 =	sor.u32 $0x30, s17;
	p2 =	slt.u32 s5, $0xFC;
	[tilespmem:v21+s20+$0x0] =	vst.idx.msk $0xffff, v19;
	s10 =	sor.u32 $0x100, s22;
	v16 =	vld [tilespmem:s31+$0x1000]  }
0x6a: {  	v17 =	vadd.s32 $0x4000, v4;
	s28 =	sor.u32 $0x10, s17;
	s29 =	sor.u32 $0x20, s17;
	s14 =	sor.u32 s23, s18;
	[tilespmem:v20+s20+$0x0] =	vst.idx.msk $0xffff, v10;
	v10 =	vld [tilespmem:s10+$0x1000]  }
0x6b: {  	s31 =	sor.u32 s29, s18;
	s10 =	sor.u32 s28, s18;
	v18 =	vld [tilespmem:s14+$0x0];
	[tilespmem:v13+s20+$0x0] =	vst.idx.msk $0xffff, v22;
	s14 =	sadd.s32 $0x10, s21  }
0x6c: {  	s15 =	sadd.s32 $0x20, s21;
	s18 =	sor.u32 $0x100, s21;
	v13 =	vld [tilespmem:s10+$0x0];
	s30 =	sor.u32 $0x100, s14;
	[tilespmem:v12+s20+$0x0] =	vst.idx.msk $0xffff, v23  }
0x6d: {  	s16 =	sor.u32 $0x100, s15;
	s10 =	sor.u32 $0x180, s14;
	s14 =	sor.u32 $0x180, s15;
	v12 =	vld [tilespmem:s31+$0x0];
	[tilespmem:v0+s20+$0x0] =	vst.idx.msk $0xffff, v15;
	v0 =	vmov v8  }
0x6e: {  	s6 =	sadd.s32 $0x100, s6;
	s31 =	sor.u32 $0x180, s21;
	v8 =	vld [tilespmem:s12+$0x80];
	[tilespmem:v1+s20+$0x0] =	vst.idx.msk $0xffff, v14;
	v1 =	vmov v7  }
0x6f: {  	s15 =	sand.u32 $0x3E00, s6;
	s21 =	sor.u32 $0x180, s22;
	s12 =	sshra.s32 s6, $0x2;
	v7 =	vld [tilespmem:s30+$0x1000];
	[tilespmem:v17+s20+$0x0] =	vst.idx.msk $0xffff, v10  }
0x70: {  	s15 =	sadd.s32 $0x1000, s15;
	v15 =	vadd.s32 $0x6000, v4;
	v10 =	vshll.u32 v18, $0x1;
	v14 =	vld [tilespmem:s21+$0x1000];
	[tilespmem:v2+s20+$0x0] =	vst.idx.msk $0xffff, v16;
	v2 =	vmov v9  }
0x71: {  	s22 =	sor.u32 s23, s15;
	s21 =	sor.u32 s28, s15;
	v16 =	vand.u32 $0x3F, v18;
	v9 =	vld [tilespmem:s12+$0x0];
	s12 =	sor.u32 s17, s15;
	v4 =	vshll.u32 v13, $0x1;
	v10 =	vand.u32 $0xFFFFFF80, v10  }
0x72: {  	s17 =	sor.u32 s29, s15;
	v17 =	vand.u32 $0xFFFFFF80, v4;
	v18 =	vshll.u32 v12, $0x1;
	v19 =	vld [tilespmem:s22+$0x0];
	v4 =	vor.u32 v16, v10  }
0x73: {  	v13 =	vand.u32 $0x3F, v13;
	v12 =	vand.u32 $0x3F, v12;
	v10 =	vld [tilespmem:s12+$0x0];
	v16 =	vand.u32 $0xFFFFFF80, v18;
	[tilespmem:v11+s20+$0x0] =	vst.idx.msk $0xffff, v8  }
0x74: {  	v23 =	vor.u32 v13, v17;
	v22 =	vld [tilespmem:s21+$0x0];
	v24 =	vor.u32 v12, v16;
	[tilespmem:v6+s20+$0x0] =	vst.idx.msk $0xffff, v7  }
0x75: {  	v13 =	vadd.s32 $0x2000, v23;
	v6 =	vadd.s32 $0x4000, v23;
	v25 =	vld [tilespmem:s17+$0x0];
	v12 =	vadd.s32 $0x2000, v24;
	[tilespmem:v15+s20+$0x0] =	vst.idx.msk $0xffff, v14  }
.Ltmp2:
0x76: {  	v14 =	vadd.s32 $0x4000, v24;
	v11 =	vand.u32 $0x3F, v9;
	v7 =	vshll.u32 v9, $0x1;
	v17 =	vld [tilespmem:s16+$0x1000];
	(pc) =	sbr.rel @p2 .LBB2_3-.Ltmp2, $4  }
0x77: {  	v8 =	vadd.s32 $0x6000, v23;
	v9 =	vand.u32 $0xFFFFFF80, v7;
	v7 =	vadd.s32 $0x6000, v24;
	[tilespmem:v4+s20+$0x0] =	vst.idx.msk $0xffff, v19;
	v16 =	vld [tilespmem:s18+$0x1000]  }
0x78: {  	p1 =	por !p1, !p1;
	s15 =	simm.s32 $0x1;
	v21 =	vadd.s32 $0x2000, v4;
	v20 =	vor.u32 v11, v9;
	v19 =	vld [tilespmem:s22+$0x80]  }
0x79: {  	s15 =	simm.s32 @!p1 $0x0;
	v11 =	vadd.s32 $0x2000, v20;
	v18 =	vadd.s32 $0x4000, v20;
	v9 =	vadd.s32 $0x6000, v20;
	[tilespmem:v23+s20+$0x0] =	vst.idx.msk $0xffff, v22;
	v15 =	vld [tilespmem:s10+$0x1000]  }
0x7a: {  	s0 =	sadd.s32 $0x40, s0;
	s10 =	sshll.u32 s15, $0x6;
	v22 =	vld [tilespmem:s21+$0x80];
	[tilespmem:v24+s20+$0x0] =	vst.idx.msk $0xffff, v25  }
0x7b: {  	_ =	sdelay $0x3  }
0x7c: {  	v23 =	vld [tilespmem:s17+$0x80];
	[tilespmem:v20+s20+$0x0] =	vst.idx.msk $0xffff, v10  }
0x7d: {  	s0 =	sadd.s32 s10, s6;
	v10 =	vld [tilespmem:s12+$0x80]  }
0x7e: {  	[tilespmem:v3+s20+$0x0] =	vst.idx.msk $0xffff, v17;
	s5 =	sadd.s32 $0x30, s0  }
0x7f: {  	s10 =	sadd.s32 $0x10, s0;
	[tilespmem:v21+s20+$0x0] =	vst.idx.msk $0xffff, v19;
	s28 =	sor.u32 $0x100, s5  }
0x80: {  	v55 =	vadd.s32 $0x4000, v4;
	s30 =	sadd.s32 $0x20, s0;
	s29 =	sor.u32 $0x100, s10;
	v54 =	vld [tilespmem:s28+$0x1000];
	[tilespmem:v13+s20+$0x0] =	vst.idx.msk $0xffff, v22  }
0x81: {  	s15 =	sor.u32 $0x100, s30;
	[tilespmem:v12+s20+$0x0] =	vst.idx.msk $0xffff, v23;
	v56 =	vld [tilespmem:s29+$0x1000]  }
0x82: {  	s16 =	sor.u32 $0x100, s0;
	[tilespmem:v11+s20+$0x0] =	vst.idx.msk $0xffff, v10;
	v57 =	vld [tilespmem:s15+$0x1000]  }
0x83: {  	[tilespmem:v5+s20+$0x0] =	vst.idx.msk $0xffff, v16;
	v58 =	vld [tilespmem:s16+$0x1000]  }
0x84: {  	v59 =	vld [tilespmem:s14+$0x1000];
	[tilespmem:v0+s20+$0x0] =	vst.idx.msk $0xffff, v15  }
0x85: {  	v60 =	vld [tilespmem:s31+$0x1000];
	s5 =	sor.u32 $0x180, s5;
	[tilespmem:v55+s20+$0x0] =	vst.idx.msk $0xffff, v54  }
0x86: {  	v61 =	vadd.s32 $0x6000, v4;
	s17 =	sor.u32 $0x180, s10;
	v3 =	vld [tilespmem:s5+$0x1000];
	[tilespmem:v6+s20+$0x0] =	vst.idx.msk $0xffff, v56  }
0x87: {  	s18 =	sor.u32 $0x180, s30;
	v6 =	vld [tilespmem:s17+$0x1000];
	[tilespmem:v14+s20+$0x0] =	vst.idx.msk $0xffff, v57  }
0x88: {  	s0 =	sor.u32 $0x180, s0;
	[tilespmem:v18+s20+$0x0] =	vst.idx.msk $0xffff, v58;
	v62 =	vld [tilespmem:s18+$0x1000]  }
0x89: {  	[tilespmem:v1+s20+$0x0] =	vst.idx.msk $0xffff, v59;
	v63 =	vld [tilespmem:s0+$0x1000]  }
0x8a: {  	[tilespmem:v2+s20+$0x0] =	vst.idx.msk $0xffff, v60  }
0x8b: {  	[tilespmem:v61+s20+$0x0] =	vst.idx.msk $0xffff, v3  }
0x8c: {  	s21 =	sshll.u32 s1, $0xD;
	[tilespmem:v8+s20+$0x0] =	vst.idx.msk $0xffff, v6  }
0x8d: {  	s6 =	sor.u32 s13, s21;
	[tilespmem:v7+s20+$0x0] =	vst.idx.msk $0xffff, v62  }
0x8e: {  	s0 =	sadd.s32 s4, s6;
	[tilespmem:v9+s20+$0x0] =	vst.idx.msk $0xffff, v63  }
0x8f: {  	[hbm4b:s0+s2] =	stream.linear.scatter [tilespmem:s20], [sflag:$0x3], $0x2000, $0x38;
	[tilespmem:$0x19000] =	vst v63  }
0x90: {  	s23 =	simm.s32 $0xB000;
	p1 =	sne.s32 s1, $0xF;
	s22 =	sadd.s32 s6, s7  }
0x91: {  	[hbm4b:s22+s2] =	stream.linear.scatter [tilespmem:s23], [sflag:$0x3], $0x2000, $0x38;
	[tilespmem:$0x19000] =	vst v63  }
.Ltmp3:
0x92: {  	_ = 	snop;
	(pc) =	sbr.rel @p1 .LBB2_6-.Ltmp3, $4  }
0x93: {  	s28 =	sadd.s32 s6, s8;
	s29 =	simm.s32 $0xD000  }
0x94: {  	[hbm4b:s28+s2] =	stream.linear.scatter [tilespmem:s29], [sflag:$0x3], $0x2000, $0x38;
	[tilespmem:$0x19000] =	vst v63  }
0x95: {  	s30 =	sadd.s32 s6, s9;
	s31 =	simm.s32 $0xF000  }
0x96: {  	[hbm4b:s30+s2] =	stream.linear.scatter [tilespmem:s31], [sflag:$0x3], $0x2000, $0x38;
	[tilespmem:$0x19000] =	vst v63  }
.Ltmp4:
0x97: {  	(pc) =	sbr.rel .LBB2_7-.Ltmp4, $4  }
0x98: {  	_ = 	snop  }
0x99: {  	_ =	swait.ge [sflag:s24], $0x4000  }
0x9a: {  	[sflag:s24] =	ssyncset.done $0x0  }
0x9b: {  	[sflag:s24] =	ssyncadd.s32 $0xFFFFC000  }
.LBB2_6:
0x9c: {  	s0 =	rddreg [dreg:$0x6];
	s5 =	simm.s32 $0x200;
	s10 =	simm.s32 $0x400  }
.Ltmp5:
0x9d: {  	s12 =	simm.s32 $0x1000;
	s0 =	sadd.s32 s3, s0;
	(pc) =	sbr.rel @p0 .LBB2_8-.Ltmp5, $4  }
0x9e: {  	[tilespmem:s12], [sflag:$0x1] =	stream.strided.gather [hbm4b:s0+s5], $0x4000, s10, s5, $0x38;
	[tilespmem:$0x19000] =	vst v63  }
0x9f: {  	_ =	swait.ge [sflag:s24], $0x4000  }
0xa0: {  	[sflag:s24] =	ssyncset.done $0x0  }
0xa1: {  	[sflag:s24] =	ssyncadd.s32 $0xFFFFC000  }
.LBB2_7:
0xa2: {  	_ =	swait.ge [sflag:s25], $0x2000  }
0xa3: {  	[sflag:s25] =	ssyncset.done $0x0  }
0xa4: {  	[sflag:s25] =	ssyncadd.s32 $0xFFFFE000  }
0xa5: {  	_ =	swait.ge [sflag:s25], $0x2000  }
0xa6: {  	[sflag:s25] =	ssyncset.done $0x0  }
0xa7: {  	[sflag:s25] =	ssyncadd.s32 $0xFFFFE000  }
0xa8: {  	_ =	swait.ge [sflag:s25], $0x2000  }
0xa9: {  	[sflag:s25] =	ssyncset.done $0x0  }
0xaa: {  	[sflag:s25] =	ssyncadd.s32 $0xFFFFE000  }
0xab: {  	_ =	swait.ge [sflag:s25], $0x2000  }
0xac: {  	[sflag:s25] =	ssyncset.done $0x0  }
0xad: {  	[sflag:s25] =	ssyncadd.s32 $0xFFFFE000  }
.LBB2_8:
0xae: {  	s0 =	simm.s32 $0x0  }
0xaf: {  	s5 =	sand.u32 $0x40, s0  }
0xb0: {  	s10 =	sand.u32 $0xF80, s0;
	s12 =	sor.u32 $0x30, s5  }
0xb1: {  	s14 =	sor.u32 s12, s10  }
0xb2: {  	v0 =	vld [tilespmem:s14+$0x0]  }
0xb3: {  	s17 =	sor.u32 $0x10, s5  }
0xb4: {  	s15 =	sor.u32 $0x20, s5;
	s16 =	sor.u32 s17, s10  }
0xb5: {  	s10 =	sor.u32 s15, s10;
	v1 =	vld [tilespmem:s16+$0x0]  }
0xb6: {  	s0 =	sand.u32 $0x3E00, s0;
	v2 =	vld [tilespmem:s10+$0x0]  }
0xb7: {  	s0 =	sadd.s32 $0x5000, s0;
	v3 =	vshll.u32 v0, $0x1  }
0xb8: {  	s18 =	sor.u32 s12, s0;
	v0 =	vand.u32 $0x3F, v0;
	v3 =	vand.u32 $0xFFFFFF80, v3  }
0xb9: {  	s21 =	simm.s32 $0x0;
	v4 =	vld [tilespmem:s18+$0x0];
	v5 =	vor.u32 v0, v3  }
0xba: {  	v0 =	vshll.u32 v1, $0x1;
	v3 =	vld [tilespmem:s21+$0x0]  }
0xbb: {  	s22 =	sor.u32 s17, s0;
	v6 =	vshll.u32 v2, $0x1;
	v1 =	vand.u32 $0x3F, v1;
	v0 =	vand.u32 $0xFFFFFF80, v0  }
0xbc: {  	s23 =	sor.u32 s15, s0;
	v7 =	vld [tilespmem:s22+$0x0];
	v2 =	vand.u32 $0x3F, v2;
	v6 =	vand.u32 $0xFFFFFF80, v6;
	v0 =	vor.u32 v1, v0  }
0xbd: {  	v1 =	vor.u32 v2, v6;
	v2 =	vld [tilespmem:s23+$0x0]  }
0xbe: {  	[tilespmem:v5+s26+$0x0] =	vst.idx.msk $0xffff, v4  }
0xbf: {  	p0 =	por $0x0, $0x0;
	s29 =	simm.s32 $0x40;
	s10 =	simm.s32 $0x1;
	v6 =	vadd.s32 $0x2000, v5;
	v8 =	vshll.u32 v3, $0x1;
	v4 =	vld [tilespmem:s18+$0x80]  }
0xc0: {  	s5 =	sor.u32 s5, s0;
	s15 =	sand.u32 $0x40, s29;
	s10 =	simm.s32 @!p0 $0x0;
	v3 =	vand.u32 $0x3F, v3;
	v8 =	vand.u32 $0xFFFFFF80, v8  }
0xc1: {  	v9 =	vld [tilespmem:s5+$0x0];
	s17 =	sor.u32 $0x10, s15;
	s28 =	sshll.u32 s10, $0x6;
	s10 =	sand.u32 $0xF80, s29;
	[tilespmem:v0+s26+$0x0] =	vst.idx.msk $0xffff, v7;
	v7 =	vor.u32 v3, v8  }
0xc2: {  	s14 =	sor.u32 $0x30, s15;
	s0 =	sadd.s32 $0x0, s28;
	[tilespmem:v1+s26+$0x0] =	vst.idx.msk $0xffff, v2;
	v2 =	vadd.s32 $0x2000, v0;
	v3 =	vld [tilespmem:s22+$0x80];
	s22 =	sor.u32 s17, s10  }
0xc3: {  	s30 =	sadd.s32 $0x30, s0;
	s18 =	sor.u32 s14, s10;
	v11 =	vld [tilespmem:s22+$0x0]  }
0xc4: {  	s21 =	sor.u32 $0x100, s30;
	v10 =	vld [tilespmem:s18+$0x0];
	[tilespmem:v6+s26+$0x0] =	vst.idx.msk $0xffff, v4  }
0xc5: {  	v6 =	vadd.s32 $0x4000, v5;
	v4 =	vld [tilespmem:s21+$0x5000]  }
0xc6: {  	s12 =	simm.s32 $0x100;
	v8 =	vld [tilespmem:s23+$0x80];
	s21 =	sor.u32 $0x20, s15;
	[tilespmem:v7+s26+$0x0] =	vst.idx.msk $0xffff, v9  }
0xc7: {  	s28 =	sand.u32 $0x3E00, s12;
	s18 =	sadd.s32 $0x10, s0;
	s10 =	sor.u32 s21, s10;
	[tilespmem:v2+s26+$0x0] =	vst.idx.msk $0xffff, v3;
	v2 =	vld [tilespmem:s5+$0x80]  }
0xc8: {  	v18 =	vadd.s32 $0x6000, v5;
	v13 =	vadd.s32 $0x2000, v1;
	s23 =	sor.u32 $0x100, s18;
	s22 =	sadd.s32 $0x5000, s28;
	v9 =	vld [tilespmem:s10+$0x0];
	v5 =	vshll.u32 v11, $0x1  }
0xc9: {  	v12 =	vadd.s32 $0x4000, v0;
	s5 =	sor.u32 s15, s22;
	s15 =	sor.u32 s17, s22;
	v14 =	vld [tilespmem:s23+$0x5000];
	v11 =	vand.u32 $0x3F, v11;
	v5 =	vand.u32 $0xFFFFFF80, v5  }
0xca: {  	s29 =	sor.u32 $0x180, s30;
	s30 =	simm.s32 $0x40;
	v22 =	vld [tilespmem:s15+$0x0];
	v11 =	vor.u32 v11, v5;
	[tilespmem:v6+s26+$0x0] =	vst.idx.msk $0xffff, v4;
	v4 =	vshll.u32 v10, $0x1  }
0xcb: {  	v16 =	vld [tilespmem:s30+$0x0];
	s14 =	sor.u32 s14, s22;
	v6 =	vadd.s32 $0x2000, v7;
	v10 =	vand.u32 $0x3F, v10;
	v4 =	vand.u32 $0xFFFFFF80, v4  }
0xcc: {  	v19 =	vld [tilespmem:s14+$0x0];
	v4 =	vor.u32 v10, v4  }
0xcd: {  	v0 =	vadd.s32 $0x6000, v0;
	[tilespmem:v13+s26+$0x0] =	vst.idx.msk $0xffff, v8;
	s10 =	sor.u32 s21, s22;
	v15 =	vld [tilespmem:s29+$0x5000];
	v17 =	vshll.u32 v9, $0x1  }
0xce: {  	v3 =	vadd.s32 $0x4000, v1;
	s23 =	sadd.s32 $0x20, s0;
	v24 =	vld [tilespmem:s10+$0x0];
	v8 =	vand.u32 $0x3F, v9;
	[tilespmem:v12+s26+$0x0] =	vst.idx.msk $0xffff, v14;
	v9 =	vand.u32 $0xFFFFFF80, v17  }
0xcf: {  	v1 =	vadd.s32 $0x6000, v1;
	s28 =	sor.u32 $0x100, s23;
	v5 =	vadd.s32 $0x4000, v7;
	v10 =	vld [tilespmem:s5+$0x0];
	v23 =	vor.u32 v8, v9;
	[tilespmem:v11+s26+$0x0] =	vst.idx.msk $0xffff, v22  }
0xd0: {  	v13 =	vadd.s32 $0x2000, v11;
	s29 =	sor.u32 $0x100, s0;
	v17 =	vld [tilespmem:s28+$0x5000];
	v21 =	vadd.s32 $0x2000, v4;
	v9 =	vand.u32 $0x3F, v16;
	[tilespmem:v6+s26+$0x0] =	vst.idx.msk $0xffff, v2  }
0xd1: {  	p0 =	por !p0, !p0;
	s30 =	sor.u32 $0x180, s18;
	s18 =	simm.s32 $0x1;
	v2 =	vadd.s32 $0x6000, v7;
	v6 =	vadd.s32 $0x4000, v11;
	v7 =	vshll.u32 v16, $0x1;
	v16 =	vld [tilespmem:s29+$0x5000];
	[tilespmem:v4+s26+$0x0] =	vst.idx.msk $0xffff, v19  }
0xd2: {  	s18 =	simm.s32 @!p0 $0x0;
	v12 =	vadd.s32 $0x2000, v23;
	v14 =	vadd.s32 $0x4000, v23;
	[tilespmem:v18+s26+$0x0] =	vst.idx.msk $0xffff, v15;
	v15 =	vand.u32 $0xFFFFFF80, v7;
	v19 =	vld [tilespmem:s14+$0x80]  }
0xd3: {  	s18 =	sshll.u32 s18, $0x6;
	s17 =	simm.s32 $0x80;
	v8 =	vadd.s32 $0x6000, v23;
	v22 =	vld [tilespmem:s15+$0x80];
	v7 =	vadd.s32 $0x6000, v11;
	v20 =	vor.u32 v9, v15  }
0xd4: {  	s31 =	sor.u32 $0x180, s23;
	s0 =	sor.u32 $0x180, s0;
	v15 =	vld [tilespmem:s30+$0x5000];
	s14 =	simm.s32 $0x4;
	v11 =	vadd.s32 $0x2000, v20;
	v18 =	vadd.s32 $0x4000, v20;
	v9 =	vadd.s32 $0x6000, v20;
	[tilespmem:v23+s26+$0x0] =	vst.idx.msk $0xffff, v24  }
.LBB2_9:
0xd5: {  	s15 =	sand.u32 $0xF80, s17;
	s16 =	sadd.s32 s18, s12;
	v23 =	vld [tilespmem:s10+$0x80];
	[tilespmem:v3+s26+$0x0] =	vst.idx.msk $0xffff, v17;
	v3 =	vmov v14  }
0xd6: {  	s10 =	sand.u32 $0x40, s17;
	s14 =	sadd.s32 $0x4, s14;
	s22 =	sadd.s32 $0x30, s16;
	[tilespmem:v5+s26+$0x0] =	vst.idx.msk $0xffff, v16;
	v14 =	vld [tilespmem:s31+$0x5000];
	v5 =	vmov v18  }
0xd7: {  	s23 =	sor.u32 $0x30, s10;
	p1 =	slt.u32 s14, $0xFC;
	[tilespmem:v21+s26+$0x0] =	vst.idx.msk $0xffff, v19;
	s18 =	sor.u32 $0x100, s22;
	v16 =	vld [tilespmem:s0+$0x5000]  }
0xd8: {  	v17 =	vadd.s32 $0x4000, v4;
	s28 =	sor.u32 $0x10, s10;
	s29 =	sor.u32 $0x20, s10;
	s0 =	sor.u32 s23, s15;
	[tilespmem:v20+s26+$0x0] =	vst.idx.msk $0xffff, v10;
	v10 =	vld [tilespmem:s18+$0x5000]  }
0xd9: {  	s18 =	sor.u32 s28, s15;
	s15 =	sor.u32 s29, s15;
	v18 =	vld [tilespmem:s0+$0x0];
	[tilespmem:v13+s26+$0x0] =	vst.idx.msk $0xffff, v22;
	s0 =	sadd.s32 $0x10, s16  }
0xda: {  	s21 =	sor.u32 $0x100, s16;
	s31 =	sadd.s32 $0x20, s16;
	v13 =	vld [tilespmem:s18+$0x0];
	s30 =	sor.u32 $0x100, s0;
	[tilespmem:v12+s26+$0x0] =	vst.idx.msk $0xffff, v23  }
0xdb: {  	s18 =	sor.u32 $0x180, s0;
	v12 =	vld [tilespmem:s15+$0x0];
	s15 =	sor.u32 $0x100, s31;
	s31 =	sor.u32 $0x180, s31;
	[tilespmem:v0+s26+$0x0] =	vst.idx.msk $0xffff, v15;
	v0 =	vmov v7  }
0xdc: {  	s12 =	sadd.s32 $0x100, s12;
	s0 =	sor.u32 $0x180, s16;
	v7 =	vld [tilespmem:s5+$0x80];
	[tilespmem:v1+s26+$0x0] =	vst.idx.msk $0xffff, v14;
	v1 =	vmov v8  }
0xdd: {  	s22 =	sor.u32 $0x180, s22;
	s16 =	sand.u32 $0x3E00, s12;
	s5 =	sshra.s32 s12, $0x2;
	v8 =	vld [tilespmem:s30+$0x5000];
	[tilespmem:v17+s26+$0x0] =	vst.idx.msk $0xffff, v10  }
0xde: {  	s16 =	sadd.s32 $0x5000, s16;
	v15 =	vadd.s32 $0x6000, v4;
	v10 =	vshll.u32 v18, $0x1;
	v14 =	vld [tilespmem:s22+$0x5000];
	[tilespmem:v2+s26+$0x0] =	vst.idx.msk $0xffff, v16;
	v2 =	vmov v9  }
0xdf: {  	s23 =	sor.u32 s23, s16;
	s22 =	sor.u32 s28, s16;
	v16 =	vand.u32 $0x3F, v18;
	v9 =	vld [tilespmem:s5+$0x0];
	s5 =	sor.u32 s10, s16;
	v4 =	vshll.u32 v13, $0x1;
	v10 =	vand.u32 $0xFFFFFF80, v10  }
0xe0: {  	s10 =	sor.u32 s29, s16;
	v17 =	vand.u32 $0xFFFFFF80, v4;
	v18 =	vshll.u32 v12, $0x1;
	v19 =	vld [tilespmem:s23+$0x0];
	v4 =	vor.u32 v16, v10  }
0xe1: {  	v13 =	vand.u32 $0x3F, v13;
	v12 =	vand.u32 $0x3F, v12;
	v10 =	vld [tilespmem:s5+$0x0];
	v16 =	vand.u32 $0xFFFFFF80, v18;
	[tilespmem:v11+s26+$0x0] =	vst.idx.msk $0xffff, v7  }
0xe2: {  	v23 =	vor.u32 v13, v17;
	v22 =	vld [tilespmem:s22+$0x0];
	v24 =	vor.u32 v12, v16;
	[tilespmem:v6+s26+$0x0] =	vst.idx.msk $0xffff, v8  }
0xe3: {  	v13 =	vadd.s32 $0x2000, v23;
	v6 =	vadd.s32 $0x4000, v23;
	v25 =	vld [tilespmem:s10+$0x0];
	v12 =	vadd.s32 $0x2000, v24;
	[tilespmem:v15+s26+$0x0] =	vst.idx.msk $0xffff, v14  }
.Ltmp6:
0xe4: {  	v14 =	vadd.s32 $0x4000, v24;
	v11 =	vand.u32 $0x3F, v9;
	v7 =	vshll.u32 v9, $0x1;
	v17 =	vld [tilespmem:s15+$0x5000];
	(pc) =	sbr.rel @p1 .LBB2_9-.Ltmp6, $4  }
0xe5: {  	v8 =	vadd.s32 $0x6000, v24;
	v9 =	vand.u32 $0xFFFFFF80, v7;
	v7 =	vadd.s32 $0x6000, v23;
	[tilespmem:v4+s26+$0x0] =	vst.idx.msk $0xffff, v19;
	v16 =	vld [tilespmem:s21+$0x5000]  }
0xe6: {  	p0 =	por !p0, !p0;
	v21 =	vadd.s32 $0x2000, v4;
	s15 =	simm.s32 $0x1;
	v20 =	vor.u32 v11, v9;
	v19 =	vld [tilespmem:s23+$0x80]  }
0xe7: {  	s15 =	simm.s32 @!p0 $0x0;
	v11 =	vadd.s32 $0x2000, v20;
	v18 =	vadd.s32 $0x4000, v20;
	v9 =	vadd.s32 $0x6000, v20;
	[tilespmem:v23+s26+$0x0] =	vst.idx.msk $0xffff, v22;
	v15 =	vld [tilespmem:s18+$0x5000]  }
0xe8: {  	s17 =	sadd.s32 $0x40, s17;
	s18 =	sshll.u32 s15, $0x6;
	v22 =	vld [tilespmem:s22+$0x80];
	[tilespmem:v24+s26+$0x0] =	vst.idx.msk $0xffff, v25  }
0xe9: {  	_ =	sdelay $0x3  }
0xea: {  	v23 =	vld [tilespmem:s10+$0x80];
	[tilespmem:v20+s26+$0x0] =	vst.idx.msk $0xffff, v10  }
0xeb: {  	s22 =	sadd.s32 s18, s12;
	v10 =	vld [tilespmem:s5+$0x80]  }
0xec: {  	[tilespmem:v3+s26+$0x0] =	vst.idx.msk $0xffff, v17;
	s23 =	sadd.s32 $0x30, s22  }
0xed: {  	s14 =	sadd.s32 $0x10, s22;
	[tilespmem:v21+s26+$0x0] =	vst.idx.msk $0xffff, v19;
	s28 =	sor.u32 $0x100, s23  }
0xee: {  	v55 =	vadd.s32 $0x4000, v4;
	s15 =	sadd.s32 $0x20, s22;
	s29 =	sor.u32 $0x100, s14;
	v54 =	vld [tilespmem:s28+$0x5000];
	[tilespmem:v13+s26+$0x0] =	vst.idx.msk $0xffff, v22  }
0xef: {  	s16 =	sor.u32 $0x100, s15;
	[tilespmem:v12+s26+$0x0] =	vst.idx.msk $0xffff, v23;
	v56 =	vld [tilespmem:s29+$0x5000]  }
0xf0: {  	s30 =	sor.u32 $0x100, s22;
	[tilespmem:v11+s26+$0x0] =	vst.idx.msk $0xffff, v10;
	v57 =	vld [tilespmem:s16+$0x5000]  }
0xf1: {  	[tilespmem:v5+s26+$0x0] =	vst.idx.msk $0xffff, v16;
	v58 =	vld [tilespmem:s30+$0x5000]  }
0xf2: {  	v59 =	vld [tilespmem:s31+$0x5000];
	[tilespmem:v0+s26+$0x0] =	vst.idx.msk $0xffff, v15  }
0xf3: {  	v60 =	vld [tilespmem:s0+$0x5000];
	s12 =	sor.u32 $0x180, s23;
	[tilespmem:v55+s26+$0x0] =	vst.idx.msk $0xffff, v54  }
0xf4: {  	v61 =	vadd.s32 $0x6000, v4;
	s16 =	sor.u32 $0x180, s14;
	v3 =	vld [tilespmem:s12+$0x5000];
	[tilespmem:v6+s26+$0x0] =	vst.idx.msk $0xffff, v56  }
0xf5: {  	s17 =	sor.u32 $0x180, s15;
	v6 =	vld [tilespmem:s16+$0x5000];
	[tilespmem:v14+s26+$0x0] =	vst.idx.msk $0xffff, v57  }
0xf6: {  	s18 =	sor.u32 $0x180, s22;
	[tilespmem:v18+s26+$0x0] =	vst.idx.msk $0xffff, v58;
	v62 =	vld [tilespmem:s17+$0x5000]  }
0xf7: {  	[tilespmem:v1+s26+$0x0] =	vst.idx.msk $0xffff, v59;
	v63 =	vld [tilespmem:s18+$0x5000]  }
0xf8: {  	[tilespmem:v2+s26+$0x0] =	vst.idx.msk $0xffff, v60  }
0xf9: {  	[tilespmem:v61+s26+$0x0] =	vst.idx.msk $0xffff, v3  }
0xfa: {  	[tilespmem:v7+s26+$0x0] =	vst.idx.msk $0xffff, v6  }
0xfb: {  	s21 =	sor.u32 $0x1000, s6;
	[tilespmem:v8+s26+$0x0] =	vst.idx.msk $0xffff, v62  }
0xfc: {  	s22 =	sadd.s32 s4, s21;
	[tilespmem:v9+s26+$0x0] =	vst.idx.msk $0xffff, v63  }
0xfd: {  	[hbm4b:s22+s2] =	stream.linear.scatter [tilespmem:s26], [sflag:$0x4], $0x2000, $0x38;
	[tilespmem:$0x19000] =	vst v63  }
0xfe: {  	p0 =	seq.s32 s1, $0xF;
	s23 =	sadd.s32 s21, s7;
	s28 =	simm.s32 $0x13000  }
0xff: {  	[hbm4b:s23+s2] =	stream.linear.scatter [tilespmem:s28], [sflag:$0x4], $0x2000, $0x38;
	[tilespmem:$0x19000] =	vst v63  }
.Ltmp7:
0x100: {  	_ = 	snop;
	(pc) =	sbr.rel @p0 .LBB2_12-.Ltmp7, $4  }
0x101: {  	s29 =	sadd.s32 s21, s8;
	s30 =	simm.s32 $0x15000  }
0x102: {  	[hbm4b:s29+s2] =	stream.linear.scatter [tilespmem:s30], [sflag:$0x4], $0x2000, $0x38;
	[tilespmem:$0x19000] =	vst v63  }
0x103: {  	s31 =	simm.s32 $0x17000;
	s0 =	sadd.s32 s21, s9  }
0x104: {  	[hbm4b:s0+s2] =	stream.linear.scatter [tilespmem:s31], [sflag:$0x4], $0x2000, $0x38;
	[tilespmem:$0x19000] =	vst v63  }
.Ltmp8:
0x105: {  	(pc) =	sbr.rel .LBB2_2-.Ltmp8, $4  }
0x106: {  	_ = 	snop  }
0x107: {  	s0 =	sadd.s32 s3, s11;
	s31 =	simm.s32 $0x200  }
0x108: {  	s5 =	simm.s32 $0x400;
	s6 =	simm.s32 $0x5000;
	s1 =	sadd.s32 $0x1, s1  }
0x109: {  	[tilespmem:s6], [sflag:$0x2] =	stream.strided.gather [hbm4b:s0+s31], $0x4000, s5, s31, $0x38;
	[tilespmem:$0x19000] =	vst v63  }
.LBB2_13:
0x10a: {  	_ =	sfence.sel $0x180000  }
0x10b: {  	[bflag:$0x0] =	sbarrier.arrive $0xFFFF  }
0x10c: {  	_ =	strace $0x9000004A  }
0x10d: {  	s0 =	stileid.u32;
	[bflag:$0x2] =	sbarrier.arrive $0xFFFF  }
0x10e: {  	p0 =	sne.s32 s0, $0x0;
	s0 =	rddreg [dreg:$0x2]  }
0x10f: {  	s0 =	sadd.s32 @!p0 $0x100000, s0  }
0x110: {  	[sflag:s0] =	ssyncadd.tile.s32 @!p0 $0x1;
	_ =	shalt  }
.Lfunc_end2:
_tile_overlayer_lowered:
.L_overlay_start_2:
0x111: {  	(tag) =	ssettag $0x2  }
0x112: {  	s0 =	rddreg [dreg:$0x0];
	s2 =	stileid.u32  }
0x113: {  	s1 =	rddreg [dreg:$0x1];
	p0 =	sne.s32 s2, $0x0  }
0x114: {  	s3 =	rddreg [dreg:$0x2];
	[bflag:$0x3] =	sbarrier.arrive $0xFFFF;
	s2 =	simm.s32 @!p0 $0x1C05  }
0x115: {  	[timem:s3], [sflag:s2] =	dma.local @!p0 [hbm:s0], s1  }
0x116: {  	s0 =	simm.s32 @!p0 $0x5  }
0x117: {  	_ =	swait.ge @!p0 [sflag:s0], s1  }
0x118: {  	s1 =	ssub.s32 @!p0 $0x0, s1;
	[sflag:s0] =	ssyncset.done @!p0 $0x0  }
0x119: {  	[sflag:s0] =	ssyncadd.s32 @!p0 s1  }
0x11a: {  	[bflag:$0x3] =	sbarrier.arrive $0xFFFF  }
0x11b: {  	_ =	shalt  }

</sc_bundles>
